<compile_context>
chip_gen: v7x
topology: tpu7x:2x2x1
jax: 0.10.2.dev20260603
libtpu: 0.0.44.dev20260713+nightly
codegen_flags: <defaults>
</compile_context>

<pallas_src>
import functools

import jax
import jax.numpy as jnp
from jax import lax
from jax.experimental import pallas as pl
from jax.experimental.pallas import tpu as pltpu
from jax.experimental.pallas import tpu_sc as plsc

_NC = 2
_NS = 16
_NW = _NC * _NS
_L = 16


def _pre_body(xt_ref, asrc_ref, adst_ref, Watt_ref, Wstate_ref, WoutT_ref,
              tab_ref, c_ref):
    N = xt_ref.shape[1]
    Np = tab_ref.shape[1]
    rhsT = (((1,), (1,)), ((), ()))
    wsT = lax.dot_general(asrc_ref[...], Watt_ref[...], rhsT,
                          preferred_element_type=jnp.float32)
    wdT = lax.dot_general(adst_ref[...], Watt_ref[...], rhsT,
                          preferred_element_type=jnp.float32)
    s0_t = jnp.dot(wsT, xt_ref[...], preferred_element_type=jnp.float32)
    s1_t = jnp.dot(wdT, xt_ref[...], preferred_element_type=jnp.float32)
    P = lax.dot_general(Wstate_ref[...], WoutT_ref[...], rhsT,
                        preferred_element_type=jnp.float32)
    mp_t = lax.dot_general(
        P, xt_ref[0:2, :], (((0,), (0,)), ((), ())),
        preferred_element_type=jnp.float32)
    tab_ref[0:1, 0:N] = s0_t
    tab_ref[1:2, 0:N] = s1_t
    tab_ref[2:4, 0:N] = mp_t
    c = jnp.maximum(jnp.max(s0_t) + jnp.max(s1_t), 0.0)
    tab_ref[4:8, :] = jnp.zeros((4, Np), jnp.float32)
    c_ref[...] = jnp.full((1, _L), c, jnp.float32)


def _make_fin_kernel(N, Np):
    NB = 640
    ACT = Np // NB
    NG = NB // _L
    FULL = N // NB
    REM = N - FULL * NB
    RG = REM // _L
    mesh = plsc.VectorSubcoreMesh(core_axis_name="c", subcore_axis_name="s")

    @functools.partial(
        pl.kernel,
        mesh=mesh,
        out_type=jax.ShapeDtypeStruct((2 * N,), jnp.float32),
        compiler_params=pltpu.CompilerParams(needs_layout_passes=False),
        scratch_types=[
            pltpu.VMEM((_NW, NB), jnp.float32),
            pltpu.VMEM((_NW, NB), jnp.float32),
            pltpu.VMEM((_NW, NB), jnp.float32),
            pltpu.VMEM((2 * NB,), jnp.float32),
        ],
    )
    def fin_kernel(den_hbm, n0_hbm, n1_hbm, y_hbm, den_v, n0_v, n1_v, out_v):
        wid = lax.axis_index("s") * _NC + lax.axis_index("c")
        nb = wid * NB

        @pl.when(wid <= FULL)
        def _():
            pltpu.sync_copy(den_hbm.at[:, pl.ds(nb, NB)], den_v)
            pltpu.sync_copy(n0_hbm.at[:, pl.ds(nb, NB)], n0_v)
            pltpu.sync_copy(n1_hbm.at[:, pl.ds(nb, NB)], n1_v)
            ng = jnp.where(wid == FULL, RG, NG)
            iota2 = lax.iota(jnp.int32, _L) * 2

            @plsc.parallel_loop(0, ng, unroll=1)
            def _(g):
                o = g * _L
                den = den_v[0, pl.ds(o, _L)]
                s0 = n0_v[0, pl.ds(o, _L)]
                s1 = n1_v[0, pl.ds(o, _L)]
                for k in range(1, _NW):
                    den = den + den_v[k, pl.ds(o, _L)]
                    s0 = s0 + n0_v[k, pl.ds(o, _L)]
                    s1 = s1 + n1_v[k, pl.ds(o, _L)]
                den = den + 1e-16
                z0 = s0 / den
                z1 = s1 / den
                t0 = 1.0 - 2.0 / (jnp.exp(2.0 * z0) + 1.0)
                t1 = 1.0 - 2.0 / (jnp.exp(2.0 * z1) + 1.0)
                idx = o * 2 + iota2
                plsc.store_scatter(out_v, [idx], t0)
                plsc.store_scatter(out_v, [idx + 1], t1)

        @pl.when(wid < FULL)
        def _():
            pltpu.sync_copy(out_v, y_hbm.at[pl.ds(2 * nb, 2 * NB)])

        @pl.when(wid == FULL)
        def _():
            pltpu.sync_copy(out_v.at[pl.ds(0, 2 * REM)],
                            y_hbm.at[pl.ds(2 * nb, 2 * REM)])

    return fin_kernel


def _make_edge_kernel(Np, ET):
    TB = ET // _NW
    XT = ET - TB * _NW
    mesh = plsc.VectorSubcoreMesh(core_axis_name="c", subcore_axis_name="s")

    @functools.partial(
        pl.kernel,
        mesh=mesh,
        out_type=[jax.ShapeDtypeStruct((_NW, Np), jnp.float32)] * 3,
        compiler_params=pltpu.CompilerParams(needs_layout_passes=False),
        scratch_types=[
            pltpu.VMEM((4 * Np,), jnp.float32),
            pltpu.VMEM((_L,), jnp.float32),
            pltpu.VMEM((TB + 1, 2, 128), jnp.int32),
            pltpu.VMEM((Np,), jnp.float32),
            pltpu.VMEM((Np,), jnp.float32),
            pltpu.VMEM((Np,), jnp.float32),
            pltpu.SemaphoreType.DMA,
        ],
    )
    def edge_kernel(tab_hbm, c_hbm, ei_hbm, den_out, n0_out, n1_out,
                    tab_v, c_v, slab_v, den_v, n0_v, n1_v, sem):
        wid = lax.axis_index("s") * _NC + lax.axis_index("c")
        t0 = wid * TB
        copies = [
            pltpu.async_copy(tab_hbm.at[r], tab_v.at[pl.ds(r * Np, Np)], sem)
            for r in range(4)
        ]
        copies.append(pltpu.async_copy(c_hbm, c_v, sem))
        copies.append(pltpu.async_copy(
            ei_hbm.at[pl.ds(t0, TB)], slab_v.at[pl.ds(0, TB)], sem))

        @pl.when(wid >= _NW - XT)
        def _():
            te = ET - _NW + wid
            pltpu.sync_copy(ei_hbm.at[pl.ds(te, 1)], slab_v.at[pl.ds(TB, 1)])

        zeros = jnp.zeros((_L,), jnp.float32)

        @plsc.parallel_loop(0, Np // _L, unroll=8)
        def _(j):
            o = j * _L
            den_v[pl.ds(o, _L)] = zeros
            n0_v[pl.ds(o, _L)] = zeros
            n1_v[pl.ds(o, _L)] = zeros

        for cp in copies:
            cp.wait()
        cv = c_v[...]

        def do_group(j, o):
            isrc = slab_v[j, 0, pl.ds(o, _L)]
            idst = slab_v[j, 1, pl.ds(o, _L)]
            a_s = plsc.load_gather(tab_v, [isrc])
            a_d = plsc.load_gather(tab_v, [idst + Np])
            m0 = plsc.load_gather(tab_v, [isrc + 2 * Np])
            m1 = plsc.load_gather(tab_v, [isrc + 3 * Np])
            s = a_s + a_d
            e = jnp.where(s >= 0.0, s, s * 0.2)
            w = jnp.exp(e - cv)
            plsc.addupdate_scatter(den_v, [idst], w)
            plsc.addupdate_scatter(n0_v, [idst], w * m0)
            plsc.addupdate_scatter(n1_v, [idst], w * m1)

        @plsc.parallel_loop(0, TB, unroll=2)
        def _(j):
            for k in range(8):
                do_group(j, k * _L)

        @pl.when(wid >= _NW - XT)
        def _():
            for k in range(8):
                do_group(TB, k * _L)

        pltpu.sync_copy(den_v, den_out.at[wid])
        pltpu.sync_copy(n0_v, n0_out.at[wid])
        pltpu.sync_copy(n1_v, n1_out.at[wid])

    return edge_kernel


def kernel(x, edge_index, W_att, a_src, a_dst, W_state, W_out):
    N = x.shape[0]
    E = edge_index.shape[1]
    Np = ((N + 1279) // 1280) * 1280
    ET = E // 128

    xt = x.T
    ei3 = edge_index.reshape(2, ET, 128).transpose(1, 0, 2)

    tab, c16 = pl.pallas_call(
        _pre_body,
        out_shape=[
            jax.ShapeDtypeStruct((8, Np), jnp.float32),
            jax.ShapeDtypeStruct((1, _L), jnp.float32),
        ],
    )(xt, a_src[None, :], a_dst[None, :], W_att, W_state, W_out.T)

    den_p, n0_p, n1_p = _make_edge_kernel(Np, ET)(tab, c16.reshape(-1), ei3)

    return _make_fin_kernel(N, Np)(den_p, n0_p, n1_p)

# --- scband reference (transcript-rebuilt; emitter-appended) ---
"""Pipeline reference for scband-policy-v2-3530463117664 (READ-ONLY COPY).

The authoritative reference and input builder live on the scoring server;
editing this copy changes nothing except your own understanding.
"""

import jax, jax.numpy as jnp
import numpy as np

N = 10000
E = 320000
HID = 512


def _glorot(key, shape):
    fan_in, fan_out = shape[0], shape[-1]
    lim = np.sqrt(6.0 / (fan_in + fan_out))
    return jax.random.uniform(key, shape, jnp.float32, -lim, lim)


def setup_inputs(seed: int = 0) -> dict:
    key = jax.random.key(seed)
    k1, k2, k3, k4, k5, k6, k7 = jax.random.split(key, 7)
    x = jax.random.normal(k1, (N, 4), jnp.float32)
    edge_index = jax.random.randint(k2, (2, E), 0, N, jnp.int32)
    # ActorNetV2 params: GAT-style attention over concat(state, phase) feats,
    # messages aggregated in state space (state_channels=2 -> 512)
    W_att = _glorot(k3, (4, HID))
    a_src = jax.random.normal(k4, (HID,), jnp.float32) * np.sqrt(1.0 / HID)
    a_dst = jax.random.normal(k5, (HID,), jnp.float32) * np.sqrt(1.0 / HID)
    W_state = _glorot(k6, (2, HID))
    # linear_out: 512 -> 2, no bias, glorot
    W_out = _glorot(k7, (HID, 2))
    return {"x": x, "edge_index": edge_index, "W_att": W_att, "a_src": a_src,
            "a_dst": a_dst, "W_state": W_state, "W_out": W_out}


def reference(x, edge_index, W_att, a_src, a_dst, W_state, W_out):
    src = edge_index[0]
    dst = edge_index[1]
    # attention keys from full features (state + desired-phase encodings)
    h = x @ W_att                                    # [N, 512]
    alpha_src = h @ a_src                            # [N]
    alpha_dst = h @ a_dst                            # [N]
    e = jax.nn.leaky_relu(jnp.take(alpha_src, src) + jnp.take(alpha_dst, dst), 0.2)  # [E]
    # segment softmax over incoming edges of each dst node
    e_max = jax.ops.segment_max(e, dst, num_segments=N)
    e_exp = jnp.exp(e - jnp.take(e_max, dst))
    denom = jax.ops.segment_sum(e_exp, dst, num_segments=N)
    alpha = e_exp / (jnp.take(denom, dst) + 1e-16)   # [E]
    # aggregate features in state space (first 2 cols), lifted to hidden dim
    m = x[:, 0:2] @ W_state                          # [N, 512]
    msgs = jnp.take(m, src, axis=0) * alpha[:, None]  # [E, 512] gather
    out_nodes = jax.ops.segment_sum(msgs, dst, num_segments=N)  # [N, 512] scatter-add
    # squeeze heads (heads=1), linear_out (no bias), tanh, ravel
    act = jnp.tanh(out_nodes @ W_out)                # [N, 2]
    return act.ravel()                               # [N*2]

if __name__ == "__main__":
    import jax
    _d = setup_inputs()
    print(jax.jit(kernel)(*tuple(_d.values())))

</pallas_src>

<mosaic_0001>
#map = affine_map<(d0, d1) -> (0, 0)>
#map1 = affine_map<(d0, d1) -> (0)>
module attributes {stable_mosaic.version = 14 : i64} {
  func.func @fin_kernel(%arg0: i32, %arg1: i32, %arg2: memref<32x10240xf32, #tpu.memory_space<hbm>>, %arg3: memref<32x10240xf32, #tpu.memory_space<hbm>>, %arg4: memref<32x10240xf32, #tpu.memory_space<hbm>>, %arg5: memref<20000xf32, #tpu.memory_space<hbm>>, %arg6: memref<32x640xf32, #tpu.memory_space<vmem>>, %arg7: memref<32x640xf32, #tpu.memory_space<vmem>>, %arg8: memref<32x640xf32, #tpu.memory_space<vmem>>, %arg9: memref<1280xf32, #tpu.memory_space<vmem>>) attributes {dimension_semantics = [#tpu.dimension_semantics<core_parallel>, #tpu.dimension_semantics<subcore_parallel>], iteration_bounds = array<i64: 2, 16>, scalar_prefetch = 0 : i64, scratch_operands = 4 : i64, tpu.core_type = #tpu.core_type<sc_vector_subcore>, window_params = [{transform_indices = #map}, {transform_indices = #map}, {transform_indices = #map}, {transform_indices = #map1}]} {
    %mul3A = arith.constant 2 : i32
    %mul3A_0 = arith.muli %arg1, %mul3A : i32
    %add3A = arith.addi %mul3A_0, %arg0 : i32
    %mul3A_1 = arith.constant 640 : i32
    %mul3A_2 = arith.muli %add3A, %mul3A_1 : i32
    %le3A = arith.constant 15 : i32
    %le3A_3 = arith.cmpi sle, %add3A, %le3A : i32
    %convert_element_type3A = arith.extui %le3A_3 : i1 to i32
    %cond3A = arith.constant 0 : i32
    %cond3A_4 = arith.cmpi ne, %convert_element_type3A, %cond3A : i32
    scf.if %cond3A_4 {
      "tpu.region"() ({
        %run_scoped3A = tpu.sem_alloc : memref<!tpu.dma_semaphore, #tpu.memory_space<semaphore_mem>>
        %dma_start3A = arith.constant 0 : i32
        %dma_start3A_20 = tpu.memref_slice %arg2[%dma_start3A, %mul3A_2] : memref<32x10240xf32, #tpu.memory_space<hbm>> -> memref<32x640xf32, #tpu.memory_space<hbm>>
        %dma_start3A_21 = arith.constant 0 : i32
        %dma_start3A_22 = tpu.memref_slice %arg2[%dma_start3A_21, %mul3A_2] : memref<32x10240xf32, #tpu.memory_space<hbm>> -> memref<32x640xf32, #tpu.memory_space<hbm>>
        tpu.enqueue_dma source(%dma_start3A_22 : memref<32x640xf32, #tpu.memory_space<hbm>>) target(%arg6 : memref<32x640xf32, #tpu.memory_space<vmem>>) target_semaphore(%run_scoped3A : memref<!tpu.dma_semaphore, #tpu.memory_space<semaphore_mem>>)
        %dma_wait3A = arith.constant 0 : i32
        %dma_wait3A_23 = tpu.memref_slice %arg2[%dma_wait3A, %mul3A_2] : memref<32x10240xf32, #tpu.memory_space<hbm>> -> memref<32x640xf32, #tpu.memory_space<hbm>>
        %dma_wait3A_24 = arith.constant 0 : i32
        %dma_wait3A_25 = tpu.memref_slice %arg2[%dma_wait3A_24, %mul3A_2] : memref<32x10240xf32, #tpu.memory_space<hbm>> -> memref<32x640xf32, #tpu.memory_space<hbm>>
        tpu.wait_dma2 semaphore(%run_scoped3A : memref<!tpu.dma_semaphore, #tpu.memory_space<semaphore_mem>>) src(%dma_wait3A_25 : memref<32x640xf32, #tpu.memory_space<hbm>>) dst(%arg6 : memref<32x640xf32, #tpu.memory_space<vmem>>)
        tpu.yield
      }) : () -> ()
      "tpu.region"() ({
        %run_scoped3A = tpu.sem_alloc : memref<!tpu.dma_semaphore, #tpu.memory_space<semaphore_mem>>
        %dma_start3A = arith.constant 0 : i32
        %dma_start3A_20 = tpu.memref_slice %arg3[%dma_start3A, %mul3A_2] : memref<32x10240xf32, #tpu.memory_space<hbm>> -> memref<32x640xf32, #tpu.memory_space<hbm>>
        %dma_start3A_21 = arith.constant 0 : i32
        %dma_start3A_22 = tpu.memref_slice %arg3[%dma_start3A_21, %mul3A_2] : memref<32x10240xf32, #tpu.memory_space<hbm>> -> memref<32x640xf32, #tpu.memory_space<hbm>>
        tpu.enqueue_dma source(%dma_start3A_22 : memref<32x640xf32, #tpu.memory_space<hbm>>) target(%arg7 : memref<32x640xf32, #tpu.memory_space<vmem>>) target_semaphore(%run_scoped3A : memref<!tpu.dma_semaphore, #tpu.memory_space<semaphore_mem>>)
        %dma_wait3A = arith.constant 0 : i32
        %dma_wait3A_23 = tpu.memref_slice %arg3[%dma_wait3A, %mul3A_2] : memref<32x10240xf32, #tpu.memory_space<hbm>> -> memref<32x640xf32, #tpu.memory_space<hbm>>
        %dma_wait3A_24 = arith.constant 0 : i32
        %dma_wait3A_25 = tpu.memref_slice %arg3[%dma_wait3A_24, %mul3A_2] : memref<32x10240xf32, #tpu.memory_space<hbm>> -> memref<32x640xf32, #tpu.memory_space<hbm>>
        tpu.wait_dma2 semaphore(%run_scoped3A : memref<!tpu.dma_semaphore, #tpu.memory_space<semaphore_mem>>) src(%dma_wait3A_25 : memref<32x640xf32, #tpu.memory_space<hbm>>) dst(%arg7 : memref<32x640xf32, #tpu.memory_space<vmem>>)
        tpu.yield
      }) : () -> ()
      "tpu.region"() ({
        %run_scoped3A = tpu.sem_alloc : memref<!tpu.dma_semaphore, #tpu.memory_space<semaphore_mem>>
        %dma_start3A = arith.constant 0 : i32
        %dma_start3A_20 = tpu.memref_slice %arg4[%dma_start3A, %mul3A_2] : memref<32x10240xf32, #tpu.memory_space<hbm>> -> memref<32x640xf32, #tpu.memory_space<hbm>>
        %dma_start3A_21 = arith.constant 0 : i32
        %dma_start3A_22 = tpu.memref_slice %arg4[%dma_start3A_21, %mul3A_2] : memref<32x10240xf32, #tpu.memory_space<hbm>> -> memref<32x640xf32, #tpu.memory_space<hbm>>
        tpu.enqueue_dma source(%dma_start3A_22 : memref<32x640xf32, #tpu.memory_space<hbm>>) target(%arg8 : memref<32x640xf32, #tpu.memory_space<vmem>>) target_semaphore(%run_scoped3A : memref<!tpu.dma_semaphore, #tpu.memory_space<semaphore_mem>>)
        %dma_wait3A = arith.constant 0 : i32
        %dma_wait3A_23 = tpu.memref_slice %arg4[%dma_wait3A, %mul3A_2] : memref<32x10240xf32, #tpu.memory_space<hbm>> -> memref<32x640xf32, #tpu.memory_space<hbm>>
        %dma_wait3A_24 = arith.constant 0 : i32
        %dma_wait3A_25 = tpu.memref_slice %arg4[%dma_wait3A_24, %mul3A_2] : memref<32x10240xf32, #tpu.memory_space<hbm>> -> memref<32x640xf32, #tpu.memory_space<hbm>>
        tpu.wait_dma2 semaphore(%run_scoped3A : memref<!tpu.dma_semaphore, #tpu.memory_space<semaphore_mem>>) src(%dma_wait3A_25 : memref<32x640xf32, #tpu.memory_space<hbm>>) dst(%arg8 : memref<32x640xf32, #tpu.memory_space<vmem>>)
        tpu.yield
      }) : () -> ()
      %eq3A_13 = arith.constant 15 : i32
      %eq3A_14 = arith.cmpi eq, %add3A, %eq3A_13 : i32
      %jit3A = arith.constant 25 : i32
      %jit3A_15 = arith.constant 40 : i32
      %select_n3A = arith.select %eq3A_14, %jit3A, %jit3A_15 : i32
      %iota3A = tpu.iota {dimensions = array<i32: 0>} : vector<16xi32>
      %mul3A_16 = arith.constant 2 : i32
      %mul3A_17 = vector.broadcast %mul3A_16 : i32 to vector<16xi32>
      %mul3A_18 = arith.muli %iota3A, %mul3A_17 : vector<16xi32>
      %parallel_loop3A = arith.constant 0 : i32
      %parallel_loop3A_19 = arith.constant 1 : i32
      scf.for %parallel_loop3A_20 = %parallel_loop3A to %select_n3A step %parallel_loop3A_19  : i32 {
        %parallel_loop3A_21 = arith.constant 16 : i32
        %parallel_loop3A_22 = arith.muli %parallel_loop3A_20, %parallel_loop3A_21 : i32
        %parallel_loop3A_23 = arith.constant 0 : i32
        %parallel_loop3A_24 = arith.index_cast %parallel_loop3A_23 : i32 to index
        %parallel_loop3A_25 = arith.index_cast %parallel_loop3A_22 : i32 to index
        %parallel_loop3A_26 = tpu.vector_load %arg6[%parallel_loop3A_24, %parallel_loop3A_25] {strides = array<i32>} : memref<32x640xf32, #tpu.memory_space<vmem>>, vector<16xf32>,
        %parallel_loop3A_27 = arith.constant 0 : i32
        %parallel_loop3A_28 = arith.index_cast %parallel_loop3A_27 : i32 to index
        %parallel_loop3A_29 = arith.index_cast %parallel_loop3A_22 : i32 to index
        %parallel_loop3A_30 = tpu.vector_load %arg7[%parallel_loop3A_28, %parallel_loop3A_29] {strides = array<i32>} : memref<32x640xf32, #tpu.memory_space<vmem>>, vector<16xf32>,
        %parallel_loop3A_31 = arith.constant 0 : i32
        %parallel_loop3A_32 = arith.index_cast %parallel_loop3A_31 : i32 to index
        %parallel_loop3A_33 = arith.index_cast %parallel_loop3A_22 : i32 to index
        %parallel_loop3A_34 = tpu.vector_load %arg8[%parallel_loop3A_32, %parallel_loop3A_33] {strides = array<i32>} : memref<32x640xf32, #tpu.memory_space<vmem>>, vector<16xf32>,
        %parallel_loop3A_35 = arith.constant 1 : i32
        %parallel_loop3A_36 = arith.index_cast %parallel_loop3A_35 : i32 to index
        %parallel_loop3A_37 = arith.index_cast %parallel_loop3A_22 : i32 to index
        %parallel_loop3A_38 = tpu.vector_load %arg6[%parallel_loop3A_36, %parallel_loop3A_37] {strides = array<i32>} : memref<32x640xf32, #tpu.memory_space<vmem>>, vector<16xf32>,
        %parallel_loop3A_39 = arith.addf %parallel_loop3A_26, %parallel_loop3A_38 : vector<16xf32>
        %parallel_loop3A_40 = arith.constant 1 : i32
        %parallel_loop3A_41 = arith.index_cast %parallel_loop3A_40 : i32 to index
        %parallel_loop3A_42 = arith.index_cast %parallel_loop3A_22 : i32 to index
        %parallel_loop3A_43 = tpu.vector_load %arg7[%parallel_loop3A_41, %parallel_loop3A_42] {strides = array<i32>} : memref<32x640xf32, #tpu.memory_space<vmem>>, vector<16xf32>,
        %parallel_loop3A_44 = arith.addf %parallel_loop3A_30, %parallel_loop3A_43 : vector<16xf32>
        %parallel_loop3A_45 = arith.constant 1 : i32
        %parallel_loop3A_46 = arith.index_cast %parallel_loop3A_45 : i32 to index
        %parallel_loop3A_47 = arith.index_cast %parallel_loop3A_22 : i32 to index
        %parallel_loop3A_48 = tpu.vector_load %arg8[%parallel_loop3A_46, %parallel_loop3A_47] {strides = array<i32>} : memref<32x640xf32, #tpu.memory_space<vmem>>, vector<16xf32>,
        %parallel_loop3A_49 = arith.addf %parallel_loop3A_34, %parallel_loop3A_48 : vector<16xf32>
        %parallel_loop3A_50 = arith.constant 2 : i32
        %parallel_loop3A_51 = arith.index_cast %parallel_loop3A_50 : i32 to index
        %parallel_loop3A_52 = arith.index_cast %parallel_loop3A_22 : i32 to index
        %parallel_loop3A_53 = tpu.vector_load %arg6[%parallel_loop3A_51, %parallel_loop3A_52] {strides = array<i32>} : memref<32x640xf32, #tpu.memory_space<vmem>>, vector<16xf32>,
        %parallel_loop3A_54 = arith.addf %parallel_loop3A_39, %parallel_loop3A_53 : vector<16xf32>
        %parallel_loop3A_55 = arith.constant 2 : i32
        %parallel_loop3A_56 = arith.index_cast %parallel_loop3A_55 : i32 to index
        %parallel_loop3A_57 = arith.index_cast %parallel_loop3A_22 : i32 to index
        %parallel_loop3A_58 = tpu.vector_load %arg7[%parallel_loop3A_56, %parallel_loop3A_57] {strides = array<i32>} : memref<32x640xf32, #tpu.memory_space<vmem>>, vector<16xf32>,
        %parallel_loop3A_59 = arith.addf %parallel_loop3A_44, %parallel_loop3A_58 : vector<16xf32>
        %parallel_loop3A_60 = arith.constant 2 : i32
        %parallel_loop3A_61 = arith.index_cast %parallel_loop3A_60 : i32 to index
        %parallel_loop3A_62 = arith.index_cast %parallel_loop3A_22 : i32 to index
        %parallel_loop3A_63 = tpu.vector_load %arg8[%parallel_loop3A_61, %parallel_loop3A_62] {strides = array<i32>} : memref<32x640xf32, #tpu.memory_space<vmem>>, vector<16xf32>,
        %parallel_loop3A_64 = arith.addf %parallel_loop3A_49, %parallel_loop3A_63 : vector<16xf32>
        %parallel_loop3A_65 = arith.constant 3 : i32
        %parallel_loop3A_66 = arith.index_cast %parallel_loop3A_65 : i32 to index
        %parallel_loop3A_67 = arith.index_cast %parallel_loop3A_22 : i32 to index
        %parallel_loop3A_68 = tpu.vector_load %arg6[%parallel_loop3A_66, %parallel_loop3A_67] {strides = array<i32>} : memref<32x640xf32, #tpu.memory_space<vmem>>, vector<16xf32>,
        %parallel_loop3A_69 = arith.addf %parallel_loop3A_54, %parallel_loop3A_68 : vector<16xf32>
        %parallel_loop3A_70 = arith.constant 3 : i32
        %parallel_loop3A_71 = arith.index_cast %parallel_loop3A_70 : i32 to index
        %parallel_loop3A_72 = arith.index_cast %parallel_loop3A_22 : i32 to index
        %parallel_loop3A_73 = tpu.vector_load %arg7[%parallel_loop3A_71, %parallel_loop3A_72] {strides = array<i32>} : memref<32x640xf32, #tpu.memory_space<vmem>>, vector<16xf32>,
        %parallel_loop3A_74 = arith.addf %parallel_loop3A_59, %parallel_loop3A_73 : vector<16xf32>
        %parallel_loop3A_75 = arith.constant 3 : i32
        %parallel_loop3A_76 = arith.index_cast %parallel_loop3A_75 : i32 to index
        %parallel_loop3A_77 = arith.index_cast %parallel_loop3A_22 : i32 to index
        %parallel_loop3A_78 = tpu.vector_load %arg8[%parallel_loop3A_76, %parallel_loop3A_77] {strides = array<i32>} : memref<32x640xf32, #tpu.memory_space<vmem>>, vector<16xf32>,
        %parallel_loop3A_79 = arith.addf %parallel_loop3A_64, %parallel_loop3A_78 : vector<16xf32>
        %parallel_loop3A_80 = arith.constant 4 : i32
        %parallel_loop3A_81 = arith.index_cast %parallel_loop3A_80 : i32 to index
        %parallel_loop3A_82 = arith.index_cast %parallel_loop3A_22 : i32 to index
        %parallel_loop3A_83 = tpu.vector_load %arg6[%parallel_loop3A_81, %parallel_loop3A_82] {strides = array<i32>} : memref<32x640xf32, #tpu.memory_space<vmem>>, vector<16xf32>,
        %parallel_loop3A_84 = arith.addf %parallel_loop3A_69, %parallel_loop3A_83 : vector<16xf32>
        %parallel_loop3A_85 = arith.constant 4 : i32
        %parallel_loop3A_86 = arith.index_cast %parallel_loop3A_85 : i32 to index
        %parallel_loop3A_87 = arith.index_cast %parallel_loop3A_22 : i32 to index
        %parallel_loop3A_88 = tpu.vector_load %arg7[%parallel_loop3A_86, %parallel_loop3A_87] {strides = array<i32>} : memref<32x640xf32, #tpu.memory_space<vmem>>, vector<16xf32>,
        %parallel_loop3A_89 = arith.addf %parallel_loop3A_74, %parallel_loop3A_88 : vector<16xf32>
        %parallel_loop3A_90 = arith.constant 4 : i32
        %parallel_loop3A_91 = arith.index_cast %parallel_loop3A_90 : i32 to index
        %parallel_loop3A_92 = arith.index_cast %parallel_loop3A_22 : i32 to index
        %parallel_loop3A_93 = tpu.vector_load %arg8[%parallel_loop3A_91, %parallel_loop3A_92] {strides = array<i32>} : memref<32x640xf32, #tpu.memory_space<vmem>>, vector<16xf32>,
        %parallel_loop3A_94 = arith.addf %parallel_loop3A_79, %parallel_loop3A_93 : vector<16xf32>
        %parallel_loop3A_95 = arith.constant 5 : i32
        %parallel_loop3A_96 = arith.index_cast %parallel_loop3A_95 : i32 to index
        %parallel_loop3A_97 = arith.index_cast %parallel_loop3A_22 : i32 to index
        %parallel_loop3A_98 = tpu.vector_load %arg6[%parallel_loop3A_96, %parallel_loop3A_97] {strides = array<i32>} : memref<32x640xf32, #tpu.memory_space<vmem>>, vector<16xf32>,
        %parallel_loop3A_99 = arith.addf %parallel_loop3A_84, %parallel_loop3A_98 : vector<16xf32>
        %parallel_loop3A_100 = arith.constant 5 : i32
        %parallel_loop3A_101 = arith.index_cast %parallel_loop3A_100 : i32 to index
        %parallel_loop3A_102 = arith.index_cast %parallel_loop3A_22 : i32 to index
        %parallel_loop3A_103 = tpu.vector_load %arg7[%parallel_loop3A_101, %parallel_loop3A_102] {strides = array<i32>} : memref<32x640xf32, #tpu.memory_space<vmem>>, vector<16xf32>,
        %parallel_loop3A_104 = arith.addf %parallel_loop3A_89, %parallel_loop3A_103 : vector<16xf32>
        %parallel_loop3A_105 = arith.constant 5 : i32
        %parallel_loop3A_106 = arith.index_cast %parallel_loop3A_105 : i32 to index
        %parallel_loop3A_107 = arith.index_cast %parallel_loop3A_22 : i32 to index
        %parallel_loop3A_108 = tpu.vector_load %arg8[%parallel_loop3A_106, %parallel_loop3A_107] {strides = array<i32>} : memref<32x640xf32, #tpu.memory_space<vmem>>, vector<16xf32>,
        %parallel_loop3A_109 = arith.addf %parallel_loop3A_94, %parallel_loop3A_108 : vector<16xf32>
        %parallel_loop3A_110 = arith.constant 6 : i32
        %parallel_loop3A_111 = arith.index_cast %parallel_loop3A_110 : i32 to index
        %parallel_loop3A_112 = arith.index_cast %parallel_loop3A_22 : i32 to index
        %parallel_loop3A_113 = tpu.vector_load %arg6[%parallel_loop3A_111, %parallel_loop3A_112] {strides = array<i32>} : memref<32x640xf32, #tpu.memory_space<vmem>>, vector<16xf32>,
        %parallel_loop3A_114 = arith.addf %parallel_loop3A_99, %parallel_loop3A_113 : vector<16xf32>
        %parallel_loop3A_115 = arith.constant 6 : i32
        %parallel_loop3A_116 = arith.index_cast %parallel_loop3A_115 : i32 to index
        %parallel_loop3A_117 = arith.index_cast %parallel_loop3A_22 : i32 to index
        %parallel_loop3A_118 = tpu.vector_load %arg7[%parallel_loop3A_116, %parallel_loop3A_117] {strides = array<i32>} : memref<32x640xf32, #tpu.memory_space<vmem>>, vector<16xf32>,
        %parallel_loop3A_119 = arith.addf %parallel_loop3A_104, %parallel_loop3A_118 : vector<16xf32>
        %parallel_loop3A_120 = arith.constant 6 : i32
        %parallel_loop3A_121 = arith.index_cast %parallel_loop3A_120 : i32 to index
        %parallel_loop3A_122 = arith.index_cast %parallel_loop3A_22 : i32 to index
        %parallel_loop3A_123 = tpu.vector_load %arg8[%parallel_loop3A_121, %parallel_loop3A_122] {strides = array<i32>} : memref<32x640xf32, #tpu.memory_space<vmem>>, vector<16xf32>,
        %parallel_loop3A_124 = arith.addf %parallel_loop3A_109, %parallel_loop3A_123 : vector<16xf32>
        %parallel_loop3A_125 = arith.constant 7 : i32
        %parallel_loop3A_126 = arith.index_cast %parallel_loop3A_125 : i32 to index
        %parallel_loop3A_127 = arith.index_cast %parallel_loop3A_22 : i32 to index
        %parallel_loop3A_128 = tpu.vector_load %arg6[%parallel_loop3A_126, %parallel_loop3A_127] {strides = array<i32>} : memref<32x640xf32, #tpu.memory_space<vmem>>, vector<16xf32>,
        %parallel_loop3A_129 = arith.addf %parallel_loop3A_114, %parallel_loop3A_128 : vector<16xf32>
        %parallel_loop3A_130 = arith.constant 7 : i32
        %parallel_loop3A_131 = arith.index_cast %parallel_loop3A_130 : i32 to index
        %parallel_loop3A_132 = arith.index_cast %parallel_loop3A_22 : i32 to index
        %parallel_loop3A_133 = tpu.vector_load %arg7[%parallel_loop3A_131, %parallel_loop3A_132] {strides = array<i32>} : memref<32x640xf32, #tpu.memory_space<vmem>>, vector<16xf32>,
        %parallel_loop3A_134 = arith.addf %parallel_loop3A_119, %parallel_loop3A_133 : vector<16xf32>
        %parallel_loop3A_135 = arith.constant 7 : i32
        %parallel_loop3A_136 = arith.index_cast %parallel_loop3A_135 : i32 to index
        %parallel_loop3A_137 = arith.index_cast %parallel_loop3A_22 : i32 to index
        %parallel_loop3A_138 = tpu.vector_load %arg8[%parallel_loop3A_136, %parallel_loop3A_137] {strides = array<i32>} : memref<32x640xf32, #tpu.memory_space<vmem>>, vector<16xf32>,
        %parallel_loop3A_139 = arith.addf %parallel_loop3A_124, %parallel_loop3A_138 : vector<16xf32>
        %parallel_loop3A_140 = arith.constant 8 : i32
        %parallel_loop3A_141 = arith.index_cast %parallel_loop3A_140 : i32 to index
        %parallel_loop3A_142 = arith.index_cast %parallel_loop3A_22 : i32 to index
        %parallel_loop3A_143 = tpu.vector_load %arg6[%parallel_loop3A_141, %parallel_loop3A_142] {strides = array<i32>} : memref<32x640xf32, #tpu.memory_space<vmem>>, vector<16xf32>,
        %parallel_loop3A_144 = arith.addf %parallel_loop3A_129, %parallel_loop3A_143 : vector<16xf32>
        %parallel_loop3A_145 = arith.constant 8 : i32
        %parallel_loop3A_146 = arith.index_cast %parallel_loop3A_145 : i32 to index
        %parallel_loop3A_147 = arith.index_cast %parallel_loop3A_22 : i32 to index
        %parallel_loop3A_148 = tpu.vector_load %arg7[%parallel_loop3A_146, %parallel_loop3A_147] {strides = array<i32>} : memref<32x640xf32, #tpu.memory_space<vmem>>, vector<16xf32>,
        %parallel_loop3A_149 = arith.addf %parallel_loop3A_134, %parallel_loop3A_148 : vector<16xf32>
        %parallel_loop3A_150 = arith.constant 8 : i32
        %parallel_loop3A_151 = arith.index_cast %parallel_loop3A_150 : i32 to index
        %parallel_loop3A_152 = arith.index_cast %parallel_loop3A_22 : i32 to index
        %parallel_loop3A_153 = tpu.vector_load %arg8[%parallel_loop3A_151, %parallel_loop3A_152] {strides = array<i32>} : memref<32x640xf32, #tpu.memory_space<vmem>>, vector<16xf32>,
        %parallel_loop3A_154 = arith.addf %parallel_loop3A_139, %parallel_loop3A_153 : vector<16xf32>
        %parallel_loop3A_155 = arith.constant 9 : i32
        %parallel_loop3A_156 = arith.index_cast %parallel_loop3A_155 : i32 to index
        %parallel_loop3A_157 = arith.index_cast %parallel_loop3A_22 : i32 to index
        %parallel_loop3A_158 = tpu.vector_load %arg6[%parallel_loop3A_156, %parallel_loop3A_157] {strides = array<i32>} : memref<32x640xf32, #tpu.memory_space<vmem>>, vector<16xf32>,
        %parallel_loop3A_159 = arith.addf %parallel_loop3A_144, %parallel_loop3A_158 : vector<16xf32>
        %parallel_loop3A_160 = arith.constant 9 : i32
        %parallel_loop3A_161 = arith.index_cast %parallel_loop3A_160 : i32 to index
        %parallel_loop3A_162 = arith.index_cast %parallel_loop3A_22 : i32 to index
        %parallel_loop3A_163 = tpu.vector_load %arg7[%parallel_loop3A_161, %parallel_loop3A_162] {strides = array<i32>} : memref<32x640xf32, #tpu.memory_space<vmem>>, vector<16xf32>,
        %parallel_loop3A_164 = arith.addf %parallel_loop3A_149, %parallel_loop3A_163 : vector<16xf32>
        %parallel_loop3A_165 = arith.constant 9 : i32
        %parallel_loop3A_166 = arith.index_cast %parallel_loop3A_165 : i32 to index
        %parallel_loop3A_167 = arith.index_cast %parallel_loop3A_22 : i32 to index
        %parallel_loop3A_168 = tpu.vector_load %arg8[%parallel_loop3A_166, %parallel_loop3A_167] {strides = array<i32>} : memref<32x640xf32, #tpu.memory_space<vmem>>, vector<16xf32>,
        %parallel_loop3A_169 = arith.addf %parallel_loop3A_154, %parallel_loop3A_168 : vector<16xf32>
        %parallel_loop3A_170 = arith.constant 10 : i32
        %parallel_loop3A_171 = arith.index_cast %parallel_loop3A_170 : i32 to index
        %parallel_loop3A_172 = arith.index_cast %parallel_loop3A_22 : i32 to index
        %parallel_loop3A_173 = tpu.vector_load %arg6[%parallel_loop3A_171, %parallel_loop3A_172] {strides = array<i32>} : memref<32x640xf32, #tpu.memory_space<vmem>>, vector<16xf32>,
        %parallel_loop3A_174 = arith.addf %parallel_loop3A_159, %parallel_loop3A_173 : vector<16xf32>
        %parallel_loop3A_175 = arith.constant 10 : i32
        %parallel_loop3A_176 = arith.index_cast %parallel_loop3A_175 : i32 to index
        %parallel_loop3A_177 = arith.index_cast %parallel_loop3A_22 : i32 to index
        %parallel_loop3A_178 = tpu.vector_load %arg7[%parallel_loop3A_176, %parallel_loop3A_177] {strides = array<i32>} : memref<32x640xf32, #tpu.memory_space<vmem>>, vector<16xf32>,
        %parallel_loop3A_179 = arith.addf %parallel_loop3A_164, %parallel_loop3A_178 : vector<16xf32>
        %parallel_loop3A_180 = arith.constant 10 : i32
        %parallel_loop3A_181 = arith.index_cast %parallel_loop3A_180 : i32 to index
        %parallel_loop3A_182 = arith.index_cast %parallel_loop3A_22 : i32 to index
        %parallel_loop3A_183 = tpu.vector_load %arg8[%parallel_loop3A_181, %parallel_loop3A_182] {strides = array<i32>} : memref<32x640xf32, #tpu.memory_space<vmem>>, vector<16xf32>,
        %parallel_loop3A_184 = arith.addf %parallel_loop3A_169, %parallel_loop3A_183 : vector<16xf32>
        %parallel_loop3A_185 = arith.constant 11 : i32
        %parallel_loop3A_186 = arith.index_cast %parallel_loop3A_185 : i32 to index
        %parallel_loop3A_187 = arith.index_cast %parallel_loop3A_22 : i32 to index
        %parallel_loop3A_188 = tpu.vector_load %arg6[%parallel_loop3A_186, %parallel_loop3A_187] {strides = array<i32>} : memref<32x640xf32, #tpu.memory_space<vmem>>, vector<16xf32>,
        %parallel_loop3A_189 = arith.addf %parallel_loop3A_174, %parallel_loop3A_188 : vector<16xf32>
        %parallel_loop3A_190 = arith.constant 11 : i32
        %parallel_loop3A_191 = arith.index_cast %parallel_loop3A_190 : i32 to index
        %parallel_loop3A_192 = arith.index_cast %parallel_loop3A_22 : i32 to index
        %parallel_loop3A_193 = tpu.vector_load %arg7[%parallel_loop3A_191, %parallel_loop3A_192] {strides = array<i32>} : memref<32x640xf32, #tpu.memory_space<vmem>>, vector<16xf32>,
        %parallel_loop3A_194 = arith.addf %parallel_loop3A_179, %parallel_loop3A_193 : vector<16xf32>
        %parallel_loop3A_195 = arith.constant 11 : i32
        %parallel_loop3A_196 = arith.index_cast %parallel_loop3A_195 : i32 to index
        %parallel_loop3A_197 = arith.index_cast %parallel_loop3A_22 : i32 to index
        %parallel_loop3A_198 = tpu.vector_load %arg8[%parallel_loop3A_196, %parallel_loop3A_197] {strides = array<i32>} : memref<32x640xf32, #tpu.memory_space<vmem>>, vector<16xf32>,
        %parallel_loop3A_199 = arith.addf %parallel_loop3A_184, %parallel_loop3A_198 : vector<16xf32>
        %parallel_loop3A_200 = arith.constant 12 : i32
        %parallel_loop3A_201 = arith.index_cast %parallel_loop3A_200 : i32 to index
        %parallel_loop3A_202 = arith.index_cast %parallel_loop3A_22 : i32 to index
        %parallel_loop3A_203 = tpu.vector_load %arg6[%parallel_loop3A_201, %parallel_loop3A_202] {strides = array<i32>} : memref<32x640xf32, #tpu.memory_space<vmem>>, vector<16xf32>,
        %parallel_loop3A_204 = arith.addf %parallel_loop3A_189, %parallel_loop3A_203 : vector<16xf32>
        %parallel_loop3A_205 = arith.constant 12 : i32
        %parallel_loop3A_206 = arith.index_cast %parallel_loop3A_205 : i32 to index
        %parallel_loop3A_207 = arith.index_cast %parallel_loop3A_22 : i32 to index
        %parallel_loop3A_208 = tpu.vector_load %arg7[%parallel_loop3A_206, %parallel_loop3A_207] {strides = array<i32>} : memref<32x640xf32, #tpu.memory_space<vmem>>, vector<16xf32>,
        %parallel_loop3A_209 = arith.addf %parallel_loop3A_194, %parallel_loop3A_208 : vector<16xf32>
        %parallel_loop3A_210 = arith.constant 12 : i32
        %parallel_loop3A_211 = arith.index_cast %parallel_loop3A_210 : i32 to index
        %parallel_loop3A_212 = arith.index_cast %parallel_loop3A_22 : i32 to index
        %parallel_loop3A_213 = tpu.vector_load %arg8[%parallel_loop3A_211, %parallel_loop3A_212] {strides = array<i32>} : memref<32x640xf32, #tpu.memory_space<vmem>>, vector<16xf32>,
        %parallel_loop3A_214 = arith.addf %parallel_loop3A_199, %parallel_loop3A_213 : vector<16xf32>
        %parallel_loop3A_215 = arith.constant 13 : i32
        %parallel_loop3A_216 = arith.index_cast %parallel_loop3A_215 : i32 to index
        %parallel_loop3A_217 = arith.index_cast %parallel_loop3A_22 : i32 to index
        %parallel_loop3A_218 = tpu.vector_load %arg6[%parallel_loop3A_216, %parallel_loop3A_217] {strides = array<i32>} : memref<32x640xf32, #tpu.memory_space<vmem>>, vector<16xf32>,
        %parallel_loop3A_219 = arith.addf %parallel_loop3A_204, %parallel_loop3A_218 : vector<16xf32>
        %parallel_loop3A_220 = arith.constant 13 : i32
        %parallel_loop3A_221 = arith.index_cast %parallel_loop3A_220 : i32 to index
        %parallel_loop3A_222 = arith.index_cast %parallel_loop3A_22 : i32 to index
        %parallel_loop3A_223 = tpu.vector_load %arg7[%parallel_loop3A_221, %parallel_loop3A_222] {strides = array<i32>} : memref<32x640xf32, #tpu.memory_space<vmem>>, vector<16xf32>,
        %parallel_loop3A_224 = arith.addf %parallel_loop3A_209, %parallel_loop3A_223 : vector<16xf32>
        %parallel_loop3A_225 = arith.constant 13 : i32
        %parallel_loop3A_226 = arith.index_cast %parallel_loop3A_225 : i32 to index
        %parallel_loop3A_227 = arith.index_cast %parallel_loop3A_22 : i32 to index
        %parallel_loop3A_228 = tpu.vector_load %arg8[%parallel_loop3A_226, %parallel_loop3A_227] {strides = array<i32>} : memref<32x640xf32, #tpu.memory_space<vmem>>, vector<16xf32>,
        %parallel_loop3A_229 = arith.addf %parallel_loop3A_214, %parallel_loop3A_228 : vector<16xf32>
        %parallel_loop3A_230 = arith.constant 14 : i32
        %parallel_loop3A_231 = arith.index_cast %parallel_loop3A_230 : i32 to index
        %parallel_loop3A_232 = arith.index_cast %parallel_loop3A_22 : i32 to index
        %parallel_loop3A_233 = tpu.vector_load %arg6[%parallel_loop3A_231, %parallel_loop3A_232] {strides = array<i32>} : memref<32x640xf32, #tpu.memory_space<vmem>>, vector<16xf32>,
        %parallel_loop3A_234 = arith.addf %parallel_loop3A_219, %parallel_loop3A_233 : vector<16xf32>
        %parallel_loop3A_235 = arith.constant 14 : i32
        %parallel_loop3A_236 = arith.index_cast %parallel_loop3A_235 : i32 to index
        %parallel_loop3A_237 = arith.index_cast %parallel_loop3A_22 : i32 to index
        %parallel_loop3A_238 = tpu.vector_load %arg7[%parallel_loop3A_236, %parallel_loop3A_237] {strides = array<i32>} : memref<32x640xf32, #tpu.memory_space<vmem>>, vector<16xf32>,
        %parallel_loop3A_239 = arith.addf %parallel_loop3A_224, %parallel_loop3A_238 : vector<16xf32>
        %parallel_loop3A_240 = arith.constant 14 : i32
        %parallel_loop3A_241 = arith.index_cast %parallel_loop3A_240 : i32 to index
        %parallel_loop3A_242 = arith.index_cast %parallel_loop3A_22 : i32 to index
        %parallel_loop3A_243 = tpu.vector_load %arg8[%parallel_loop3A_241, %parallel_loop3A_242] {strides = array<i32>} : memref<32x640xf32, #tpu.memory_space<vmem>>, vector<16xf32>,
        %parallel_loop3A_244 = arith.addf %parallel_loop3A_229, %parallel_loop3A_243 : vector<16xf32>
        %parallel_loop3A_245 = arith.constant 15 : i32
        %parallel_loop3A_246 = arith.index_cast %parallel_loop3A_245 : i32 to index
        %parallel_loop3A_247 = arith.index_cast %parallel_loop3A_22 : i32 to index
        %parallel_loop3A_248 = tpu.vector_load %arg6[%parallel_loop3A_246, %parallel_loop3A_247] {strides = array<i32>} : memref<32x640xf32, #tpu.memory_space<vmem>>, vector<16xf32>,
        %parallel_loop3A_249 = arith.addf %parallel_loop3A_234, %parallel_loop3A_248 : vector<16xf32>
        %parallel_loop3A_250 = arith.constant 15 : i32
        %parallel_loop3A_251 = arith.index_cast %parallel_loop3A_250 : i32 to index
        %parallel_loop3A_252 = arith.index_cast %parallel_loop3A_22 : i32 to index
        %parallel_loop3A_253 = tpu.vector_load %arg7[%parallel_loop3A_251, %parallel_loop3A_252] {strides = array<i32>} : memref<32x640xf32, #tpu.memory_space<vmem>>, vector<16xf32>,
        %parallel_loop3A_254 = arith.addf %parallel_loop3A_239, %parallel_loop3A_253 : vector<16xf32>
        %parallel_loop3A_255 = arith.constant 15 : i32
        %parallel_loop3A_256 = arith.index_cast %parallel_loop3A_255 : i32 to index
        %parallel_loop3A_257 = arith.index_cast %parallel_loop3A_22 : i32 to index
        %parallel_loop3A_258 = tpu.vector_load %arg8[%parallel_loop3A_256, %parallel_loop3A_257] {strides = array<i32>} : memref<32x640xf32, #tpu.memory_space<vmem>>, vector<16xf32>,
        %parallel_loop3A_259 = arith.addf %parallel_loop3A_244, %parallel_loop3A_258 : vector<16xf32>
        %parallel_loop3A_260 = arith.constant 16 : i32
        %parallel_loop3A_261 = arith.index_cast %parallel_loop3A_260 : i32 to index
        %parallel_loop3A_262 = arith.index_cast %parallel_loop3A_22 : i32 to index
        %parallel_loop3A_263 = tpu.vector_load %arg6[%parallel_loop3A_261, %parallel_loop3A_262] {strides = array<i32>} : memref<32x640xf32, #tpu.memory_space<vmem>>, vector<16xf32>,
        %parallel_loop3A_264 = arith.addf %parallel_loop3A_249, %parallel_loop3A_263 : vector<16xf32>
        %parallel_loop3A_265 = arith.constant 16 : i32
        %parallel_loop3A_266 = arith.index_cast %parallel_loop3A_265 : i32 to index
        %parallel_loop3A_267 = arith.index_cast %parallel_loop3A_22 : i32 to index
        %parallel_loop3A_268 = tpu.vector_load %arg7[%parallel_loop3A_266, %parallel_loop3A_267] {strides = array<i32>} : memref<32x640xf32, #tpu.memory_space<vmem>>, vector<16xf32>,
        %parallel_loop3A_269 = arith.addf %parallel_loop3A_254, %parallel_loop3A_268 : vector<16xf32>
        %parallel_loop3A_270 = arith.constant 16 : i32
        %parallel_loop3A_271 = arith.index_cast %parallel_loop3A_270 : i32 to index
        %parallel_loop3A_272 = arith.index_cast %parallel_loop3A_22 : i32 to index
        %parallel_loop3A_273 = tpu.vector_load %arg8[%parallel_loop3A_271, %parallel_loop3A_272] {strides = array<i32>} : memref<32x640xf32, #tpu.memory_space<vmem>>, vector<16xf32>,
        %parallel_loop3A_274 = arith.addf %parallel_loop3A_259, %parallel_loop3A_273 : vector<16xf32>
        %parallel_loop3A_275 = arith.constant 17 : i32
        %parallel_loop3A_276 = arith.index_cast %parallel_loop3A_275 : i32 to index
        %parallel_loop3A_277 = arith.index_cast %parallel_loop3A_22 : i32 to index
        %parallel_loop3A_278 = tpu.vector_load %arg6[%parallel_loop3A_276, %parallel_loop3A_277] {strides = array<i32>} : memref<32x640xf32, #tpu.memory_space<vmem>>, vector<16xf32>,
        %parallel_loop3A_279 = arith.addf %parallel_loop3A_264, %parallel_loop3A_278 : vector<16xf32>
        %parallel_loop3A_280 = arith.constant 17 : i32
        %parallel_loop3A_281 = arith.index_cast %parallel_loop3A_280 : i32 to index
        %parallel_loop3A_282 = arith.index_cast %parallel_loop3A_22 : i32 to index
        %parallel_loop3A_283 = tpu.vector_load %arg7[%parallel_loop3A_281, %parallel_loop3A_282] {strides = array<i32>} : memref<32x640xf32, #tpu.memory_space<vmem>>, vector<16xf32>,
        %parallel_loop3A_284 = arith.addf %parallel_loop3A_269, %parallel_loop3A_283 : vector<16xf32>
        %parallel_loop3A_285 = arith.constant 17 : i32
        %parallel_loop3A_286 = arith.index_cast %parallel_loop3A_285 : i32 to index
        %parallel_loop3A_287 = arith.index_cast %parallel_loop3A_22 : i32 to index
        %parallel_loop3A_288 = tpu.vector_load %arg8[%parallel_loop3A_286, %parallel_loop3A_287] {strides = array<i32>} : memref<32x640xf32, #tpu.memory_space<vmem>>, vector<16xf32>,
        %parallel_loop3A_289 = arith.addf %parallel_loop3A_274, %parallel_loop3A_288 : vector<16xf32>
        %parallel_loop3A_290 = arith.constant 18 : i32
        %parallel_loop3A_291 = arith.index_cast %parallel_loop3A_290 : i32 to index
        %parallel_loop3A_292 = arith.index_cast %parallel_loop3A_22 : i32 to index
        %parallel_loop3A_293 = tpu.vector_load %arg6[%parallel_loop3A_291, %parallel_loop3A_292] {strides = array<i32>} : memref<32x640xf32, #tpu.memory_space<vmem>>, vector<16xf32>,
        %parallel_loop3A_294 = arith.addf %parallel_loop3A_279, %parallel_loop3A_293 : vector<16xf32>
        %parallel_loop3A_295 = arith.constant 18 : i32
        %parallel_loop3A_296 = arith.index_cast %parallel_loop3A_295 : i32 to index
        %parallel_loop3A_297 = arith.index_cast %parallel_loop3A_22 : i32 to index
        %parallel_loop3A_298 = tpu.vector_load %arg7[%parallel_loop3A_296, %parallel_loop3A_297] {strides = array<i32>} : memref<32x640xf32, #tpu.memory_space<vmem>>, vector<16xf32>,
        %parallel_loop3A_299 = arith.addf %parallel_loop3A_284, %parallel_loop3A_298 : vector<16xf32>
        %parallel_loop3A_300 = arith.constant 18 : i32
        %parallel_loop3A_301 = arith.index_cast %parallel_loop3A_300 : i32 to index
        %parallel_loop3A_302 = arith.index_cast %parallel_loop3A_22 : i32 to index
        %parallel_loop3A_303 = tpu.vector_load %arg8[%parallel_loop3A_301, %parallel_loop3A_302] {strides = array<i32>} : memref<32x640xf32, #tpu.memory_space<vmem>>, vector<16xf32>,
        %parallel_loop3A_304 = arith.addf %parallel_loop3A_289, %parallel_loop3A_303 : vector<16xf32>
        %parallel_loop3A_305 = arith.constant 19 : i32
        %parallel_loop3A_306 = arith.index_cast %parallel_loop3A_305 : i32 to index
        %parallel_loop3A_307 = arith.index_cast %parallel_loop3A_22 : i32 to index
        %parallel_loop3A_308 = tpu.vector_load %arg6[%parallel_loop3A_306, %parallel_loop3A_307] {strides = array<i32>} : memref<32x640xf32, #tpu.memory_space<vmem>>, vector<16xf32>,
        %parallel_loop3A_309 = arith.addf %parallel_loop3A_294, %parallel_loop3A_308 : vector<16xf32>
        %parallel_loop3A_310 = arith.constant 19 : i32
        %parallel_loop3A_311 = arith.index_cast %parallel_loop3A_310 : i32 to index
        %parallel_loop3A_312 = arith.index_cast %parallel_loop3A_22 : i32 to index
        %parallel_loop3A_313 = tpu.vector_load %arg7[%parallel_loop3A_311, %parallel_loop3A_312] {strides = array<i32>} : memref<32x640xf32, #tpu.memory_space<vmem>>, vector<16xf32>,
        %parallel_loop3A_314 = arith.addf %parallel_loop3A_299, %parallel_loop3A_313 : vector<16xf32>
        %parallel_loop3A_315 = arith.constant 19 : i32
        %parallel_loop3A_316 = arith.index_cast %parallel_loop3A_315 : i32 to index
        %parallel_loop3A_317 = arith.index_cast %parallel_loop3A_22 : i32 to index
        %parallel_loop3A_318 = tpu.vector_load %arg8[%parallel_loop3A_316, %parallel_loop3A_317] {strides = array<i32>} : memref<32x640xf32, #tpu.memory_space<vmem>>, vector<16xf32>,
        %parallel_loop3A_319 = arith.addf %parallel_loop3A_304, %parallel_loop3A_318 : vector<16xf32>
        %parallel_loop3A_320 = arith.constant 20 : i32
        %parallel_loop3A_321 = arith.index_cast %parallel_loop3A_320 : i32 to index
        %parallel_loop3A_322 = arith.index_cast %parallel_loop3A_22 : i32 to index
        %parallel_loop3A_323 = tpu.vector_load %arg6[%parallel_loop3A_321, %parallel_loop3A_322] {strides = array<i32>} : memref<32x640xf32, #tpu.memory_space<vmem>>, vector<16xf32>,
        %parallel_loop3A_324 = arith.addf %parallel_loop3A_309, %parallel_loop3A_323 : vector<16xf32>
        %parallel_loop3A_325 = arith.constant 20 : i32
        %parallel_loop3A_326 = arith.index_cast %parallel_loop3A_325 : i32 to index
        %parallel_loop3A_327 = arith.index_cast %parallel_loop3A_22 : i32 to index
        %parallel_loop3A_328 = tpu.vector_load %arg7[%parallel_loop3A_326, %parallel_loop3A_327] {strides = array<i32>} : memref<32x640xf32, #tpu.memory_space<vmem>>, vector<16xf32>,
        %parallel_loop3A_329 = arith.addf %parallel_loop3A_314, %parallel_loop3A_328 : vector<16xf32>
        %parallel_loop3A_330 = arith.constant 20 : i32
        %parallel_loop3A_331 = arith.index_cast %parallel_loop3A_330 : i32 to index
        %parallel_loop3A_332 = arith.index_cast %parallel_loop3A_22 : i32 to index
        %parallel_loop3A_333 = tpu.vector_load %arg8[%parallel_loop3A_331, %parallel_loop3A_332] {strides = array<i32>} : memref<32x640xf32, #tpu.memory_space<vmem>>, vector<16xf32>,
        %parallel_loop3A_334 = arith.addf %parallel_loop3A_319, %parallel_loop3A_333 : vector<16xf32>
        %parallel_loop3A_335 = arith.constant 21 : i32
        %parallel_loop3A_336 = arith.index_cast %parallel_loop3A_335 : i32 to index
        %parallel_loop3A_337 = arith.index_cast %parallel_loop3A_22 : i32 to index
        %parallel_loop3A_338 = tpu.vector_load %arg6[%parallel_loop3A_336, %parallel_loop3A_337] {strides = array<i32>} : memref<32x640xf32, #tpu.memory_space<vmem>>, vector<16xf32>,
        %parallel_loop3A_339 = arith.addf %parallel_loop3A_324, %parallel_loop3A_338 : vector<16xf32>
        %parallel_loop3A_340 = arith.constant 21 : i32
        %parallel_loop3A_341 = arith.index_cast %parallel_loop3A_340 : i32 to index
        %parallel_loop3A_342 = arith.index_cast %parallel_loop3A_22 : i32 to index
        %parallel_loop3A_343 = tpu.vector_load %arg7[%parallel_loop3A_341, %parallel_loop3A_342] {strides = array<i32>} : memref<32x640xf32, #tpu.memory_space<vmem>>, vector<16xf32>,
        %parallel_loop3A_344 = arith.addf %parallel_loop3A_329, %parallel_loop3A_343 : vector<16xf32>
        %parallel_loop3A_345 = arith.constant 21 : i32
        %parallel_loop3A_346 = arith.index_cast %parallel_loop3A_345 : i32 to index
        %parallel_loop3A_347 = arith.index_cast %parallel_loop3A_22 : i32 to index
        %parallel_loop3A_348 = tpu.vector_load %arg8[%parallel_loop3A_346, %parallel_loop3A_347] {strides = array<i32>} : memref<32x640xf32, #tpu.memory_space<vmem>>, vector<16xf32>,
        %parallel_loop3A_349 = arith.addf %parallel_loop3A_334, %parallel_loop3A_348 : vector<16xf32>
        %parallel_loop3A_350 = arith.constant 22 : i32
        %parallel_loop3A_351 = arith.index_cast %parallel_loop3A_350 : i32 to index
        %parallel_loop3A_352 = arith.index_cast %parallel_loop3A_22 : i32 to index
        %parallel_loop3A_353 = tpu.vector_load %arg6[%parallel_loop3A_351, %parallel_loop3A_352] {strides = array<i32>} : memref<32x640xf32, #tpu.memory_space<vmem>>, vector<16xf32>,
        %parallel_loop3A_354 = arith.addf %parallel_loop3A_339, %parallel_loop3A_353 : vector<16xf32>
        %parallel_loop3A_355 = arith.constant 22 : i32
        %parallel_loop3A_356 = arith.index_cast %parallel_loop3A_355 : i32 to index
        %parallel_loop3A_357 = arith.index_cast %parallel_loop3A_22 : i32 to index
        %parallel_loop3A_358 = tpu.vector_load %arg7[%parallel_loop3A_356, %parallel_loop3A_357] {strides = array<i32>} : memref<32x640xf32, #tpu.memory_space<vmem>>, vector<16xf32>,
        %parallel_loop3A_359 = arith.addf %parallel_loop3A_344, %parallel_loop3A_358 : vector<16xf32>
        %parallel_loop3A_360 = arith.constant 22 : i32
        %parallel_loop3A_361 = arith.index_cast %parallel_loop3A_360 : i32 to index
        %parallel_loop3A_362 = arith.index_cast %parallel_loop3A_22 : i32 to index
        %parallel_loop3A_363 = tpu.vector_load %arg8[%parallel_loop3A_361, %parallel_loop3A_362] {strides = array<i32>} : memref<32x640xf32, #tpu.memory_space<vmem>>, vector<16xf32>,
        %parallel_loop3A_364 = arith.addf %parallel_loop3A_349, %parallel_loop3A_363 : vector<16xf32>
        %parallel_loop3A_365 = arith.constant 23 : i32
        %parallel_loop3A_366 = arith.index_cast %parallel_loop3A_365 : i32 to index
        %parallel_loop3A_367 = arith.index_cast %parallel_loop3A_22 : i32 to index
        %parallel_loop3A_368 = tpu.vector_load %arg6[%parallel_loop3A_366, %parallel_loop3A_367] {strides = array<i32>} : memref<32x640xf32, #tpu.memory_space<vmem>>, vector<16xf32>,
        %parallel_loop3A_369 = arith.addf %parallel_loop3A_354, %parallel_loop3A_368 : vector<16xf32>
        %parallel_loop3A_370 = arith.constant 23 : i32
        %parallel_loop3A_371 = arith.index_cast %parallel_loop3A_370 : i32 to index
        %parallel_loop3A_372 = arith.index_cast %parallel_loop3A_22 : i32 to index
        %parallel_loop3A_373 = tpu.vector_load %arg7[%parallel_loop3A_371, %parallel_loop3A_372] {strides = array<i32>} : memref<32x640xf32, #tpu.memory_space<vmem>>, vector<16xf32>,
        %parallel_loop3A_374 = arith.addf %parallel_loop3A_359, %parallel_loop3A_373 : vector<16xf32>
        %parallel_loop3A_375 = arith.constant 23 : i32
        %parallel_loop3A_376 = arith.index_cast %parallel_loop3A_375 : i32 to index
        %parallel_loop3A_377 = arith.index_cast %parallel_loop3A_22 : i32 to index
        %parallel_loop3A_378 = tpu.vector_load %arg8[%parallel_loop3A_376, %parallel_loop3A_377] {strides = array<i32>} : memref<32x640xf32, #tpu.memory_space<vmem>>, vector<16xf32>,
        %parallel_loop3A_379 = arith.addf %parallel_loop3A_364, %parallel_loop3A_378 : vector<16xf32>
        %parallel_loop3A_380 = arith.constant 24 : i32
        %parallel_loop3A_381 = arith.index_cast %parallel_loop3A_380 : i32 to index
        %parallel_loop3A_382 = arith.index_cast %parallel_loop3A_22 : i32 to index
        %parallel_loop3A_383 = tpu.vector_load %arg6[%parallel_loop3A_381, %parallel_loop3A_382] {strides = array<i32>} : memref<32x640xf32, #tpu.memory_space<vmem>>, vector<16xf32>,
        %parallel_loop3A_384 = arith.addf %parallel_loop3A_369, %parallel_loop3A_383 : vector<16xf32>
        %parallel_loop3A_385 = arith.constant 24 : i32
        %parallel_loop3A_386 = arith.index_cast %parallel_loop3A_385 : i32 to index
        %parallel_loop3A_387 = arith.index_cast %parallel_loop3A_22 : i32 to index
        %parallel_loop3A_388 = tpu.vector_load %arg7[%parallel_loop3A_386, %parallel_loop3A_387] {strides = array<i32>} : memref<32x640xf32, #tpu.memory_space<vmem>>, vector<16xf32>,
        %parallel_loop3A_389 = arith.addf %parallel_loop3A_374, %parallel_loop3A_388 : vector<16xf32>
        %parallel_loop3A_390 = arith.constant 24 : i32
        %parallel_loop3A_391 = arith.index_cast %parallel_loop3A_390 : i32 to index
        %parallel_loop3A_392 = arith.index_cast %parallel_loop3A_22 : i32 to index
        %parallel_loop3A_393 = tpu.vector_load %arg8[%parallel_loop3A_391, %parallel_loop3A_392] {strides = array<i32>} : memref<32x640xf32, #tpu.memory_space<vmem>>, vector<16xf32>,
        %parallel_loop3A_394 = arith.addf %parallel_loop3A_379, %parallel_loop3A_393 : vector<16xf32>
        %parallel_loop3A_395 = arith.constant 25 : i32
        %parallel_loop3A_396 = arith.index_cast %parallel_loop3A_395 : i32 to index
        %parallel_loop3A_397 = arith.index_cast %parallel_loop3A_22 : i32 to index
        %parallel_loop3A_398 = tpu.vector_load %arg6[%parallel_loop3A_396, %parallel_loop3A_397] {strides = array<i32>} : memref<32x640xf32, #tpu.memory_space<vmem>>, vector<16xf32>,
        %parallel_loop3A_399 = arith.addf %parallel_loop3A_384, %parallel_loop3A_398 : vector<16xf32>
        %parallel_loop3A_400 = arith.constant 25 : i32
        %parallel_loop3A_401 = arith.index_cast %parallel_loop3A_400 : i32 to index
        %parallel_loop3A_402 = arith.index_cast %parallel_loop3A_22 : i32 to index
        %parallel_loop3A_403 = tpu.vector_load %arg7[%parallel_loop3A_401, %parallel_loop3A_402] {strides = array<i32>} : memref<32x640xf32, #tpu.memory_space<vmem>>, vector<16xf32>,
        %parallel_loop3A_404 = arith.addf %parallel_loop3A_389, %parallel_loop3A_403 : vector<16xf32>
        %parallel_loop3A_405 = arith.constant 25 : i32
        %parallel_loop3A_406 = arith.index_cast %parallel_loop3A_405 : i32 to index
        %parallel_loop3A_407 = arith.index_cast %parallel_loop3A_22 : i32 to index
        %parallel_loop3A_408 = tpu.vector_load %arg8[%parallel_loop3A_406, %parallel_loop3A_407] {strides = array<i32>} : memref<32x640xf32, #tpu.memory_space<vmem>>, vector<16xf32>,
        %parallel_loop3A_409 = arith.addf %parallel_loop3A_394, %parallel_loop3A_408 : vector<16xf32>
        %parallel_loop3A_410 = arith.constant 26 : i32
        %parallel_loop3A_411 = arith.index_cast %parallel_loop3A_410 : i32 to index
        %parallel_loop3A_412 = arith.index_cast %parallel_loop3A_22 : i32 to index
        %parallel_loop3A_413 = tpu.vector_load %arg6[%parallel_loop3A_411, %parallel_loop3A_412] {strides = array<i32>} : memref<32x640xf32, #tpu.memory_space<vmem>>, vector<16xf32>,
        %parallel_loop3A_414 = arith.addf %parallel_loop3A_399, %parallel_loop3A_413 : vector<16xf32>
        %parallel_loop3A_415 = arith.constant 26 : i32
        %parallel_loop3A_416 = arith.index_cast %parallel_loop3A_415 : i32 to index
        %parallel_loop3A_417 = arith.index_cast %parallel_loop3A_22 : i32 to index
        %parallel_loop3A_418 = tpu.vector_load %arg7[%parallel_loop3A_416, %parallel_loop3A_417] {strides = array<i32>} : memref<32x640xf32, #tpu.memory_space<vmem>>, vector<16xf32>,
        %parallel_loop3A_419 = arith.addf %parallel_loop3A_404, %parallel_loop3A_418 : vector<16xf32>
        %parallel_loop3A_420 = arith.constant 26 : i32
        %parallel_loop3A_421 = arith.index_cast %parallel_loop3A_420 : i32 to index
        %parallel_loop3A_422 = arith.index_cast %parallel_loop3A_22 : i32 to index
        %parallel_loop3A_423 = tpu.vector_load %arg8[%parallel_loop3A_421, %parallel_loop3A_422] {strides = array<i32>} : memref<32x640xf32, #tpu.memory_space<vmem>>, vector<16xf32>,
        %parallel_loop3A_424 = arith.addf %parallel_loop3A_409, %parallel_loop3A_423 : vector<16xf32>
        %parallel_loop3A_425 = arith.constant 27 : i32
        %parallel_loop3A_426 = arith.index_cast %parallel_loop3A_425 : i32 to index
        %parallel_loop3A_427 = arith.index_cast %parallel_loop3A_22 : i32 to index
        %parallel_loop3A_428 = tpu.vector_load %arg6[%parallel_loop3A_426, %parallel_loop3A_427] {strides = array<i32>} : memref<32x640xf32, #tpu.memory_space<vmem>>, vector<16xf32>,
        %parallel_loop3A_429 = arith.addf %parallel_loop3A_414, %parallel_loop3A_428 : vector<16xf32>
        %parallel_loop3A_430 = arith.constant 27 : i32
        %parallel_loop3A_431 = arith.index_cast %parallel_loop3A_430 : i32 to index
        %parallel_loop3A_432 = arith.index_cast %parallel_loop3A_22 : i32 to index
        %parallel_loop3A_433 = tpu.vector_load %arg7[%parallel_loop3A_431, %parallel_loop3A_432] {strides = array<i32>} : memref<32x640xf32, #tpu.memory_space<vmem>>, vector<16xf32>,
        %parallel_loop3A_434 = arith.addf %parallel_loop3A_419, %parallel_loop3A_433 : vector<16xf32>
        %parallel_loop3A_435 = arith.constant 27 : i32
        %parallel_loop3A_436 = arith.index_cast %parallel_loop3A_435 : i32 to index
        %parallel_loop3A_437 = arith.index_cast %parallel_loop3A_22 : i32 to index
        %parallel_loop3A_438 = tpu.vector_load %arg8[%parallel_loop3A_436, %parallel_loop3A_437] {strides = array<i32>} : memref<32x640xf32, #tpu.memory_space<vmem>>, vector<16xf32>,
        %parallel_loop3A_439 = arith.addf %parallel_loop3A_424, %parallel_loop3A_438 : vector<16xf32>
        %parallel_loop3A_440 = arith.constant 28 : i32
        %parallel_loop3A_441 = arith.index_cast %parallel_loop3A_440 : i32 to index
        %parallel_loop3A_442 = arith.index_cast %parallel_loop3A_22 : i32 to index
        %parallel_loop3A_443 = tpu.vector_load %arg6[%parallel_loop3A_441, %parallel_loop3A_442] {strides = array<i32>} : memref<32x640xf32, #tpu.memory_space<vmem>>, vector<16xf32>,
        %parallel_loop3A_444 = arith.addf %parallel_loop3A_429, %parallel_loop3A_443 : vector<16xf32>
        %parallel_loop3A_445 = arith.constant 28 : i32
        %parallel_loop3A_446 = arith.index_cast %parallel_loop3A_445 : i32 to index
        %parallel_loop3A_447 = arith.index_cast %parallel_loop3A_22 : i32 to index
        %parallel_loop3A_448 = tpu.vector_load %arg7[%parallel_loop3A_446, %parallel_loop3A_447] {strides = array<i32>} : memref<32x640xf32, #tpu.memory_space<vmem>>, vector<16xf32>,
        %parallel_loop3A_449 = arith.addf %parallel_loop3A_434, %parallel_loop3A_448 : vector<16xf32>
        %parallel_loop3A_450 = arith.constant 28 : i32
        %parallel_loop3A_451 = arith.index_cast %parallel_loop3A_450 : i32 to index
        %parallel_loop3A_452 = arith.index_cast %parallel_loop3A_22 : i32 to index
        %parallel_loop3A_453 = tpu.vector_load %arg8[%parallel_loop3A_451, %parallel_loop3A_452] {strides = array<i32>} : memref<32x640xf32, #tpu.memory_space<vmem>>, vector<16xf32>,
        %parallel_loop3A_454 = arith.addf %parallel_loop3A_439, %parallel_loop3A_453 : vector<16xf32>
        %parallel_loop3A_455 = arith.constant 29 : i32
        %parallel_loop3A_456 = arith.index_cast %parallel_loop3A_455 : i32 to index
        %parallel_loop3A_457 = arith.index_cast %parallel_loop3A_22 : i32 to index
        %parallel_loop3A_458 = tpu.vector_load %arg6[%parallel_loop3A_456, %parallel_loop3A_457] {strides = array<i32>} : memref<32x640xf32, #tpu.memory_space<vmem>>, vector<16xf32>,
        %parallel_loop3A_459 = arith.addf %parallel_loop3A_444, %parallel_loop3A_458 : vector<16xf32>
        %parallel_loop3A_460 = arith.constant 29 : i32
        %parallel_loop3A_461 = arith.index_cast %parallel_loop3A_460 : i32 to index
        %parallel_loop3A_462 = arith.index_cast %parallel_loop3A_22 : i32 to index
        %parallel_loop3A_463 = tpu.vector_load %arg7[%parallel_loop3A_461, %parallel_loop3A_462] {strides = array<i32>} : memref<32x640xf32, #tpu.memory_space<vmem>>, vector<16xf32>,
        %parallel_loop3A_464 = arith.addf %parallel_loop3A_449, %parallel_loop3A_463 : vector<16xf32>
        %parallel_loop3A_465 = arith.constant 29 : i32
        %parallel_loop3A_466 = arith.index_cast %parallel_loop3A_465 : i32 to index
        %parallel_loop3A_467 = arith.index_cast %parallel_loop3A_22 : i32 to index
        %parallel_loop3A_468 = tpu.vector_load %arg8[%parallel_loop3A_466, %parallel_loop3A_467] {strides = array<i32>} : memref<32x640xf32, #tpu.memory_space<vmem>>, vector<16xf32>,
        %parallel_loop3A_469 = arith.addf %parallel_loop3A_454, %parallel_loop3A_468 : vector<16xf32>
        %parallel_loop3A_470 = arith.constant 30 : i32
        %parallel_loop3A_471 = arith.index_cast %parallel_loop3A_470 : i32 to index
        %parallel_loop3A_472 = arith.index_cast %parallel_loop3A_22 : i32 to index
        %parallel_loop3A_473 = tpu.vector_load %arg6[%parallel_loop3A_471, %parallel_loop3A_472] {strides = array<i32>} : memref<32x640xf32, #tpu.memory_space<vmem>>, vector<16xf32>,
        %parallel_loop3A_474 = arith.addf %parallel_loop3A_459, %parallel_loop3A_473 : vector<16xf32>
        %parallel_loop3A_475 = arith.constant 30 : i32
        %parallel_loop3A_476 = arith.index_cast %parallel_loop3A_475 : i32 to index
        %parallel_loop3A_477 = arith.index_cast %parallel_loop3A_22 : i32 to index
        %parallel_loop3A_478 = tpu.vector_load %arg7[%parallel_loop3A_476, %parallel_loop3A_477] {strides = array<i32>} : memref<32x640xf32, #tpu.memory_space<vmem>>, vector<16xf32>,
        %parallel_loop3A_479 = arith.addf %parallel_loop3A_464, %parallel_loop3A_478 : vector<16xf32>
        %parallel_loop3A_480 = arith.constant 30 : i32
        %parallel_loop3A_481 = arith.index_cast %parallel_loop3A_480 : i32 to index
        %parallel_loop3A_482 = arith.index_cast %parallel_loop3A_22 : i32 to index
        %parallel_loop3A_483 = tpu.vector_load %arg8[%parallel_loop3A_481, %parallel_loop3A_482] {strides = array<i32>} : memref<32x640xf32, #tpu.memory_space<vmem>>, vector<16xf32>,
        %parallel_loop3A_484 = arith.addf %parallel_loop3A_469, %parallel_loop3A_483 : vector<16xf32>
        %parallel_loop3A_485 = arith.constant 31 : i32
        %parallel_loop3A_486 = arith.index_cast %parallel_loop3A_485 : i32 to index
        %parallel_loop3A_487 = arith.index_cast %parallel_loop3A_22 : i32 to index
        %parallel_loop3A_488 = tpu.vector_load %arg6[%parallel_loop3A_486, %parallel_loop3A_487] {strides = array<i32>} : memref<32x640xf32, #tpu.memory_space<vmem>>, vector<16xf32>,
        %parallel_loop3A_489 = arith.addf %parallel_loop3A_474, %parallel_loop3A_488 : vector<16xf32>
        %parallel_loop3A_490 = arith.constant 31 : i32
        %parallel_loop3A_491 = arith.index_cast %parallel_loop3A_490 : i32 to index
        %parallel_loop3A_492 = arith.index_cast %parallel_loop3A_22 : i32 to index
        %parallel_loop3A_493 = tpu.vector_load %arg7[%parallel_loop3A_491, %parallel_loop3A_492] {strides = array<i32>} : memref<32x640xf32, #tpu.memory_space<vmem>>, vector<16xf32>,
        %parallel_loop3A_494 = arith.addf %parallel_loop3A_479, %parallel_loop3A_493 : vector<16xf32>
        %parallel_loop3A_495 = arith.constant 31 : i32
        %parallel_loop3A_496 = arith.index_cast %parallel_loop3A_495 : i32 to index
        %parallel_loop3A_497 = arith.index_cast %parallel_loop3A_22 : i32 to index
        %parallel_loop3A_498 = tpu.vector_load %arg8[%parallel_loop3A_496, %parallel_loop3A_497] {strides = array<i32>} : memref<32x640xf32, #tpu.memory_space<vmem>>, vector<16xf32>,
        %parallel_loop3A_499 = arith.addf %parallel_loop3A_484, %parallel_loop3A_498 : vector<16xf32>
        %parallel_loop3A_500 = arith.constant 1.000000e-16 : f32
        %parallel_loop3A_501 = vector.broadcast %parallel_loop3A_500 : f32 to vector<16xf32>
        %parallel_loop3A_502 = arith.addf %parallel_loop3A_489, %parallel_loop3A_501 : vector<16xf32>
        %parallel_loop3A_503 = arith.divf %parallel_loop3A_494, %parallel_loop3A_502 : vector<16xf32>
        %parallel_loop3A_504 = arith.divf %parallel_loop3A_499, %parallel_loop3A_502 : vector<16xf32>
        %parallel_loop3A_505 = arith.constant 2.000000e+00 : f32
        %parallel_loop3A_506 = vector.broadcast %parallel_loop3A_505 : f32 to vector<16xf32>
        %parallel_loop3A_507 = arith.mulf %parallel_loop3A_506, %parallel_loop3A_503 : vector<16xf32>
        %parallel_loop3A_508 = math.exp %parallel_loop3A_507 : vector<16xf32>
        %parallel_loop3A_509 = arith.constant 1.000000e+00 : f32
        %parallel_loop3A_510 = vector.broadcast %parallel_loop3A_509 : f32 to vector<16xf32>
        %parallel_loop3A_511 = arith.addf %parallel_loop3A_508, %parallel_loop3A_510 : vector<16xf32>
        %parallel_loop3A_512 = arith.constant 2.000000e+00 : f32
        %parallel_loop3A_513 = vector.broadcast %parallel_loop3A_512 : f32 to vector<16xf32>
        %parallel_loop3A_514 = arith.divf %parallel_loop3A_513, %parallel_loop3A_511 : vector<16xf32>
        %parallel_loop3A_515 = arith.constant 1.000000e+00 : f32
        %parallel_loop3A_516 = vector.broadcast %parallel_loop3A_515 : f32 to vector<16xf32>
        %parallel_loop3A_517 = arith.subf %parallel_loop3A_516, %parallel_loop3A_514 : vector<16xf32>
        %parallel_loop3A_518 = arith.constant 2.000000e+00 : f32
        %parallel_loop3A_519 = vector.broadcast %parallel_loop3A_518 : f32 to vector<16xf32>
        %parallel_loop3A_520 = arith.mulf %parallel_loop3A_519, %parallel_loop3A_504 : vector<16xf32>
        %parallel_loop3A_521 = math.exp %parallel_loop3A_520 : vector<16xf32>
        %parallel_loop3A_522 = arith.constant 1.000000e+00 : f32
        %parallel_loop3A_523 = vector.broadcast %parallel_loop3A_522 : f32 to vector<16xf32>
        %parallel_loop3A_524 = arith.addf %parallel_loop3A_521, %parallel_loop3A_523 : vector<16xf32>
        %parallel_loop3A_525 = arith.constant 2.000000e+00 : f32
        %parallel_loop3A_526 = vector.broadcast %parallel_loop3A_525 : f32 to vector<16xf32>
        %parallel_loop3A_527 = arith.divf %parallel_loop3A_526, %parallel_loop3A_524 : vector<16xf32>
        %parallel_loop3A_528 = arith.constant 1.000000e+00 : f32
        %parallel_loop3A_529 = vector.broadcast %parallel_loop3A_528 : f32 to vector<16xf32>
        %parallel_loop3A_530 = arith.subf %parallel_loop3A_529, %parallel_loop3A_527 : vector<16xf32>
        %parallel_loop3A_531 = arith.constant 2 : i32
        %parallel_loop3A_532 = arith.muli %parallel_loop3A_22, %parallel_loop3A_531 : i32
        %parallel_loop3A_533 = vector.broadcast %parallel_loop3A_532 : i32 to vector<16xi32>
        %parallel_loop3A_534 = arith.addi %parallel_loop3A_533, %mul3A_18 : vector<16xi32>
        tpu.vector_store_idx %arg9[%parallel_loop3A_534], %parallel_loop3A_517 : memref<1280xf32, #tpu.memory_space<vmem>>[vector<16xi32>], vector<16xf32>,
        %parallel_loop3A_535 = arith.constant 1 : i32
        %parallel_loop3A_536 = vector.broadcast %parallel_loop3A_535 : i32 to vector<16xi32>
        %parallel_loop3A_537 = arith.addi %parallel_loop3A_534, %parallel_loop3A_536 : vector<16xi32>
        tpu.vector_store_idx %arg9[%parallel_loop3A_537], %parallel_loop3A_530 : memref<1280xf32, #tpu.memory_space<vmem>>[vector<16xi32>], vector<16xf32>,
      } {sc.loop_unroll_factor = 1 : i64, sc.parallel_access}
    } else {
    }
    %lt3A = arith.constant 15 : i32
    %lt3A_5 = arith.cmpi slt, %add3A, %lt3A : i32
    %convert_element_type3A_6 = arith.extui %lt3A_5 : i1 to i32
    %cond3A_7 = arith.constant 0 : i32
    %cond3A_8 = arith.cmpi ne, %convert_element_type3A_6, %cond3A_7 : i32
    scf.if %cond3A_8 {
      %mul3A_13 = arith.constant 2 : i32
      %mul3A_14 = arith.muli %mul3A_13, %mul3A_2 : i32
      "tpu.region"() ({
        %run_scoped3A = tpu.sem_alloc : memref<!tpu.dma_semaphore, #tpu.memory_space<semaphore_mem>>
        %dma_start3A = tpu.memref_slice %arg5[%mul3A_14] : memref<20000xf32, #tpu.memory_space<hbm>> -> memref<1280xf32, #tpu.memory_space<hbm>>
        %dma_start3A_15 = tpu.memref_slice %arg5[%mul3A_14] : memref<20000xf32, #tpu.memory_space<hbm>> -> memref<1280xf32, #tpu.memory_space<hbm>>
        tpu.enqueue_dma source(%arg9 : memref<1280xf32, #tpu.memory_space<vmem>>) target(%dma_start3A_15 : memref<1280xf32, #tpu.memory_space<hbm>>) target_semaphore(%run_scoped3A : memref<!tpu.dma_semaphore, #tpu.memory_space<semaphore_mem>>)
        %dma_wait3A = tpu.memref_slice %arg5[%mul3A_14] : memref<20000xf32, #tpu.memory_space<hbm>> -> memref<1280xf32, #tpu.memory_space<hbm>>
        %dma_wait3A_16 = tpu.memref_slice %arg5[%mul3A_14] : memref<20000xf32, #tpu.memory_space<hbm>> -> memref<1280xf32, #tpu.memory_space<hbm>>
        tpu.wait_dma2 semaphore(%run_scoped3A : memref<!tpu.dma_semaphore, #tpu.memory_space<semaphore_mem>>) src(%arg9 : memref<1280xf32, #tpu.memory_space<vmem>>) dst(%dma_wait3A_16 : memref<1280xf32, #tpu.memory_space<hbm>>)
        tpu.yield
      }) : () -> ()
    } else {
    }
    %eq3A = arith.constant 15 : i32
    %eq3A_9 = arith.cmpi eq, %add3A, %eq3A : i32
    %convert_element_type3A_10 = arith.extui %eq3A_9 : i1 to i32
    %cond3A_11 = arith.constant 0 : i32
    %cond3A_12 = arith.cmpi ne, %convert_element_type3A_10, %cond3A_11 : i32
    scf.if %cond3A_12 {
      %mul3A_13 = arith.constant 2 : i32
      %mul3A_14 = arith.muli %mul3A_13, %mul3A_2 : i32
      "tpu.region"() ({
        %run_scoped3A = tpu.sem_alloc : memref<!tpu.dma_semaphore, #tpu.memory_space<semaphore_mem>>
        %dma_start3A = arith.constant 0 : i32
        %dma_start3A_15 = tpu.memref_slice %arg9[%dma_start3A] : memref<1280xf32, #tpu.memory_space<vmem>> -> memref<800xf32, #tpu.memory_space<vmem>>
        %dma_start3A_16 = tpu.memref_slice %arg5[%mul3A_14] : memref<20000xf32, #tpu.memory_space<hbm>> -> memref<800xf32, #tpu.memory_space<hbm>>
        %dma_start3A_17 = tpu.memref_slice %arg5[%mul3A_14] : memref<20000xf32, #tpu.memory_space<hbm>> -> memref<800xf32, #tpu.memory_space<hbm>>
        %dma_start3A_18 = arith.constant 0 : i32
        %dma_start3A_19 = tpu.memref_slice %arg9[%dma_start3A_18] : memref<1280xf32, #tpu.memory_space<vmem>> -> memref<800xf32, #tpu.memory_space<vmem>>
        tpu.enqueue_dma source(%dma_start3A_19 : memref<800xf32, #tpu.memory_space<vmem>>) target(%dma_start3A_17 : memref<800xf32, #tpu.memory_space<hbm>>) target_semaphore(%run_scoped3A : memref<!tpu.dma_semaphore, #tpu.memory_space<semaphore_mem>>)
        %dma_wait3A = arith.constant 0 : i32
        %dma_wait3A_20 = tpu.memref_slice %arg9[%dma_wait3A] : memref<1280xf32, #tpu.memory_space<vmem>> -> memref<800xf32, #tpu.memory_space<vmem>>
        %dma_wait3A_21 = tpu.memref_slice %arg5[%mul3A_14] : memref<20000xf32, #tpu.memory_space<hbm>> -> memref<800xf32, #tpu.memory_space<hbm>>
        %dma_wait3A_22 = tpu.memref_slice %arg5[%mul3A_14] : memref<20000xf32, #tpu.memory_space<hbm>> -> memref<800xf32, #tpu.memory_space<hbm>>
        %dma_wait3A_23 = arith.constant 0 : i32
        %dma_wait3A_24 = tpu.memref_slice %arg9[%dma_wait3A_23] : memref<1280xf32, #tpu.memory_space<vmem>> -> memref<800xf32, #tpu.memory_space<vmem>>
        tpu.wait_dma2 semaphore(%run_scoped3A : memref<!tpu.dma_semaphore, #tpu.memory_space<semaphore_mem>>) src(%dma_wait3A_24 : memref<800xf32, #tpu.memory_space<vmem>>) dst(%dma_wait3A_22 : memref<800xf32, #tpu.memory_space<hbm>>)
        tpu.yield
      }) : () -> ()
    } else {
    }
    return
  }
}

#map = affine_map<(d0, d1) -> (0, 0)>
#map1 = affine_map<(d0, d1) -> (0)>
#map2 = affine_map<(d0, d1) -> (0, 0, 0)>
module attributes {stable_mosaic.version = 14 : i64} {
  func.func @edge_kernel(%arg0: i32, %arg1: i32, %arg2: memref<8x10240xf32, #tpu.memory_space<hbm>>, %arg3: memref<16xf32, #tpu.memory_space<hbm>>, %arg4: memref<2500x2x128xi32, #tpu.memory_space<hbm>>, %arg5: memref<32x10240xf32, #tpu.memory_space<hbm>>, %arg6: memref<32x10240xf32, #tpu.memory_space<hbm>>, %arg7: memref<32x10240xf32, #tpu.memory_space<hbm>>, %arg8: memref<40960xf32, #tpu.memory_space<vmem>>, %arg9: memref<16xf32, #tpu.memory_space<vmem>>, %arg10: memref<79x2x128xi32, #tpu.memory_space<vmem>>, %arg11: memref<10240xf32, #tpu.memory_space<vmem>>, %arg12: memref<10240xf32, #tpu.memory_space<vmem>>, %arg13: memref<10240xf32, #tpu.memory_space<vmem>>, %arg14: memref<!tpu.dma_semaphore, #tpu.memory_space<semaphore_mem>>) attributes {dimension_semantics = [#tpu.dimension_semantics<core_parallel>, #tpu.dimension_semantics<subcore_parallel>], iteration_bounds = array<i64: 2, 16>, scalar_prefetch = 0 : i64, scratch_operands = 7 : i64, tpu.core_type = #tpu.core_type<sc_vector_subcore>, window_params = [{transform_indices = #map}, {transform_indices = #map1}, {transform_indices = #map2}, {transform_indices = #map}, {transform_indices = #map}, {transform_indices = #map}]} {
    %mul3A = arith.constant 2 : i32
    %mul3A_0 = arith.muli %arg1, %mul3A : i32
    %add3A = arith.addi %mul3A_0, %arg0 : i32
    %mul3A_1 = arith.constant 78 : i32
    %mul3A_2 = arith.muli %add3A, %mul3A_1 : i32
    %dma_start3A = arith.constant 0 : i32
    %dma_start3A_3 = arith.constant 0 : i32
    %dma_start3A_4 = tpu.memref_slice %arg8[%dma_start3A_3] : memref<40960xf32, #tpu.memory_space<vmem>> -> memref<10240xf32, #tpu.memory_space<vmem>>
    %dma_start3A_5 = arith.constant 0 : i32
    %dma_start3A_6 = tpu.memref_slice %arg2[%dma_start3A, %dma_start3A_5] : memref<8x10240xf32, #tpu.memory_space<hbm>> -> memref<1x10240xf32, #tpu.memory_space<hbm>>
    %dma_start3A_7 = tpu.memref_squeeze %dma_start3A_6 : memref<1x10240xf32, #tpu.memory_space<hbm>> -> memref<10240xf32, #tpu.memory_space<hbm>>
    %dma_start3A_8 = arith.constant 0 : i32
    %dma_start3A_9 = tpu.memref_slice %arg8[%dma_start3A_8] : memref<40960xf32, #tpu.memory_space<vmem>> -> memref<10240xf32, #tpu.memory_space<vmem>>
    %dma_start3A_10 = arith.constant 0 : i32
    %dma_start3A_11 = tpu.memref_slice %arg2[%dma_start3A, %dma_start3A_10] : memref<8x10240xf32, #tpu.memory_space<hbm>> -> memref<1x10240xf32, #tpu.memory_space<hbm>>
    %dma_start3A_12 = tpu.memref_squeeze %dma_start3A_11 : memref<1x10240xf32, #tpu.memory_space<hbm>> -> memref<10240xf32, #tpu.memory_space<hbm>>
    tpu.enqueue_dma source(%dma_start3A_12 : memref<10240xf32, #tpu.memory_space<hbm>>) target(%dma_start3A_9 : memref<10240xf32, #tpu.memory_space<vmem>>) target_semaphore(%arg14 : memref<!tpu.dma_semaphore, #tpu.memory_space<semaphore_mem>>)
    %dma_start3A_13 = arith.constant 1 : i32
    %dma_start3A_14 = arith.constant 10240 : i32
    %dma_start3A_15 = tpu.memref_slice %arg8[%dma_start3A_14] : memref<40960xf32, #tpu.memory_space<vmem>> -> memref<10240xf32, #tpu.memory_space<vmem>>
    %dma_start3A_16 = arith.constant 0 : i32
    %dma_start3A_17 = tpu.memref_slice %arg2[%dma_start3A_13, %dma_start3A_16] : memref<8x10240xf32, #tpu.memory_space<hbm>> -> memref<1x10240xf32, #tpu.memory_space<hbm>>
    %dma_start3A_18 = tpu.memref_squeeze %dma_start3A_17 : memref<1x10240xf32, #tpu.memory_space<hbm>> -> memref<10240xf32, #tpu.memory_space<hbm>>
    %dma_start3A_19 = arith.constant 10240 : i32
    %dma_start3A_20 = tpu.memref_slice %arg8[%dma_start3A_19] : memref<40960xf32, #tpu.memory_space<vmem>> -> memref<10240xf32, #tpu.memory_space<vmem>>
    %dma_start3A_21 = arith.constant 0 : i32
    %dma_start3A_22 = tpu.memref_slice %arg2[%dma_start3A_13, %dma_start3A_21] : memref<8x10240xf32, #tpu.memory_space<hbm>> -> memref<1x10240xf32, #tpu.memory_space<hbm>>
    %dma_start3A_23 = tpu.memref_squeeze %dma_start3A_22 : memref<1x10240xf32, #tpu.memory_space<hbm>> -> memref<10240xf32, #tpu.memory_space<hbm>>
    tpu.enqueue_dma source(%dma_start3A_23 : memref<10240xf32, #tpu.memory_space<hbm>>) target(%dma_start3A_20 : memref<10240xf32, #tpu.memory_space<vmem>>) target_semaphore(%arg14 : memref<!tpu.dma_semaphore, #tpu.memory_space<semaphore_mem>>)
    %dma_start3A_24 = arith.constant 2 : i32
    %dma_start3A_25 = arith.constant 20480 : i32
    %dma_start3A_26 = tpu.memref_slice %arg8[%dma_start3A_25] : memref<40960xf32, #tpu.memory_space<vmem>> -> memref<10240xf32, #tpu.memory_space<vmem>>
    %dma_start3A_27 = arith.constant 0 : i32
    %dma_start3A_28 = tpu.memref_slice %arg2[%dma_start3A_24, %dma_start3A_27] : memref<8x10240xf32, #tpu.memory_space<hbm>> -> memref<1x10240xf32, #tpu.memory_space<hbm>>
    %dma_start3A_29 = tpu.memref_squeeze %dma_start3A_28 : memref<1x10240xf32, #tpu.memory_space<hbm>> -> memref<10240xf32, #tpu.memory_space<hbm>>
    %dma_start3A_30 = arith.constant 20480 : i32
    %dma_start3A_31 = tpu.memref_slice %arg8[%dma_start3A_30] : memref<40960xf32, #tpu.memory_space<vmem>> -> memref<10240xf32, #tpu.memory_space<vmem>>
    %dma_start3A_32 = arith.constant 0 : i32
    %dma_start3A_33 = tpu.memref_slice %arg2[%dma_start3A_24, %dma_start3A_32] : memref<8x10240xf32, #tpu.memory_space<hbm>> -> memref<1x10240xf32, #tpu.memory_space<hbm>>
    %dma_start3A_34 = tpu.memref_squeeze %dma_start3A_33 : memref<1x10240xf32, #tpu.memory_space<hbm>> -> memref<10240xf32, #tpu.memory_space<hbm>>
    tpu.enqueue_dma source(%dma_start3A_34 : memref<10240xf32, #tpu.memory_space<hbm>>) target(%dma_start3A_31 : memref<10240xf32, #tpu.memory_space<vmem>>) target_semaphore(%arg14 : memref<!tpu.dma_semaphore, #tpu.memory_space<semaphore_mem>>)
    %dma_start3A_35 = arith.constant 3 : i32
    %dma_start3A_36 = arith.constant 30720 : i32
    %dma_start3A_37 = tpu.memref_slice %arg8[%dma_start3A_36] : memref<40960xf32, #tpu.memory_space<vmem>> -> memref<10240xf32, #tpu.memory_space<vmem>>
    %dma_start3A_38 = arith.constant 0 : i32
    %dma_start3A_39 = tpu.memref_slice %arg2[%dma_start3A_35, %dma_start3A_38] : memref<8x10240xf32, #tpu.memory_space<hbm>> -> memref<1x10240xf32, #tpu.memory_space<hbm>>
    %dma_start3A_40 = tpu.memref_squeeze %dma_start3A_39 : memref<1x10240xf32, #tpu.memory_space<hbm>> -> memref<10240xf32, #tpu.memory_space<hbm>>
    %dma_start3A_41 = arith.constant 30720 : i32
    %dma_start3A_42 = tpu.memref_slice %arg8[%dma_start3A_41] : memref<40960xf32, #tpu.memory_space<vmem>> -> memref<10240xf32, #tpu.memory_space<vmem>>
    %dma_start3A_43 = arith.constant 0 : i32
    %dma_start3A_44 = tpu.memref_slice %arg2[%dma_start3A_35, %dma_start3A_43] : memref<8x10240xf32, #tpu.memory_space<hbm>> -> memref<1x10240xf32, #tpu.memory_space<hbm>>
    %dma_start3A_45 = tpu.memref_squeeze %dma_start3A_44 : memref<1x10240xf32, #tpu.memory_space<hbm>> -> memref<10240xf32, #tpu.memory_space<hbm>>
    tpu.enqueue_dma source(%dma_start3A_45 : memref<10240xf32, #tpu.memory_space<hbm>>) target(%dma_start3A_42 : memref<10240xf32, #tpu.memory_space<vmem>>) target_semaphore(%arg14 : memref<!tpu.dma_semaphore, #tpu.memory_space<semaphore_mem>>)
    tpu.enqueue_dma source(%arg3 : memref<16xf32, #tpu.memory_space<hbm>>) target(%arg9 : memref<16xf32, #tpu.memory_space<vmem>>) target_semaphore(%arg14 : memref<!tpu.dma_semaphore, #tpu.memory_space<semaphore_mem>>)
    %dma_start3A_46 = arith.constant 0 : i32
    %dma_start3A_47 = arith.constant 0 : i32
    %dma_start3A_48 = arith.constant 0 : i32
    %dma_start3A_49 = tpu.memref_slice %arg10[%dma_start3A_46, %dma_start3A_47, %dma_start3A_48] : memref<79x2x128xi32, #tpu.memory_space<vmem>> -> memref<78x2x128xi32, #tpu.memory_space<vmem>>
    %dma_start3A_50 = arith.constant 0 : i32
    %dma_start3A_51 = arith.constant 0 : i32
    %dma_start3A_52 = tpu.memref_slice %arg4[%mul3A_2, %dma_start3A_50, %dma_start3A_51] : memref<2500x2x128xi32, #tpu.memory_space<hbm>> -> memref<78x2x128xi32, #tpu.memory_space<hbm>>
    %dma_start3A_53 = arith.constant 0 : i32
    %dma_start3A_54 = arith.constant 0 : i32
    %dma_start3A_55 = arith.constant 0 : i32
    %dma_start3A_56 = tpu.memref_slice %arg10[%dma_start3A_53, %dma_start3A_54, %dma_start3A_55] : memref<79x2x128xi32, #tpu.memory_space<vmem>> -> memref<78x2x128xi32, #tpu.memory_space<vmem>>
    %dma_start3A_57 = arith.constant 0 : i32
    %dma_start3A_58 = arith.constant 0 : i32
    %dma_start3A_59 = tpu.memref_slice %arg4[%mul3A_2, %dma_start3A_57, %dma_start3A_58] : memref<2500x2x128xi32, #tpu.memory_space<hbm>> -> memref<78x2x128xi32, #tpu.memory_space<hbm>>
    tpu.enqueue_dma source(%dma_start3A_59 : memref<78x2x128xi32, #tpu.memory_space<hbm>>) target(%dma_start3A_56 : memref<78x2x128xi32, #tpu.memory_space<vmem>>) target_semaphore(%arg14 : memref<!tpu.dma_semaphore, #tpu.memory_space<semaphore_mem>>)
    %ge3A = arith.constant 28 : i32
    %ge3A_60 = arith.cmpi sge, %add3A, %ge3A : i32
    %convert_element_type3A = arith.extui %ge3A_60 : i1 to i32
    %cond3A = arith.constant 0 : i32
    %cond3A_61 = arith.cmpi ne, %convert_element_type3A, %cond3A : i32
    scf.if %cond3A_61 {
      %add3A_131 = arith.constant 2468 : i32
      %add3A_132 = arith.addi %add3A_131, %add3A : i32
      "tpu.region"() ({
        %run_scoped3A = tpu.sem_alloc : memref<!tpu.dma_semaphore, #tpu.memory_space<semaphore_mem>>
        %dma_start3A_133 = arith.constant 78 : i32
        %dma_start3A_134 = arith.constant 0 : i32
        %dma_start3A_135 = arith.constant 0 : i32
        %dma_start3A_136 = tpu.memref_slice %arg10[%dma_start3A_133, %dma_start3A_134, %dma_start3A_135] : memref<79x2x128xi32, #tpu.memory_space<vmem>> -> memref<1x2x128xi32, #tpu.memory_space<vmem>>
        %dma_start3A_137 = arith.constant 0 : i32
        %dma_start3A_138 = arith.constant 0 : i32
        %dma_start3A_139 = tpu.memref_slice %arg4[%add3A_132, %dma_start3A_137, %dma_start3A_138] : memref<2500x2x128xi32, #tpu.memory_space<hbm>> -> memref<1x2x128xi32, #tpu.memory_space<hbm>>
        %dma_start3A_140 = arith.constant 78 : i32
        %dma_start3A_141 = arith.constant 0 : i32
        %dma_start3A_142 = arith.constant 0 : i32
        %dma_start3A_143 = tpu.memref_slice %arg10[%dma_start3A_140, %dma_start3A_141, %dma_start3A_142] : memref<79x2x128xi32, #tpu.memory_space<vmem>> -> memref<1x2x128xi32, #tpu.memory_space<vmem>>
        %dma_start3A_144 = arith.constant 0 : i32
        %dma_start3A_145 = arith.constant 0 : i32
        %dma_start3A_146 = tpu.memref_slice %arg4[%add3A_132, %dma_start3A_144, %dma_start3A_145] : memref<2500x2x128xi32, #tpu.memory_space<hbm>> -> memref<1x2x128xi32, #tpu.memory_space<hbm>>
        tpu.enqueue_dma source(%dma_start3A_146 : memref<1x2x128xi32, #tpu.memory_space<hbm>>) target(%dma_start3A_143 : memref<1x2x128xi32, #tpu.memory_space<vmem>>) target_semaphore(%run_scoped3A : memref<!tpu.dma_semaphore, #tpu.memory_space<semaphore_mem>>)
        %dma_wait3A_147 = arith.constant 78 : i32
        %dma_wait3A_148 = arith.constant 0 : i32
        %dma_wait3A_149 = arith.constant 0 : i32
        %dma_wait3A_150 = tpu.memref_slice %arg10[%dma_wait3A_147, %dma_wait3A_148, %dma_wait3A_149] : memref<79x2x128xi32, #tpu.memory_space<vmem>> -> memref<1x2x128xi32, #tpu.memory_space<vmem>>
        %dma_wait3A_151 = arith.constant 0 : i32
        %dma_wait3A_152 = arith.constant 0 : i32
        %dma_wait3A_153 = tpu.memref_slice %arg4[%add3A_132, %dma_wait3A_151, %dma_wait3A_152] : memref<2500x2x128xi32, #tpu.memory_space<hbm>> -> memref<1x2x128xi32, #tpu.memory_space<hbm>>
        %dma_wait3A_154 = arith.constant 78 : i32
        %dma_wait3A_155 = arith.constant 0 : i32
        %dma_wait3A_156 = arith.constant 0 : i32
        %dma_wait3A_157 = tpu.memref_slice %arg10[%dma_wait3A_154, %dma_wait3A_155, %dma_wait3A_156] : memref<79x2x128xi32, #tpu.memory_space<vmem>> -> memref<1x2x128xi32, #tpu.memory_space<vmem>>
        %dma_wait3A_158 = arith.constant 0 : i32
        %dma_wait3A_159 = arith.constant 0 : i32
        %dma_wait3A_160 = tpu.memref_slice %arg4[%add3A_132, %dma_wait3A_158, %dma_wait3A_159] : memref<2500x2x128xi32, #tpu.memory_space<hbm>> -> memref<1x2x128xi32, #tpu.memory_space<hbm>>
        tpu.wait_dma2 semaphore(%run_scoped3A : memref<!tpu.dma_semaphore, #tpu.memory_space<semaphore_mem>>) src(%dma_wait3A_160 : memref<1x2x128xi32, #tpu.memory_space<hbm>>) dst(%dma_wait3A_157 : memref<1x2x128xi32, #tpu.memory_space<vmem>>)
        tpu.yield
      }) : () -> ()
    } else {
    }
    %broadcast_in_dim3A = arith.constant 0.000000e+00 : f32
    %broadcast_in_dim3A_62 = vector.broadcast %broadcast_in_dim3A : f32 to vector<16xf32>
    %parallel_loop3A = arith.constant 0 : i32
    %parallel_loop3A_63 = arith.constant 640 : i32
    %parallel_loop3A_64 = arith.constant 1 : i32
    scf.for %parallel_loop3A_131 = %parallel_loop3A to %parallel_loop3A_63 step %parallel_loop3A_64  : i32 {
      %parallel_loop3A_132 = arith.constant 16 : i32
      %parallel_loop3A_133 = arith.muli %parallel_loop3A_131, %parallel_loop3A_132 : i32
      %parallel_loop3A_134 = arith.index_cast %parallel_loop3A_133 : i32 to index
      %parallel_loop3A_135 = tpu.vector_load %arg11[%parallel_loop3A_134] {strides = array<i32>} : memref<10240xf32, #tpu.memory_space<vmem>>, vector<16xf32>,
      tpu.vector_store %arg11[%parallel_loop3A_134], %broadcast_in_dim3A_62 {strides = array<i32>} : memref<10240xf32, #tpu.memory_space<vmem>>, vector<16xf32>,
      %parallel_loop3A_136 = arith.index_cast %parallel_loop3A_133 : i32 to index
      %parallel_loop3A_137 = tpu.vector_load %arg12[%parallel_loop3A_136] {strides = array<i32>} : memref<10240xf32, #tpu.memory_space<vmem>>, vector<16xf32>,
      tpu.vector_store %arg12[%parallel_loop3A_136], %broadcast_in_dim3A_62 {strides = array<i32>} : memref<10240xf32, #tpu.memory_space<vmem>>, vector<16xf32>,
      %parallel_loop3A_138 = arith.index_cast %parallel_loop3A_133 : i32 to index
      %parallel_loop3A_139 = tpu.vector_load %arg13[%parallel_loop3A_138] {strides = array<i32>} : memref<10240xf32, #tpu.memory_space<vmem>>, vector<16xf32>,
      tpu.vector_store %arg13[%parallel_loop3A_138], %broadcast_in_dim3A_62 {strides = array<i32>} : memref<10240xf32, #tpu.memory_space<vmem>>, vector<16xf32>,
    } {sc.loop_unroll_factor = 8 : i64, sc.parallel_access}
    %dma_wait3A = arith.constant 0 : i32
    %dma_wait3A_65 = arith.constant 0 : i32
    %dma_wait3A_66 = tpu.memref_slice %arg8[%dma_wait3A_65] : memref<40960xf32, #tpu.memory_space<vmem>> -> memref<10240xf32, #tpu.memory_space<vmem>>
    %dma_wait3A_67 = arith.constant 0 : i32
    %dma_wait3A_68 = tpu.memref_slice %arg2[%dma_wait3A, %dma_wait3A_67] : memref<8x10240xf32, #tpu.memory_space<hbm>> -> memref<1x10240xf32, #tpu.memory_space<hbm>>
    %dma_wait3A_69 = tpu.memref_squeeze %dma_wait3A_68 : memref<1x10240xf32, #tpu.memory_space<hbm>> -> memref<10240xf32, #tpu.memory_space<hbm>>
    %dma_wait3A_70 = arith.constant 0 : i32
    %dma_wait3A_71 = tpu.memref_slice %arg8[%dma_wait3A_70] : memref<40960xf32, #tpu.memory_space<vmem>> -> memref<10240xf32, #tpu.memory_space<vmem>>
    %dma_wait3A_72 = arith.constant 0 : i32
    %dma_wait3A_73 = tpu.memref_slice %arg2[%dma_wait3A, %dma_wait3A_72] : memref<8x10240xf32, #tpu.memory_space<hbm>> -> memref<1x10240xf32, #tpu.memory_space<hbm>>
    %dma_wait3A_74 = tpu.memref_squeeze %dma_wait3A_73 : memref<1x10240xf32, #tpu.memory_space<hbm>> -> memref<10240xf32, #tpu.memory_space<hbm>>
    tpu.wait_dma2 semaphore(%arg14 : memref<!tpu.dma_semaphore, #tpu.memory_space<semaphore_mem>>) src(%dma_wait3A_74 : memref<10240xf32, #tpu.memory_space<hbm>>) dst(%dma_wait3A_71 : memref<10240xf32, #tpu.memory_space<vmem>>)
    %dma_wait3A_75 = arith.constant 1 : i32
    %dma_wait3A_76 = arith.constant 10240 : i32
    %dma_wait3A_77 = tpu.memref_slice %arg8[%dma_wait3A_76] : memref<40960xf32, #tpu.memory_space<vmem>> -> memref<10240xf32, #tpu.memory_space<vmem>>
    %dma_wait3A_78 = arith.constant 0 : i32
    %dma_wait3A_79 = tpu.memref_slice %arg2[%dma_wait3A_75, %dma_wait3A_78] : memref<8x10240xf32, #tpu.memory_space<hbm>> -> memref<1x10240xf32, #tpu.memory_space<hbm>>
    %dma_wait3A_80 = tpu.memref_squeeze %dma_wait3A_79 : memref<1x10240xf32, #tpu.memory_space<hbm>> -> memref<10240xf32, #tpu.memory_space<hbm>>
    %dma_wait3A_81 = arith.constant 10240 : i32
    %dma_wait3A_82 = tpu.memref_slice %arg8[%dma_wait3A_81] : memref<40960xf32, #tpu.memory_space<vmem>> -> memref<10240xf32, #tpu.memory_space<vmem>>
    %dma_wait3A_83 = arith.constant 0 : i32
    %dma_wait3A_84 = tpu.memref_slice %arg2[%dma_wait3A_75, %dma_wait3A_83] : memref<8x10240xf32, #tpu.memory_space<hbm>> -> memref<1x10240xf32, #tpu.memory_space<hbm>>
    %dma_wait3A_85 = tpu.memref_squeeze %dma_wait3A_84 : memref<1x10240xf32, #tpu.memory_space<hbm>> -> memref<10240xf32, #tpu.memory_space<hbm>>
    tpu.wait_dma2 semaphore(%arg14 : memref<!tpu.dma_semaphore, #tpu.memory_space<semaphore_mem>>) src(%dma_wait3A_85 : memref<10240xf32, #tpu.memory_space<hbm>>) dst(%dma_wait3A_82 : memref<10240xf32, #tpu.memory_space<vmem>>)
    %dma_wait3A_86 = arith.constant 2 : i32
    %dma_wait3A_87 = arith.constant 20480 : i32
    %dma_wait3A_88 = tpu.memref_slice %arg8[%dma_wait3A_87] : memref<40960xf32, #tpu.memory_space<vmem>> -> memref<10240xf32, #tpu.memory_space<vmem>>
    %dma_wait3A_89 = arith.constant 0 : i32
    %dma_wait3A_90 = tpu.memref_slice %arg2[%dma_wait3A_86, %dma_wait3A_89] : memref<8x10240xf32, #tpu.memory_space<hbm>> -> memref<1x10240xf32, #tpu.memory_space<hbm>>
    %dma_wait3A_91 = tpu.memref_squeeze %dma_wait3A_90 : memref<1x10240xf32, #tpu.memory_space<hbm>> -> memref<10240xf32, #tpu.memory_space<hbm>>
    %dma_wait3A_92 = arith.constant 20480 : i32
    %dma_wait3A_93 = tpu.memref_slice %arg8[%dma_wait3A_92] : memref<40960xf32, #tpu.memory_space<vmem>> -> memref<10240xf32, #tpu.memory_space<vmem>>
    %dma_wait3A_94 = arith.constant 0 : i32
    %dma_wait3A_95 = tpu.memref_slice %arg2[%dma_wait3A_86, %dma_wait3A_94] : memref<8x10240xf32, #tpu.memory_space<hbm>> -> memref<1x10240xf32, #tpu.memory_space<hbm>>
    %dma_wait3A_96 = tpu.memref_squeeze %dma_wait3A_95 : memref<1x10240xf32, #tpu.memory_space<hbm>> -> memref<10240xf32, #tpu.memory_space<hbm>>
    tpu.wait_dma2 semaphore(%arg14 : memref<!tpu.dma_semaphore, #tpu.memory_space<semaphore_mem>>) src(%dma_wait3A_96 : memref<10240xf32, #tpu.memory_space<hbm>>) dst(%dma_wait3A_93 : memref<10240xf32, #tpu.memory_space<vmem>>)
    %dma_wait3A_97 = arith.constant 3 : i32
    %dma_wait3A_98 = arith.constant 30720 : i32
    %dma_wait3A_99 = tpu.memref_slice %arg8[%dma_wait3A_98] : memref<40960xf32, #tpu.memory_space<vmem>> -> memref<10240xf32, #tpu.memory_space<vmem>>
    %dma_wait3A_100 = arith.constant 0 : i32
    %dma_wait3A_101 = tpu.memref_slice %arg2[%dma_wait3A_97, %dma_wait3A_100] : memref<8x10240xf32, #tpu.memory_space<hbm>> -> memref<1x10240xf32, #tpu.memory_space<hbm>>
    %dma_wait3A_102 = tpu.memref_squeeze %dma_wait3A_101 : memref<1x10240xf32, #tpu.memory_space<hbm>> -> memref<10240xf32, #tpu.memory_space<hbm>>
    %dma_wait3A_103 = arith.constant 30720 : i32
    %dma_wait3A_104 = tpu.memref_slice %arg8[%dma_wait3A_103] : memref<40960xf32, #tpu.memory_space<vmem>> -> memref<10240xf32, #tpu.memory_space<vmem>>
    %dma_wait3A_105 = arith.constant 0 : i32
    %dma_wait3A_106 = tpu.memref_slice %arg2[%dma_wait3A_97, %dma_wait3A_105] : memref<8x10240xf32, #tpu.memory_space<hbm>> -> memref<1x10240xf32, #tpu.memory_space<hbm>>
    %dma_wait3A_107 = tpu.memref_squeeze %dma_wait3A_106 : memref<1x10240xf32, #tpu.memory_space<hbm>> -> memref<10240xf32, #tpu.memory_space<hbm>>
    tpu.wait_dma2 semaphore(%arg14 : memref<!tpu.dma_semaphore, #tpu.memory_space<semaphore_mem>>) src(%dma_wait3A_107 : memref<10240xf32, #tpu.memory_space<hbm>>) dst(%dma_wait3A_104 : memref<10240xf32, #tpu.memory_space<vmem>>)
    tpu.wait_dma2 semaphore(%arg14 : memref<!tpu.dma_semaphore, #tpu.memory_space<semaphore_mem>>) src(%arg3 : memref<16xf32, #tpu.memory_space<hbm>>) dst(%arg9 : memref<16xf32, #tpu.memory_space<vmem>>)
    %dma_wait3A_108 = arith.constant 0 : i32
    %dma_wait3A_109 = arith.constant 0 : i32
    %dma_wait3A_110 = arith.constant 0 : i32
    %dma_wait3A_111 = tpu.memref_slice %arg10[%dma_wait3A_108, %dma_wait3A_109, %dma_wait3A_110] : memref<79x2x128xi32, #tpu.memory_space<vmem>> -> memref<78x2x128xi32, #tpu.memory_space<vmem>>
    %dma_wait3A_112 = arith.constant 0 : i32
    %dma_wait3A_113 = arith.constant 0 : i32
    %dma_wait3A_114 = tpu.memref_slice %arg4[%mul3A_2, %dma_wait3A_112, %dma_wait3A_113] : memref<2500x2x128xi32, #tpu.memory_space<hbm>> -> memref<78x2x128xi32, #tpu.memory_space<hbm>>
    %dma_wait3A_115 = arith.constant 0 : i32
    %dma_wait3A_116 = arith.constant 0 : i32
    %dma_wait3A_117 = arith.constant 0 : i32
    %dma_wait3A_118 = tpu.memref_slice %arg10[%dma_wait3A_115, %dma_wait3A_116, %dma_wait3A_117] : memref<79x2x128xi32, #tpu.memory_space<vmem>> -> memref<78x2x128xi32, #tpu.memory_space<vmem>>
    %dma_wait3A_119 = arith.constant 0 : i32
    %dma_wait3A_120 = arith.constant 0 : i32
    %dma_wait3A_121 = tpu.memref_slice %arg4[%mul3A_2, %dma_wait3A_119, %dma_wait3A_120] : memref<2500x2x128xi32, #tpu.memory_space<hbm>> -> memref<78x2x128xi32, #tpu.memory_space<hbm>>
    tpu.wait_dma2 semaphore(%arg14 : memref<!tpu.dma_semaphore, #tpu.memory_space<semaphore_mem>>) src(%dma_wait3A_121 : memref<78x2x128xi32, #tpu.memory_space<hbm>>) dst(%dma_wait3A_118 : memref<78x2x128xi32, #tpu.memory_space<vmem>>)
    %get3A = arith.constant 0 : index
    %get3A_122 = tpu.vector_load %arg9[%get3A] {strides = array<i32>} : memref<16xf32, #tpu.memory_space<vmem>>, vector<16xf32>,
    %parallel_loop3A_123 = arith.constant 0 : i32
    %parallel_loop3A_124 = arith.constant 78 : i32
    %parallel_loop3A_125 = arith.constant 1 : i32
    scf.for %parallel_loop3A_131 = %parallel_loop3A_123 to %parallel_loop3A_124 step %parallel_loop3A_125  : i32 {
      %parallel_loop3A_132 = arith.constant 0 : i32
      %parallel_loop3A_133 = arith.index_cast %parallel_loop3A_131 : i32 to index
      %parallel_loop3A_134 = arith.index_cast %parallel_loop3A_132 : i32 to index
      %parallel_loop3A_135 = arith.constant 0 : index
      %parallel_loop3A_136 = tpu.vector_load %arg10[%parallel_loop3A_133, %parallel_loop3A_134, %parallel_loop3A_135] {strides = array<i32>} : memref<79x2x128xi32, #tpu.memory_space<vmem>>, vector<16xi32>,
      %parallel_loop3A_137 = arith.constant 1 : i32
      %parallel_loop3A_138 = arith.index_cast %parallel_loop3A_131 : i32 to index
      %parallel_loop3A_139 = arith.index_cast %parallel_loop3A_137 : i32 to index
      %parallel_loop3A_140 = arith.constant 0 : index
      %parallel_loop3A_141 = tpu.vector_load %arg10[%parallel_loop3A_138, %parallel_loop3A_139, %parallel_loop3A_140] {strides = array<i32>} : memref<79x2x128xi32, #tpu.memory_space<vmem>>, vector<16xi32>,
      %parallel_loop3A_142 = tpu.vector_load_idx %arg8[%parallel_loop3A_136] : memref<40960xf32, #tpu.memory_space<vmem>>[vector<16xi32>], vector<16xf32>,
      %parallel_loop3A_143 = arith.constant 10240 : i32
      %parallel_loop3A_144 = vector.broadcast %parallel_loop3A_143 : i32 to vector<16xi32>
      %parallel_loop3A_145 = arith.addi %parallel_loop3A_141, %parallel_loop3A_144 : vector<16xi32>
      %parallel_loop3A_146 = tpu.vector_load_idx %arg8[%parallel_loop3A_145] : memref<40960xf32, #tpu.memory_space<vmem>>[vector<16xi32>], vector<16xf32>,
      %parallel_loop3A_147 = arith.constant 20480 : i32
      %parallel_loop3A_148 = vector.broadcast %parallel_loop3A_147 : i32 to vector<16xi32>
      %parallel_loop3A_149 = arith.addi %parallel_loop3A_136, %parallel_loop3A_148 : vector<16xi32>
      %parallel_loop3A_150 = tpu.vector_load_idx %arg8[%parallel_loop3A_149] : memref<40960xf32, #tpu.memory_space<vmem>>[vector<16xi32>], vector<16xf32>,
      %parallel_loop3A_151 = arith.constant 30720 : i32
      %parallel_loop3A_152 = vector.broadcast %parallel_loop3A_151 : i32 to vector<16xi32>
      %parallel_loop3A_153 = arith.addi %parallel_loop3A_136, %parallel_loop3A_152 : vector<16xi32>
      %parallel_loop3A_154 = tpu.vector_load_idx %arg8[%parallel_loop3A_153] : memref<40960xf32, #tpu.memory_space<vmem>>[vector<16xi32>], vector<16xf32>,
      %parallel_loop3A_155 = arith.addf %parallel_loop3A_142, %parallel_loop3A_146 : vector<16xf32>
      %parallel_loop3A_156 = arith.constant 0.000000e+00 : f32
      %parallel_loop3A_157 = vector.broadcast %parallel_loop3A_156 : f32 to vector<16xf32>
      %parallel_loop3A_158 = arith.cmpf oge, %parallel_loop3A_155, %parallel_loop3A_157 : vector<16xf32>
      %parallel_loop3A_159 = arith.constant 2.000000e-01 : f32
      %parallel_loop3A_160 = vector.broadcast %parallel_loop3A_159 : f32 to vector<16xf32>
      %parallel_loop3A_161 = arith.mulf %parallel_loop3A_155, %parallel_loop3A_160 : vector<16xf32>
      %parallel_loop3A_162 = arith.select %parallel_loop3A_158, %parallel_loop3A_155, %parallel_loop3A_161 : vector<16xi1>, vector<16xf32>
      %parallel_loop3A_163 = arith.subf %parallel_loop3A_162, %get3A_122 : vector<16xf32>
      %parallel_loop3A_164 = math.exp %parallel_loop3A_163 : vector<16xf32>
      tpu.vector_store_idx %arg11[%parallel_loop3A_141], %parallel_loop3A_164 {add = true} : memref<10240xf32, #tpu.memory_space<vmem>>[vector<16xi32>], vector<16xf32>,
      %parallel_loop3A_165 = arith.mulf %parallel_loop3A_164, %parallel_loop3A_150 : vector<16xf32>
      tpu.vector_store_idx %arg12[%parallel_loop3A_141], %parallel_loop3A_165 {add = true} : memref<10240xf32, #tpu.memory_space<vmem>>[vector<16xi32>], vector<16xf32>,
      %parallel_loop3A_166 = arith.mulf %parallel_loop3A_164, %parallel_loop3A_154 : vector<16xf32>
      tpu.vector_store_idx %arg13[%parallel_loop3A_141], %parallel_loop3A_166 {add = true} : memref<10240xf32, #tpu.memory_space<vmem>>[vector<16xi32>], vector<16xf32>,
      %parallel_loop3A_167 = arith.constant 0 : i32
      %parallel_loop3A_168 = arith.index_cast %parallel_loop3A_131 : i32 to index
      %parallel_loop3A_169 = arith.index_cast %parallel_loop3A_167 : i32 to index
      %parallel_loop3A_170 = arith.constant 16 : index
      %parallel_loop3A_171 = tpu.vector_load %arg10[%parallel_loop3A_168, %parallel_loop3A_169, %parallel_loop3A_170] {strides = array<i32>} : memref<79x2x128xi32, #tpu.memory_space<vmem>>, vector<16xi32>,
      %parallel_loop3A_172 = arith.constant 1 : i32
      %parallel_loop3A_173 = arith.index_cast %parallel_loop3A_131 : i32 to index
      %parallel_loop3A_174 = arith.index_cast %parallel_loop3A_172 : i32 to index
      %parallel_loop3A_175 = arith.constant 16 : index
      %parallel_loop3A_176 = tpu.vector_load %arg10[%parallel_loop3A_173, %parallel_loop3A_174, %parallel_loop3A_175] {strides = array<i32>} : memref<79x2x128xi32, #tpu.memory_space<vmem>>, vector<16xi32>,
      %parallel_loop3A_177 = tpu.vector_load_idx %arg8[%parallel_loop3A_171] : memref<40960xf32, #tpu.memory_space<vmem>>[vector<16xi32>], vector<16xf32>,
      %parallel_loop3A_178 = arith.constant 10240 : i32
      %parallel_loop3A_179 = vector.broadcast %parallel_loop3A_178 : i32 to vector<16xi32>
      %parallel_loop3A_180 = arith.addi %parallel_loop3A_176, %parallel_loop3A_179 : vector<16xi32>
      %parallel_loop3A_181 = tpu.vector_load_idx %arg8[%parallel_loop3A_180] : memref<40960xf32, #tpu.memory_space<vmem>>[vector<16xi32>], vector<16xf32>,
      %parallel_loop3A_182 = arith.constant 20480 : i32
      %parallel_loop3A_183 = vector.broadcast %parallel_loop3A_182 : i32 to vector<16xi32>
      %parallel_loop3A_184 = arith.addi %parallel_loop3A_171, %parallel_loop3A_183 : vector<16xi32>
      %parallel_loop3A_185 = tpu.vector_load_idx %arg8[%parallel_loop3A_184] : memref<40960xf32, #tpu.memory_space<vmem>>[vector<16xi32>], vector<16xf32>,
      %parallel_loop3A_186 = arith.constant 30720 : i32
      %parallel_loop3A_187 = vector.broadcast %parallel_loop3A_186 : i32 to vector<16xi32>
      %parallel_loop3A_188 = arith.addi %parallel_loop3A_171, %parallel_loop3A_187 : vector<16xi32>
      %parallel_loop3A_189 = tpu.vector_load_idx %arg8[%parallel_loop3A_188] : memref<40960xf32, #tpu.memory_space<vmem>>[vector<16xi32>], vector<16xf32>,
      %parallel_loop3A_190 = arith.addf %parallel_loop3A_177, %parallel_loop3A_181 : vector<16xf32>
      %parallel_loop3A_191 = arith.constant 0.000000e+00 : f32
      %parallel_loop3A_192 = vector.broadcast %parallel_loop3A_191 : f32 to vector<16xf32>
      %parallel_loop3A_193 = arith.cmpf oge, %parallel_loop3A_190, %parallel_loop3A_192 : vector<16xf32>
      %parallel_loop3A_194 = arith.constant 2.000000e-01 : f32
      %parallel_loop3A_195 = vector.broadcast %parallel_loop3A_194 : f32 to vector<16xf32>
      %parallel_loop3A_196 = arith.mulf %parallel_loop3A_190, %parallel_loop3A_195 : vector<16xf32>
      %parallel_loop3A_197 = arith.select %parallel_loop3A_193, %parallel_loop3A_190, %parallel_loop3A_196 : vector<16xi1>, vector<16xf32>
      %parallel_loop3A_198 = arith.subf %parallel_loop3A_197, %get3A_122 : vector<16xf32>
      %parallel_loop3A_199 = math.exp %parallel_loop3A_198 : vector<16xf32>
      tpu.vector_store_idx %arg11[%parallel_loop3A_176], %parallel_loop3A_199 {add = true} : memref<10240xf32, #tpu.memory_space<vmem>>[vector<16xi32>], vector<16xf32>,
      %parallel_loop3A_200 = arith.mulf %parallel_loop3A_199, %parallel_loop3A_185 : vector<16xf32>
      tpu.vector_store_idx %arg12[%parallel_loop3A_176], %parallel_loop3A_200 {add = true} : memref<10240xf32, #tpu.memory_space<vmem>>[vector<16xi32>], vector<16xf32>,
      %parallel_loop3A_201 = arith.mulf %parallel_loop3A_199, %parallel_loop3A_189 : vector<16xf32>
      tpu.vector_store_idx %arg13[%parallel_loop3A_176], %parallel_loop3A_201 {add = true} : memref<10240xf32, #tpu.memory_space<vmem>>[vector<16xi32>], vector<16xf32>,
      %parallel_loop3A_202 = arith.constant 0 : i32
      %parallel_loop3A_203 = arith.index_cast %parallel_loop3A_131 : i32 to index
      %parallel_loop3A_204 = arith.index_cast %parallel_loop3A_202 : i32 to index
      %parallel_loop3A_205 = arith.constant 32 : index
      %parallel_loop3A_206 = tpu.vector_load %arg10[%parallel_loop3A_203, %parallel_loop3A_204, %parallel_loop3A_205] {strides = array<i32>} : memref<79x2x128xi32, #tpu.memory_space<vmem>>, vector<16xi32>,
      %parallel_loop3A_207 = arith.constant 1 : i32
      %parallel_loop3A_208 = arith.index_cast %parallel_loop3A_131 : i32 to index
      %parallel_loop3A_209 = arith.index_cast %parallel_loop3A_207 : i32 to index
      %parallel_loop3A_210 = arith.constant 32 : index
      %parallel_loop3A_211 = tpu.vector_load %arg10[%parallel_loop3A_208, %parallel_loop3A_209, %parallel_loop3A_210] {strides = array<i32>} : memref<79x2x128xi32, #tpu.memory_space<vmem>>, vector<16xi32>,
      %parallel_loop3A_212 = tpu.vector_load_idx %arg8[%parallel_loop3A_206] : memref<40960xf32, #tpu.memory_space<vmem>>[vector<16xi32>], vector<16xf32>,
      %parallel_loop3A_213 = arith.constant 10240 : i32
      %parallel_loop3A_214 = vector.broadcast %parallel_loop3A_213 : i32 to vector<16xi32>
      %parallel_loop3A_215 = arith.addi %parallel_loop3A_211, %parallel_loop3A_214 : vector<16xi32>
      %parallel_loop3A_216 = tpu.vector_load_idx %arg8[%parallel_loop3A_215] : memref<40960xf32, #tpu.memory_space<vmem>>[vector<16xi32>], vector<16xf32>,
      %parallel_loop3A_217 = arith.constant 20480 : i32
      %parallel_loop3A_218 = vector.broadcast %parallel_loop3A_217 : i32 to vector<16xi32>
      %parallel_loop3A_219 = arith.addi %parallel_loop3A_206, %parallel_loop3A_218 : vector<16xi32>
      %parallel_loop3A_220 = tpu.vector_load_idx %arg8[%parallel_loop3A_219] : memref<40960xf32, #tpu.memory_space<vmem>>[vector<16xi32>], vector<16xf32>,
      %parallel_loop3A_221 = arith.constant 30720 : i32
      %parallel_loop3A_222 = vector.broadcast %parallel_loop3A_221 : i32 to vector<16xi32>
      %parallel_loop3A_223 = arith.addi %parallel_loop3A_206, %parallel_loop3A_222 : vector<16xi32>
      %parallel_loop3A_224 = tpu.vector_load_idx %arg8[%parallel_loop3A_223] : memref<40960xf32, #tpu.memory_space<vmem>>[vector<16xi32>], vector<16xf32>,
      %parallel_loop3A_225 = arith.addf %parallel_loop3A_212, %parallel_loop3A_216 : vector<16xf32>
      %parallel_loop3A_226 = arith.constant 0.000000e+00 : f32
      %parallel_loop3A_227 = vector.broadcast %parallel_loop3A_226 : f32 to vector<16xf32>
      %parallel_loop3A_228 = arith.cmpf oge, %parallel_loop3A_225, %parallel_loop3A_227 : vector<16xf32>
      %parallel_loop3A_229 = arith.constant 2.000000e-01 : f32
      %parallel_loop3A_230 = vector.broadcast %parallel_loop3A_229 : f32 to vector<16xf32>
      %parallel_loop3A_231 = arith.mulf %parallel_loop3A_225, %parallel_loop3A_230 : vector<16xf32>
      %parallel_loop3A_232 = arith.select %parallel_loop3A_228, %parallel_loop3A_225, %parallel_loop3A_231 : vector<16xi1>, vector<16xf32>
      %parallel_loop3A_233 = arith.subf %parallel_loop3A_232, %get3A_122 : vector<16xf32>
      %parallel_loop3A_234 = math.exp %parallel_loop3A_233 : vector<16xf32>
      tpu.vector_store_idx %arg11[%parallel_loop3A_211], %parallel_loop3A_234 {add = true} : memref<10240xf32, #tpu.memory_space<vmem>>[vector<16xi32>], vector<16xf32>,
      %parallel_loop3A_235 = arith.mulf %parallel_loop3A_234, %parallel_loop3A_220 : vector<16xf32>
      tpu.vector_store_idx %arg12[%parallel_loop3A_211], %parallel_loop3A_235 {add = true} : memref<10240xf32, #tpu.memory_space<vmem>>[vector<16xi32>], vector<16xf32>,
      %parallel_loop3A_236 = arith.mulf %parallel_loop3A_234, %parallel_loop3A_224 : vector<16xf32>
      tpu.vector_store_idx %arg13[%parallel_loop3A_211], %parallel_loop3A_236 {add = true} : memref<10240xf32, #tpu.memory_space<vmem>>[vector<16xi32>], vector<16xf32>,
      %parallel_loop3A_237 = arith.constant 0 : i32
      %parallel_loop3A_238 = arith.index_cast %parallel_loop3A_131 : i32 to index
      %parallel_loop3A_239 = arith.index_cast %parallel_loop3A_237 : i32 to index
      %parallel_loop3A_240 = arith.constant 48 : index
      %parallel_loop3A_241 = tpu.vector_load %arg10[%parallel_loop3A_238, %parallel_loop3A_239, %parallel_loop3A_240] {strides = array<i32>} : memref<79x2x128xi32, #tpu.memory_space<vmem>>, vector<16xi32>,
      %parallel_loop3A_242 = arith.constant 1 : i32
      %parallel_loop3A_243 = arith.index_cast %parallel_loop3A_131 : i32 to index
      %parallel_loop3A_244 = arith.index_cast %parallel_loop3A_242 : i32 to index
      %parallel_loop3A_245 = arith.constant 48 : index
      %parallel_loop3A_246 = tpu.vector_load %arg10[%parallel_loop3A_243, %parallel_loop3A_244, %parallel_loop3A_245] {strides = array<i32>} : memref<79x2x128xi32, #tpu.memory_space<vmem>>, vector<16xi32>,
      %parallel_loop3A_247 = tpu.vector_load_idx %arg8[%parallel_loop3A_241] : memref<40960xf32, #tpu.memory_space<vmem>>[vector<16xi32>], vector<16xf32>,
      %parallel_loop3A_248 = arith.constant 10240 : i32
      %parallel_loop3A_249 = vector.broadcast %parallel_loop3A_248 : i32 to vector<16xi32>
      %parallel_loop3A_250 = arith.addi %parallel_loop3A_246, %parallel_loop3A_249 : vector<16xi32>
      %parallel_loop3A_251 = tpu.vector_load_idx %arg8[%parallel_loop3A_250] : memref<40960xf32, #tpu.memory_space<vmem>>[vector<16xi32>], vector<16xf32>,
      %parallel_loop3A_252 = arith.constant 20480 : i32
      %parallel_loop3A_253 = vector.broadcast %parallel_loop3A_252 : i32 to vector<16xi32>
      %parallel_loop3A_254 = arith.addi %parallel_loop3A_241, %parallel_loop3A_253 : vector<16xi32>
      %parallel_loop3A_255 = tpu.vector_load_idx %arg8[%parallel_loop3A_254] : memref<40960xf32, #tpu.memory_space<vmem>>[vector<16xi32>], vector<16xf32>,
      %parallel_loop3A_256 = arith.constant 30720 : i32
      %parallel_loop3A_257 = vector.broadcast %parallel_loop3A_256 : i32 to vector<16xi32>
      %parallel_loop3A_258 = arith.addi %parallel_loop3A_241, %parallel_loop3A_257 : vector<16xi32>
      %parallel_loop3A_259 = tpu.vector_load_idx %arg8[%parallel_loop3A_258] : memref<40960xf32, #tpu.memory_space<vmem>>[vector<16xi32>], vector<16xf32>,
      %parallel_loop3A_260 = arith.addf %parallel_loop3A_247, %parallel_loop3A_251 : vector<16xf32>
      %parallel_loop3A_261 = arith.constant 0.000000e+00 : f32
      %parallel_loop3A_262 = vector.broadcast %parallel_loop3A_261 : f32 to vector<16xf32>
      %parallel_loop3A_263 = arith.cmpf oge, %parallel_loop3A_260, %parallel_loop3A_262 : vector<16xf32>
      %parallel_loop3A_264 = arith.constant 2.000000e-01 : f32
      %parallel_loop3A_265 = vector.broadcast %parallel_loop3A_264 : f32 to vector<16xf32>
      %parallel_loop3A_266 = arith.mulf %parallel_loop3A_260, %parallel_loop3A_265 : vector<16xf32>
      %parallel_loop3A_267 = arith.select %parallel_loop3A_263, %parallel_loop3A_260, %parallel_loop3A_266 : vector<16xi1>, vector<16xf32>
      %parallel_loop3A_268 = arith.subf %parallel_loop3A_267, %get3A_122 : vector<16xf32>
      %parallel_loop3A_269 = math.exp %parallel_loop3A_268 : vector<16xf32>
      tpu.vector_store_idx %arg11[%parallel_loop3A_246], %parallel_loop3A_269 {add = true} : memref<10240xf32, #tpu.memory_space<vmem>>[vector<16xi32>], vector<16xf32>,
      %parallel_loop3A_270 = arith.mulf %parallel_loop3A_269, %parallel_loop3A_255 : vector<16xf32>
      tpu.vector_store_idx %arg12[%parallel_loop3A_246], %parallel_loop3A_270 {add = true} : memref<10240xf32, #tpu.memory_space<vmem>>[vector<16xi32>], vector<16xf32>,
      %parallel_loop3A_271 = arith.mulf %parallel_loop3A_269, %parallel_loop3A_259 : vector<16xf32>
      tpu.vector_store_idx %arg13[%parallel_loop3A_246], %parallel_loop3A_271 {add = true} : memref<10240xf32, #tpu.memory_space<vmem>>[vector<16xi32>], vector<16xf32>,
      %parallel_loop3A_272 = arith.constant 0 : i32
      %parallel_loop3A_273 = arith.index_cast %parallel_loop3A_131 : i32 to index
      %parallel_loop3A_274 = arith.index_cast %parallel_loop3A_272 : i32 to index
      %parallel_loop3A_275 = arith.constant 64 : index
      %parallel_loop3A_276 = tpu.vector_load %arg10[%parallel_loop3A_273, %parallel_loop3A_274, %parallel_loop3A_275] {strides = array<i32>} : memref<79x2x128xi32, #tpu.memory_space<vmem>>, vector<16xi32>,
      %parallel_loop3A_277 = arith.constant 1 : i32
      %parallel_loop3A_278 = arith.index_cast %parallel_loop3A_131 : i32 to index
      %parallel_loop3A_279 = arith.index_cast %parallel_loop3A_277 : i32 to index
      %parallel_loop3A_280 = arith.constant 64 : index
      %parallel_loop3A_281 = tpu.vector_load %arg10[%parallel_loop3A_278, %parallel_loop3A_279, %parallel_loop3A_280] {strides = array<i32>} : memref<79x2x128xi32, #tpu.memory_space<vmem>>, vector<16xi32>,
      %parallel_loop3A_282 = tpu.vector_load_idx %arg8[%parallel_loop3A_276] : memref<40960xf32, #tpu.memory_space<vmem>>[vector<16xi32>], vector<16xf32>,
      %parallel_loop3A_283 = arith.constant 10240 : i32
      %parallel_loop3A_284 = vector.broadcast %parallel_loop3A_283 : i32 to vector<16xi32>
      %parallel_loop3A_285 = arith.addi %parallel_loop3A_281, %parallel_loop3A_284 : vector<16xi32>
      %parallel_loop3A_286 = tpu.vector_load_idx %arg8[%parallel_loop3A_285] : memref<40960xf32, #tpu.memory_space<vmem>>[vector<16xi32>], vector<16xf32>,
      %parallel_loop3A_287 = arith.constant 20480 : i32
      %parallel_loop3A_288 = vector.broadcast %parallel_loop3A_287 : i32 to vector<16xi32>
      %parallel_loop3A_289 = arith.addi %parallel_loop3A_276, %parallel_loop3A_288 : vector<16xi32>
      %parallel_loop3A_290 = tpu.vector_load_idx %arg8[%parallel_loop3A_289] : memref<40960xf32, #tpu.memory_space<vmem>>[vector<16xi32>], vector<16xf32>,
      %parallel_loop3A_291 = arith.constant 30720 : i32
      %parallel_loop3A_292 = vector.broadcast %parallel_loop3A_291 : i32 to vector<16xi32>
      %parallel_loop3A_293 = arith.addi %parallel_loop3A_276, %parallel_loop3A_292 : vector<16xi32>
      %parallel_loop3A_294 = tpu.vector_load_idx %arg8[%parallel_loop3A_293] : memref<40960xf32, #tpu.memory_space<vmem>>[vector<16xi32>], vector<16xf32>,
      %parallel_loop3A_295 = arith.addf %parallel_loop3A_282, %parallel_loop3A_286 : vector<16xf32>
      %parallel_loop3A_296 = arith.constant 0.000000e+00 : f32
      %parallel_loop3A_297 = vector.broadcast %parallel_loop3A_296 : f32 to vector<16xf32>
      %parallel_loop3A_298 = arith.cmpf oge, %parallel_loop3A_295, %parallel_loop3A_297 : vector<16xf32>
      %parallel_loop3A_299 = arith.constant 2.000000e-01 : f32
      %parallel_loop3A_300 = vector.broadcast %parallel_loop3A_299 : f32 to vector<16xf32>
      %parallel_loop3A_301 = arith.mulf %parallel_loop3A_295, %parallel_loop3A_300 : vector<16xf32>
      %parallel_loop3A_302 = arith.select %parallel_loop3A_298, %parallel_loop3A_295, %parallel_loop3A_301 : vector<16xi1>, vector<16xf32>
      %parallel_loop3A_303 = arith.subf %parallel_loop3A_302, %get3A_122 : vector<16xf32>
      %parallel_loop3A_304 = math.exp %parallel_loop3A_303 : vector<16xf32>
      tpu.vector_store_idx %arg11[%parallel_loop3A_281], %parallel_loop3A_304 {add = true} : memref<10240xf32, #tpu.memory_space<vmem>>[vector<16xi32>], vector<16xf32>,
      %parallel_loop3A_305 = arith.mulf %parallel_loop3A_304, %parallel_loop3A_290 : vector<16xf32>
      tpu.vector_store_idx %arg12[%parallel_loop3A_281], %parallel_loop3A_305 {add = true} : memref<10240xf32, #tpu.memory_space<vmem>>[vector<16xi32>], vector<16xf32>,
      %parallel_loop3A_306 = arith.mulf %parallel_loop3A_304, %parallel_loop3A_294 : vector<16xf32>
      tpu.vector_store_idx %arg13[%parallel_loop3A_281], %parallel_loop3A_306 {add = true} : memref<10240xf32, #tpu.memory_space<vmem>>[vector<16xi32>], vector<16xf32>,
      %parallel_loop3A_307 = arith.constant 0 : i32
      %parallel_loop3A_308 = arith.index_cast %parallel_loop3A_131 : i32 to index
      %parallel_loop3A_309 = arith.index_cast %parallel_loop3A_307 : i32 to index
      %parallel_loop3A_310 = arith.constant 80 : index
      %parallel_loop3A_311 = tpu.vector_load %arg10[%parallel_loop3A_308, %parallel_loop3A_309, %parallel_loop3A_310] {strides = array<i32>} : memref<79x2x128xi32, #tpu.memory_space<vmem>>, vector<16xi32>,
      %parallel_loop3A_312 = arith.constant 1 : i32
      %parallel_loop3A_313 = arith.index_cast %parallel_loop3A_131 : i32 to index
      %parallel_loop3A_314 = arith.index_cast %parallel_loop3A_312 : i32 to index
      %parallel_loop3A_315 = arith.constant 80 : index
      %parallel_loop3A_316 = tpu.vector_load %arg10[%parallel_loop3A_313, %parallel_loop3A_314, %parallel_loop3A_315] {strides = array<i32>} : memref<79x2x128xi32, #tpu.memory_space<vmem>>, vector<16xi32>,
      %parallel_loop3A_317 = tpu.vector_load_idx %arg8[%parallel_loop3A_311] : memref<40960xf32, #tpu.memory_space<vmem>>[vector<16xi32>], vector<16xf32>,
      %parallel_loop3A_318 = arith.constant 10240 : i32
      %parallel_loop3A_319 = vector.broadcast %parallel_loop3A_318 : i32 to vector<16xi32>
      %parallel_loop3A_320 = arith.addi %parallel_loop3A_316, %parallel_loop3A_319 : vector<16xi32>
      %parallel_loop3A_321 = tpu.vector_load_idx %arg8[%parallel_loop3A_320] : memref<40960xf32, #tpu.memory_space<vmem>>[vector<16xi32>], vector<16xf32>,
      %parallel_loop3A_322 = arith.constant 20480 : i32
      %parallel_loop3A_323 = vector.broadcast %parallel_loop3A_322 : i32 to vector<16xi32>
      %parallel_loop3A_324 = arith.addi %parallel_loop3A_311, %parallel_loop3A_323 : vector<16xi32>
      %parallel_loop3A_325 = tpu.vector_load_idx %arg8[%parallel_loop3A_324] : memref<40960xf32, #tpu.memory_space<vmem>>[vector<16xi32>], vector<16xf32>,
      %parallel_loop3A_326 = arith.constant 30720 : i32
      %parallel_loop3A_327 = vector.broadcast %parallel_loop3A_326 : i32 to vector<16xi32>
      %parallel_loop3A_328 = arith.addi %parallel_loop3A_311, %parallel_loop3A_327 : vector<16xi32>
      %parallel_loop3A_329 = tpu.vector_load_idx %arg8[%parallel_loop3A_328] : memref<40960xf32, #tpu.memory_space<vmem>>[vector<16xi32>], vector<16xf32>,
      %parallel_loop3A_330 = arith.addf %parallel_loop3A_317, %parallel_loop3A_321 : vector<16xf32>
      %parallel_loop3A_331 = arith.constant 0.000000e+00 : f32
      %parallel_loop3A_332 = vector.broadcast %parallel_loop3A_331 : f32 to vector<16xf32>
      %parallel_loop3A_333 = arith.cmpf oge, %parallel_loop3A_330, %parallel_loop3A_332 : vector<16xf32>
      %parallel_loop3A_334 = arith.constant 2.000000e-01 : f32
      %parallel_loop3A_335 = vector.broadcast %parallel_loop3A_334 : f32 to vector<16xf32>
      %parallel_loop3A_336 = arith.mulf %parallel_loop3A_330, %parallel_loop3A_335 : vector<16xf32>
      %parallel_loop3A_337 = arith.select %parallel_loop3A_333, %parallel_loop3A_330, %parallel_loop3A_336 : vector<16xi1>, vector<16xf32>
      %parallel_loop3A_338 = arith.subf %parallel_loop3A_337, %get3A_122 : vector<16xf32>
      %parallel_loop3A_339 = math.exp %parallel_loop3A_338 : vector<16xf32>
      tpu.vector_store_idx %arg11[%parallel_loop3A_316], %parallel_loop3A_339 {add = true} : memref<10240xf32, #tpu.memory_space<vmem>>[vector<16xi32>], vector<16xf32>,
      %parallel_loop3A_340 = arith.mulf %parallel_loop3A_339, %parallel_loop3A_325 : vector<16xf32>
      tpu.vector_store_idx %arg12[%parallel_loop3A_316], %parallel_loop3A_340 {add = true} : memref<10240xf32, #tpu.memory_space<vmem>>[vector<16xi32>], vector<16xf32>,
      %parallel_loop3A_341 = arith.mulf %parallel_loop3A_339, %parallel_loop3A_329 : vector<16xf32>
      tpu.vector_store_idx %arg13[%parallel_loop3A_316], %parallel_loop3A_341 {add = true} : memref<10240xf32, #tpu.memory_space<vmem>>[vector<16xi32>], vector<16xf32>,
      %parallel_loop3A_342 = arith.constant 0 : i32
      %parallel_loop3A_343 = arith.index_cast %parallel_loop3A_131 : i32 to index
      %parallel_loop3A_344 = arith.index_cast %parallel_loop3A_342 : i32 to index
      %parallel_loop3A_345 = arith.constant 96 : index
      %parallel_loop3A_346 = tpu.vector_load %arg10[%parallel_loop3A_343, %parallel_loop3A_344, %parallel_loop3A_345] {strides = array<i32>} : memref<79x2x128xi32, #tpu.memory_space<vmem>>, vector<16xi32>,
      %parallel_loop3A_347 = arith.constant 1 : i32
      %parallel_loop3A_348 = arith.index_cast %parallel_loop3A_131 : i32 to index
      %parallel_loop3A_349 = arith.index_cast %parallel_loop3A_347 : i32 to index
      %parallel_loop3A_350 = arith.constant 96 : index
      %parallel_loop3A_351 = tpu.vector_load %arg10[%parallel_loop3A_348, %parallel_loop3A_349, %parallel_loop3A_350] {strides = array<i32>} : memref<79x2x128xi32, #tpu.memory_space<vmem>>, vector<16xi32>,
      %parallel_loop3A_352 = tpu.vector_load_idx %arg8[%parallel_loop3A_346] : memref<40960xf32, #tpu.memory_space<vmem>>[vector<16xi32>], vector<16xf32>,
      %parallel_loop3A_353 = arith.constant 10240 : i32
      %parallel_loop3A_354 = vector.broadcast %parallel_loop3A_353 : i32 to vector<16xi32>
      %parallel_loop3A_355 = arith.addi %parallel_loop3A_351, %parallel_loop3A_354 : vector<16xi32>
      %parallel_loop3A_356 = tpu.vector_load_idx %arg8[%parallel_loop3A_355] : memref<40960xf32, #tpu.memory_space<vmem>>[vector<16xi32>], vector<16xf32>,
      %parallel_loop3A_357 = arith.constant 20480 : i32
      %parallel_loop3A_358 = vector.broadcast %parallel_loop3A_357 : i32 to vector<16xi32>
      %parallel_loop3A_359 = arith.addi %parallel_loop3A_346, %parallel_loop3A_358 : vector<16xi32>
      %parallel_loop3A_360 = tpu.vector_load_idx %arg8[%parallel_loop3A_359] : memref<40960xf32, #tpu.memory_space<vmem>>[vector<16xi32>], vector<16xf32>,
      %parallel_loop3A_361 = arith.constant 30720 : i32
      %parallel_loop3A_362 = vector.broadcast %parallel_loop3A_361 : i32 to vector<16xi32>
      %parallel_loop3A_363 = arith.addi %parallel_loop3A_346, %parallel_loop3A_362 : vector<16xi32>
      %parallel_loop3A_364 = tpu.vector_load_idx %arg8[%parallel_loop3A_363] : memref<40960xf32, #tpu.memory_space<vmem>>[vector<16xi32>], vector<16xf32>,
      %parallel_loop3A_365 = arith.addf %parallel_loop3A_352, %parallel_loop3A_356 : vector<16xf32>
      %parallel_loop3A_366 = arith.constant 0.000000e+00 : f32
      %parallel_loop3A_367 = vector.broadcast %parallel_loop3A_366 : f32 to vector<16xf32>
      %parallel_loop3A_368 = arith.cmpf oge, %parallel_loop3A_365, %parallel_loop3A_367 : vector<16xf32>
      %parallel_loop3A_369 = arith.constant 2.000000e-01 : f32
      %parallel_loop3A_370 = vector.broadcast %parallel_loop3A_369 : f32 to vector<16xf32>
      %parallel_loop3A_371 = arith.mulf %parallel_loop3A_365, %parallel_loop3A_370 : vector<16xf32>
      %parallel_loop3A_372 = arith.select %parallel_loop3A_368, %parallel_loop3A_365, %parallel_loop3A_371 : vector<16xi1>, vector<16xf32>
      %parallel_loop3A_373 = arith.subf %parallel_loop3A_372, %get3A_122 : vector<16xf32>
      %parallel_loop3A_374 = math.exp %parallel_loop3A_373 : vector<16xf32>
      tpu.vector_store_idx %arg11[%parallel_loop3A_351], %parallel_loop3A_374 {add = true} : memref<10240xf32, #tpu.memory_space<vmem>>[vector<16xi32>], vector<16xf32>,
      %parallel_loop3A_375 = arith.mulf %parallel_loop3A_374, %parallel_loop3A_360 : vector<16xf32>
      tpu.vector_store_idx %arg12[%parallel_loop3A_351], %parallel_loop3A_375 {add = true} : memref<10240xf32, #tpu.memory_space<vmem>>[vector<16xi32>], vector<16xf32>,
      %parallel_loop3A_376 = arith.mulf %parallel_loop3A_374, %parallel_loop3A_364 : vector<16xf32>
      tpu.vector_store_idx %arg13[%parallel_loop3A_351], %parallel_loop3A_376 {add = true} : memref<10240xf32, #tpu.memory_space<vmem>>[vector<16xi32>], vector<16xf32>,
      %parallel_loop3A_377 = arith.constant 0 : i32
      %parallel_loop3A_378 = arith.index_cast %parallel_loop3A_131 : i32 to index
      %parallel_loop3A_379 = arith.index_cast %parallel_loop3A_377 : i32 to index
      %parallel_loop3A_380 = arith.constant 112 : index
      %parallel_loop3A_381 = tpu.vector_load %arg10[%parallel_loop3A_378, %parallel_loop3A_379, %parallel_loop3A_380] {strides = array<i32>} : memref<79x2x128xi32, #tpu.memory_space<vmem>>, vector<16xi32>,
      %parallel_loop3A_382 = arith.constant 1 : i32
      %parallel_loop3A_383 = arith.index_cast %parallel_loop3A_131 : i32 to index
      %parallel_loop3A_384 = arith.index_cast %parallel_loop3A_382 : i32 to index
      %parallel_loop3A_385 = arith.constant 112 : index
      %parallel_loop3A_386 = tpu.vector_load %arg10[%parallel_loop3A_383, %parallel_loop3A_384, %parallel_loop3A_385] {strides = array<i32>} : memref<79x2x128xi32, #tpu.memory_space<vmem>>, vector<16xi32>,
      %parallel_loop3A_387 = tpu.vector_load_idx %arg8[%parallel_loop3A_381] : memref<40960xf32, #tpu.memory_space<vmem>>[vector<16xi32>], vector<16xf32>,
      %parallel_loop3A_388 = arith.constant 10240 : i32
      %parallel_loop3A_389 = vector.broadcast %parallel_loop3A_388 : i32 to vector<16xi32>
      %parallel_loop3A_390 = arith.addi %parallel_loop3A_386, %parallel_loop3A_389 : vector<16xi32>
      %parallel_loop3A_391 = tpu.vector_load_idx %arg8[%parallel_loop3A_390] : memref<40960xf32, #tpu.memory_space<vmem>>[vector<16xi32>], vector<16xf32>,
      %parallel_loop3A_392 = arith.constant 20480 : i32
      %parallel_loop3A_393 = vector.broadcast %parallel_loop3A_392 : i32 to vector<16xi32>
      %parallel_loop3A_394 = arith.addi %parallel_loop3A_381, %parallel_loop3A_393 : vector<16xi32>
      %parallel_loop3A_395 = tpu.vector_load_idx %arg8[%parallel_loop3A_394] : memref<40960xf32, #tpu.memory_space<vmem>>[vector<16xi32>], vector<16xf32>,
      %parallel_loop3A_396 = arith.constant 30720 : i32
      %parallel_loop3A_397 = vector.broadcast %parallel_loop3A_396 : i32 to vector<16xi32>
      %parallel_loop3A_398 = arith.addi %parallel_loop3A_381, %parallel_loop3A_397 : vector<16xi32>
      %parallel_loop3A_399 = tpu.vector_load_idx %arg8[%parallel_loop3A_398] : memref<40960xf32, #tpu.memory_space<vmem>>[vector<16xi32>], vector<16xf32>,
      %parallel_loop3A_400 = arith.addf %parallel_loop3A_387, %parallel_loop3A_391 : vector<16xf32>
      %parallel_loop3A_401 = arith.constant 0.000000e+00 : f32
      %parallel_loop3A_402 = vector.broadcast %parallel_loop3A_401 : f32 to vector<16xf32>
      %parallel_loop3A_403 = arith.cmpf oge, %parallel_loop3A_400, %parallel_loop3A_402 : vector<16xf32>
      %parallel_loop3A_404 = arith.constant 2.000000e-01 : f32
      %parallel_loop3A_405 = vector.broadcast %parallel_loop3A_404 : f32 to vector<16xf32>
      %parallel_loop3A_406 = arith.mulf %parallel_loop3A_400, %parallel_loop3A_405 : vector<16xf32>
      %parallel_loop3A_407 = arith.select %parallel_loop3A_403, %parallel_loop3A_400, %parallel_loop3A_406 : vector<16xi1>, vector<16xf32>
      %parallel_loop3A_408 = arith.subf %parallel_loop3A_407, %get3A_122 : vector<16xf32>
      %parallel_loop3A_409 = math.exp %parallel_loop3A_408 : vector<16xf32>
      tpu.vector_store_idx %arg11[%parallel_loop3A_386], %parallel_loop3A_409 {add = true} : memref<10240xf32, #tpu.memory_space<vmem>>[vector<16xi32>], vector<16xf32>,
      %parallel_loop3A_410 = arith.mulf %parallel_loop3A_409, %parallel_loop3A_395 : vector<16xf32>
      tpu.vector_store_idx %arg12[%parallel_loop3A_386], %parallel_loop3A_410 {add = true} : memref<10240xf32, #tpu.memory_space<vmem>>[vector<16xi32>], vector<16xf32>,
      %parallel_loop3A_411 = arith.mulf %parallel_loop3A_409, %parallel_loop3A_399 : vector<16xf32>
      tpu.vector_store_idx %arg13[%parallel_loop3A_386], %parallel_loop3A_411 {add = true} : memref<10240xf32, #tpu.memory_space<vmem>>[vector<16xi32>], vector<16xf32>,
    } {sc.loop_unroll_factor = 2 : i64, sc.parallel_access}
    %ge3A_126 = arith.constant 28 : i32
    %ge3A_127 = arith.cmpi sge, %add3A, %ge3A_126 : i32
    %convert_element_type3A_128 = arith.extui %ge3A_127 : i1 to i32
    %cond3A_129 = arith.constant 0 : i32
    %cond3A_130 = arith.cmpi ne, %convert_element_type3A_128, %cond3A_129 : i32
    scf.if %cond3A_130 {
      %get3A_131 = arith.constant 78 : i32
      %get3A_132 = arith.constant 0 : i32
      %get3A_133 = arith.index_cast %get3A_131 : i32 to index
      %get3A_134 = arith.index_cast %get3A_132 : i32 to index
      %get3A_135 = arith.constant 0 : index
      %get3A_136 = tpu.vector_load %arg10[%get3A_133, %get3A_134, %get3A_135] {strides = array<i32>} : memref<79x2x128xi32, #tpu.memory_space<vmem>>, vector<16xi32>,
      %get3A_137 = arith.constant 78 : i32
      %get3A_138 = arith.constant 1 : i32
      %get3A_139 = arith.index_cast %get3A_137 : i32 to index
      %get3A_140 = arith.index_cast %get3A_138 : i32 to index
      %get3A_141 = arith.constant 0 : index
      %get3A_142 = tpu.vector_load %arg10[%get3A_139, %get3A_140, %get3A_141] {strides = array<i32>} : memref<79x2x128xi32, #tpu.memory_space<vmem>>, vector<16xi32>,
      %gather3A = tpu.vector_load_idx %arg8[%get3A_136] : memref<40960xf32, #tpu.memory_space<vmem>>[vector<16xi32>], vector<16xf32>,
      %add3A_143 = arith.constant 10240 : i32
      %add3A_144 = vector.broadcast %add3A_143 : i32 to vector<16xi32>
      %add3A_145 = arith.addi %get3A_142, %add3A_144 : vector<16xi32>
      %gather3A_146 = tpu.vector_load_idx %arg8[%add3A_145] : memref<40960xf32, #tpu.memory_space<vmem>>[vector<16xi32>], vector<16xf32>,
      %add3A_147 = arith.constant 20480 : i32
      %add3A_148 = vector.broadcast %add3A_147 : i32 to vector<16xi32>
      %add3A_149 = arith.addi %get3A_136, %add3A_148 : vector<16xi32>
      %gather3A_150 = tpu.vector_load_idx %arg8[%add3A_149] : memref<40960xf32, #tpu.memory_space<vmem>>[vector<16xi32>], vector<16xf32>,
      %add3A_151 = arith.constant 30720 : i32
      %add3A_152 = vector.broadcast %add3A_151 : i32 to vector<16xi32>
      %add3A_153 = arith.addi %get3A_136, %add3A_152 : vector<16xi32>
      %gather3A_154 = tpu.vector_load_idx %arg8[%add3A_153] : memref<40960xf32, #tpu.memory_space<vmem>>[vector<16xi32>], vector<16xf32>,
      %add3A_155 = arith.addf %gather3A, %gather3A_146 : vector<16xf32>
      %ge3A_156 = arith.constant 0.000000e+00 : f32
      %ge3A_157 = vector.broadcast %ge3A_156 : f32 to vector<16xf32>
      %ge3A_158 = arith.cmpf oge, %add3A_155, %ge3A_157 : vector<16xf32>
      %mul3A_159 = arith.constant 2.000000e-01 : f32
      %mul3A_160 = vector.broadcast %mul3A_159 : f32 to vector<16xf32>
      %mul3A_161 = arith.mulf %add3A_155, %mul3A_160 : vector<16xf32>
      %select_n3A = arith.select %ge3A_158, %add3A_155, %mul3A_161 : vector<16xi1>, vector<16xf32>
      %sub3A = arith.subf %select_n3A, %get3A_122 : vector<16xf32>
      %exp3A = math.exp %sub3A : vector<16xf32>
      tpu.vector_store_idx %arg11[%get3A_142], %exp3A {add = true} : memref<10240xf32, #tpu.memory_space<vmem>>[vector<16xi32>], vector<16xf32>,
      %mul3A_162 = arith.mulf %exp3A, %gather3A_150 : vector<16xf32>
      tpu.vector_store_idx %arg12[%get3A_142], %mul3A_162 {add = true} : memref<10240xf32, #tpu.memory_space<vmem>>[vector<16xi32>], vector<16xf32>,
      %mul3A_163 = arith.mulf %exp3A, %gather3A_154 : vector<16xf32>
      tpu.vector_store_idx %arg13[%get3A_142], %mul3A_163 {add = true} : memref<10240xf32, #tpu.memory_space<vmem>>[vector<16xi32>], vector<16xf32>,
      %get3A_164 = arith.constant 78 : i32
      %get3A_165 = arith.constant 0 : i32
      %get3A_166 = arith.index_cast %get3A_164 : i32 to index
      %get3A_167 = arith.index_cast %get3A_165 : i32 to index
      %get3A_168 = arith.constant 16 : index
      %get3A_169 = tpu.vector_load %arg10[%get3A_166, %get3A_167, %get3A_168] {strides = array<i32>} : memref<79x2x128xi32, #tpu.memory_space<vmem>>, vector<16xi32>,
      %get3A_170 = arith.constant 78 : i32
      %get3A_171 = arith.constant 1 : i32
      %get3A_172 = arith.index_cast %get3A_170 : i32 to index
      %get3A_173 = arith.index_cast %get3A_171 : i32 to index
      %get3A_174 = arith.constant 16 : index
      %get3A_175 = tpu.vector_load %arg10[%get3A_172, %get3A_173, %get3A_174] {strides = array<i32>} : memref<79x2x128xi32, #tpu.memory_space<vmem>>, vector<16xi32>,
      %gather3A_176 = tpu.vector_load_idx %arg8[%get3A_169] : memref<40960xf32, #tpu.memory_space<vmem>>[vector<16xi32>], vector<16xf32>,
      %add3A_177 = arith.constant 10240 : i32
      %add3A_178 = vector.broadcast %add3A_177 : i32 to vector<16xi32>
      %add3A_179 = arith.addi %get3A_175, %add3A_178 : vector<16xi32>
      %gather3A_180 = tpu.vector_load_idx %arg8[%add3A_179] : memref<40960xf32, #tpu.memory_space<vmem>>[vector<16xi32>], vector<16xf32>,
      %add3A_181 = arith.constant 20480 : i32
      %add3A_182 = vector.broadcast %add3A_181 : i32 to vector<16xi32>
      %add3A_183 = arith.addi %get3A_169, %add3A_182 : vector<16xi32>
      %gather3A_184 = tpu.vector_load_idx %arg8[%add3A_183] : memref<40960xf32, #tpu.memory_space<vmem>>[vector<16xi32>], vector<16xf32>,
      %add3A_185 = arith.constant 30720 : i32
      %add3A_186 = vector.broadcast %add3A_185 : i32 to vector<16xi32>
      %add3A_187 = arith.addi %get3A_169, %add3A_186 : vector<16xi32>
      %gather3A_188 = tpu.vector_load_idx %arg8[%add3A_187] : memref<40960xf32, #tpu.memory_space<vmem>>[vector<16xi32>], vector<16xf32>,
      %add3A_189 = arith.addf %gather3A_176, %gather3A_180 : vector<16xf32>
      %ge3A_190 = arith.constant 0.000000e+00 : f32
      %ge3A_191 = vector.broadcast %ge3A_190 : f32 to vector<16xf32>
      %ge3A_192 = arith.cmpf oge, %add3A_189, %ge3A_191 : vector<16xf32>
      %mul3A_193 = arith.constant 2.000000e-01 : f32
      %mul3A_194 = vector.broadcast %mul3A_193 : f32 to vector<16xf32>
      %mul3A_195 = arith.mulf %add3A_189, %mul3A_194 : vector<16xf32>
      %select_n3A_196 = arith.select %ge3A_192, %add3A_189, %mul3A_195 : vector<16xi1>, vector<16xf32>
      %sub3A_197 = arith.subf %select_n3A_196, %get3A_122 : vector<16xf32>
      %exp3A_198 = math.exp %sub3A_197 : vector<16xf32>
      tpu.vector_store_idx %arg11[%get3A_175], %exp3A_198 {add = true} : memref<10240xf32, #tpu.memory_space<vmem>>[vector<16xi32>], vector<16xf32>,
      %mul3A_199 = arith.mulf %exp3A_198, %gather3A_184 : vector<16xf32>
      tpu.vector_store_idx %arg12[%get3A_175], %mul3A_199 {add = true} : memref<10240xf32, #tpu.memory_space<vmem>>[vector<16xi32>], vector<16xf32>,
      %mul3A_200 = arith.mulf %exp3A_198, %gather3A_188 : vector<16xf32>
      tpu.vector_store_idx %arg13[%get3A_175], %mul3A_200 {add = true} : memref<10240xf32, #tpu.memory_space<vmem>>[vector<16xi32>], vector<16xf32>,
      %get3A_201 = arith.constant 78 : i32
      %get3A_202 = arith.constant 0 : i32
      %get3A_203 = arith.index_cast %get3A_201 : i32 to index
      %get3A_204 = arith.index_cast %get3A_202 : i32 to index
      %get3A_205 = arith.constant 32 : index
      %get3A_206 = tpu.vector_load %arg10[%get3A_203, %get3A_204, %get3A_205] {strides = array<i32>} : memref<79x2x128xi32, #tpu.memory_space<vmem>>, vector<16xi32>,
      %get3A_207 = arith.constant 78 : i32
      %get3A_208 = arith.constant 1 : i32
      %get3A_209 = arith.index_cast %get3A_207 : i32 to index
      %get3A_210 = arith.index_cast %get3A_208 : i32 to index
      %get3A_211 = arith.constant 32 : index
      %get3A_212 = tpu.vector_load %arg10[%get3A_209, %get3A_210, %get3A_211] {strides = array<i32>} : memref<79x2x128xi32, #tpu.memory_space<vmem>>, vector<16xi32>,
      %gather3A_213 = tpu.vector_load_idx %arg8[%get3A_206] : memref<40960xf32, #tpu.memory_space<vmem>>[vector<16xi32>], vector<16xf32>,
      %add3A_214 = arith.constant 10240 : i32
      %add3A_215 = vector.broadcast %add3A_214 : i32 to vector<16xi32>
      %add3A_216 = arith.addi %get3A_212, %add3A_215 : vector<16xi32>
      %gather3A_217 = tpu.vector_load_idx %arg8[%add3A_216] : memref<40960xf32, #tpu.memory_space<vmem>>[vector<16xi32>], vector<16xf32>,
      %add3A_218 = arith.constant 20480 : i32
      %add3A_219 = vector.broadcast %add3A_218 : i32 to vector<16xi32>
      %add3A_220 = arith.addi %get3A_206, %add3A_219 : vector<16xi32>
      %gather3A_221 = tpu.vector_load_idx %arg8[%add3A_220] : memref<40960xf32, #tpu.memory_space<vmem>>[vector<16xi32>], vector<16xf32>,
      %add3A_222 = arith.constant 30720 : i32
      %add3A_223 = vector.broadcast %add3A_222 : i32 to vector<16xi32>
      %add3A_224 = arith.addi %get3A_206, %add3A_223 : vector<16xi32>
      %gather3A_225 = tpu.vector_load_idx %arg8[%add3A_224] : memref<40960xf32, #tpu.memory_space<vmem>>[vector<16xi32>], vector<16xf32>,
      %add3A_226 = arith.addf %gather3A_213, %gather3A_217 : vector<16xf32>
      %ge3A_227 = arith.constant 0.000000e+00 : f32
      %ge3A_228 = vector.broadcast %ge3A_227 : f32 to vector<16xf32>
      %ge3A_229 = arith.cmpf oge, %add3A_226, %ge3A_228 : vector<16xf32>
      %mul3A_230 = arith.constant 2.000000e-01 : f32
      %mul3A_231 = vector.broadcast %mul3A_230 : f32 to vector<16xf32>
      %mul3A_232 = arith.mulf %add3A_226, %mul3A_231 : vector<16xf32>
      %select_n3A_233 = arith.select %ge3A_229, %add3A_226, %mul3A_232 : vector<16xi1>, vector<16xf32>
      %sub3A_234 = arith.subf %select_n3A_233, %get3A_122 : vector<16xf32>
      %exp3A_235 = math.exp %sub3A_234 : vector<16xf32>
      tpu.vector_store_idx %arg11[%get3A_212], %exp3A_235 {add = true} : memref<10240xf32, #tpu.memory_space<vmem>>[vector<16xi32>], vector<16xf32>,
      %mul3A_236 = arith.mulf %exp3A_235, %gather3A_221 : vector<16xf32>
      tpu.vector_store_idx %arg12[%get3A_212], %mul3A_236 {add = true} : memref<10240xf32, #tpu.memory_space<vmem>>[vector<16xi32>], vector<16xf32>,
      %mul3A_237 = arith.mulf %exp3A_235, %gather3A_225 : vector<16xf32>
      tpu.vector_store_idx %arg13[%get3A_212], %mul3A_237 {add = true} : memref<10240xf32, #tpu.memory_space<vmem>>[vector<16xi32>], vector<16xf32>,
      %get3A_238 = arith.constant 78 : i32
      %get3A_239 = arith.constant 0 : i32
      %get3A_240 = arith.index_cast %get3A_238 : i32 to index
      %get3A_241 = arith.index_cast %get3A_239 : i32 to index
      %get3A_242 = arith.constant 48 : index
      %get3A_243 = tpu.vector_load %arg10[%get3A_240, %get3A_241, %get3A_242] {strides = array<i32>} : memref<79x2x128xi32, #tpu.memory_space<vmem>>, vector<16xi32>,
      %get3A_244 = arith.constant 78 : i32
      %get3A_245 = arith.constant 1 : i32
      %get3A_246 = arith.index_cast %get3A_244 : i32 to index
      %get3A_247 = arith.index_cast %get3A_245 : i32 to index
      %get3A_248 = arith.constant 48 : index
      %get3A_249 = tpu.vector_load %arg10[%get3A_246, %get3A_247, %get3A_248] {strides = array<i32>} : memref<79x2x128xi32, #tpu.memory_space<vmem>>, vector<16xi32>,
      %gather3A_250 = tpu.vector_load_idx %arg8[%get3A_243] : memref<40960xf32, #tpu.memory_space<vmem>>[vector<16xi32>], vector<16xf32>,
      %add3A_251 = arith.constant 10240 : i32
      %add3A_252 = vector.broadcast %add3A_251 : i32 to vector<16xi32>
      %add3A_253 = arith.addi %get3A_249, %add3A_252 : vector<16xi32>
      %gather3A_254 = tpu.vector_load_idx %arg8[%add3A_253] : memref<40960xf32, #tpu.memory_space<vmem>>[vector<16xi32>], vector<16xf32>,
      %add3A_255 = arith.constant 20480 : i32
      %add3A_256 = vector.broadcast %add3A_255 : i32 to vector<16xi32>
      %add3A_257 = arith.addi %get3A_243, %add3A_256 : vector<16xi32>
      %gather3A_258 = tpu.vector_load_idx %arg8[%add3A_257] : memref<40960xf32, #tpu.memory_space<vmem>>[vector<16xi32>], vector<16xf32>,
      %add3A_259 = arith.constant 30720 : i32
      %add3A_260 = vector.broadcast %add3A_259 : i32 to vector<16xi32>
      %add3A_261 = arith.addi %get3A_243, %add3A_260 : vector<16xi32>
      %gather3A_262 = tpu.vector_load_idx %arg8[%add3A_261] : memref<40960xf32, #tpu.memory_space<vmem>>[vector<16xi32>], vector<16xf32>,
      %add3A_263 = arith.addf %gather3A_250, %gather3A_254 : vector<16xf32>
      %ge3A_264 = arith.constant 0.000000e+00 : f32
      %ge3A_265 = vector.broadcast %ge3A_264 : f32 to vector<16xf32>
      %ge3A_266 = arith.cmpf oge, %add3A_263, %ge3A_265 : vector<16xf32>
      %mul3A_267 = arith.constant 2.000000e-01 : f32
      %mul3A_268 = vector.broadcast %mul3A_267 : f32 to vector<16xf32>
      %mul3A_269 = arith.mulf %add3A_263, %mul3A_268 : vector<16xf32>
      %select_n3A_270 = arith.select %ge3A_266, %add3A_263, %mul3A_269 : vector<16xi1>, vector<16xf32>
      %sub3A_271 = arith.subf %select_n3A_270, %get3A_122 : vector<16xf32>
      %exp3A_272 = math.exp %sub3A_271 : vector<16xf32>
      tpu.vector_store_idx %arg11[%get3A_249], %exp3A_272 {add = true} : memref<10240xf32, #tpu.memory_space<vmem>>[vector<16xi32>], vector<16xf32>,
      %mul3A_273 = arith.mulf %exp3A_272, %gather3A_258 : vector<16xf32>
      tpu.vector_store_idx %arg12[%get3A_249], %mul3A_273 {add = true} : memref<10240xf32, #tpu.memory_space<vmem>>[vector<16xi32>], vector<16xf32>,
      %mul3A_274 = arith.mulf %exp3A_272, %gather3A_262 : vector<16xf32>
      tpu.vector_store_idx %arg13[%get3A_249], %mul3A_274 {add = true} : memref<10240xf32, #tpu.memory_space<vmem>>[vector<16xi32>], vector<16xf32>,
      %get3A_275 = arith.constant 78 : i32
      %get3A_276 = arith.constant 0 : i32
      %get3A_277 = arith.index_cast %get3A_275 : i32 to index
      %get3A_278 = arith.index_cast %get3A_276 : i32 to index
      %get3A_279 = arith.constant 64 : index
      %get3A_280 = tpu.vector_load %arg10[%get3A_277, %get3A_278, %get3A_279] {strides = array<i32>} : memref<79x2x128xi32, #tpu.memory_space<vmem>>, vector<16xi32>,
      %get3A_281 = arith.constant 78 : i32
      %get3A_282 = arith.constant 1 : i32
      %get3A_283 = arith.index_cast %get3A_281 : i32 to index
      %get3A_284 = arith.index_cast %get3A_282 : i32 to index
      %get3A_285 = arith.constant 64 : index
      %get3A_286 = tpu.vector_load %arg10[%get3A_283, %get3A_284, %get3A_285] {strides = array<i32>} : memref<79x2x128xi32, #tpu.memory_space<vmem>>, vector<16xi32>,
      %gather3A_287 = tpu.vector_load_idx %arg8[%get3A_280] : memref<40960xf32, #tpu.memory_space<vmem>>[vector<16xi32>], vector<16xf32>,
      %add3A_288 = arith.constant 10240 : i32
      %add3A_289 = vector.broadcast %add3A_288 : i32 to vector<16xi32>
      %add3A_290 = arith.addi %get3A_286, %add3A_289 : vector<16xi32>
      %gather3A_291 = tpu.vector_load_idx %arg8[%add3A_290] : memref<40960xf32, #tpu.memory_space<vmem>>[vector<16xi32>], vector<16xf32>,
      %add3A_292 = arith.constant 20480 : i32
      %add3A_293 = vector.broadcast %add3A_292 : i32 to vector<16xi32>
      %add3A_294 = arith.addi %get3A_280, %add3A_293 : vector<16xi32>
      %gather3A_295 = tpu.vector_load_idx %arg8[%add3A_294] : memref<40960xf32, #tpu.memory_space<vmem>>[vector<16xi32>], vector<16xf32>,
      %add3A_296 = arith.constant 30720 : i32
      %add3A_297 = vector.broadcast %add3A_296 : i32 to vector<16xi32>
      %add3A_298 = arith.addi %get3A_280, %add3A_297 : vector<16xi32>
      %gather3A_299 = tpu.vector_load_idx %arg8[%add3A_298] : memref<40960xf32, #tpu.memory_space<vmem>>[vector<16xi32>], vector<16xf32>,
      %add3A_300 = arith.addf %gather3A_287, %gather3A_291 : vector<16xf32>
      %ge3A_301 = arith.constant 0.000000e+00 : f32
      %ge3A_302 = vector.broadcast %ge3A_301 : f32 to vector<16xf32>
      %ge3A_303 = arith.cmpf oge, %add3A_300, %ge3A_302 : vector<16xf32>
      %mul3A_304 = arith.constant 2.000000e-01 : f32
      %mul3A_305 = vector.broadcast %mul3A_304 : f32 to vector<16xf32>
      %mul3A_306 = arith.mulf %add3A_300, %mul3A_305 : vector<16xf32>
      %select_n3A_307 = arith.select %ge3A_303, %add3A_300, %mul3A_306 : vector<16xi1>, vector<16xf32>
      %sub3A_308 = arith.subf %select_n3A_307, %get3A_122 : vector<16xf32>
      %exp3A_309 = math.exp %sub3A_308 : vector<16xf32>
      tpu.vector_store_idx %arg11[%get3A_286], %exp3A_309 {add = true} : memref<10240xf32, #tpu.memory_space<vmem>>[vector<16xi32>], vector<16xf32>,
      %mul3A_310 = arith.mulf %exp3A_309, %gather3A_295 : vector<16xf32>
      tpu.vector_store_idx %arg12[%get3A_286], %mul3A_310 {add = true} : memref<10240xf32, #tpu.memory_space<vmem>>[vector<16xi32>], vector<16xf32>,
      %mul3A_311 = arith.mulf %exp3A_309, %gather3A_299 : vector<16xf32>
      tpu.vector_store_idx %arg13[%get3A_286], %mul3A_311 {add = true} : memref<10240xf32, #tpu.memory_space<vmem>>[vector<16xi32>], vector<16xf32>,
      %get3A_312 = arith.constant 78 : i32
      %get3A_313 = arith.constant 0 : i32
      %get3A_314 = arith.index_cast %get3A_312 : i32 to index
      %get3A_315 = arith.index_cast %get3A_313 : i32 to index
      %get3A_316 = arith.constant 80 : index
      %get3A_317 = tpu.vector_load %arg10[%get3A_314, %get3A_315, %get3A_316] {strides = array<i32>} : memref<79x2x128xi32, #tpu.memory_space<vmem>>, vector<16xi32>,
      %get3A_318 = arith.constant 78 : i32
      %get3A_319 = arith.constant 1 : i32
      %get3A_320 = arith.index_cast %get3A_318 : i32 to index
      %get3A_321 = arith.index_cast %get3A_319 : i32 to index
      %get3A_322 = arith.constant 80 : index
      %get3A_323 = tpu.vector_load %arg10[%get3A_320, %get3A_321, %get3A_322] {strides = array<i32>} : memref<79x2x128xi32, #tpu.memory_space<vmem>>, vector<16xi32>,
      %gather3A_324 = tpu.vector_load_idx %arg8[%get3A_317] : memref<40960xf32, #tpu.memory_space<vmem>>[vector<16xi32>], vector<16xf32>,
      %add3A_325 = arith.constant 10240 : i32
      %add3A_326 = vector.broadcast %add3A_325 : i32 to vector<16xi32>
      %add3A_327 = arith.addi %get3A_323, %add3A_326 : vector<16xi32>
      %gather3A_328 = tpu.vector_load_idx %arg8[%add3A_327] : memref<40960xf32, #tpu.memory_space<vmem>>[vector<16xi32>], vector<16xf32>,
      %add3A_329 = arith.constant 20480 : i32
      %add3A_330 = vector.broadcast %add3A_329 : i32 to vector<16xi32>
      %add3A_331 = arith.addi %get3A_317, %add3A_330 : vector<16xi32>
      %gather3A_332 = tpu.vector_load_idx %arg8[%add3A_331] : memref<40960xf32, #tpu.memory_space<vmem>>[vector<16xi32>], vector<16xf32>,
      %add3A_333 = arith.constant 30720 : i32
      %add3A_334 = vector.broadcast %add3A_333 : i32 to vector<16xi32>
      %add3A_335 = arith.addi %get3A_317, %add3A_334 : vector<16xi32>
      %gather3A_336 = tpu.vector_load_idx %arg8[%add3A_335] : memref<40960xf32, #tpu.memory_space<vmem>>[vector<16xi32>], vector<16xf32>,
      %add3A_337 = arith.addf %gather3A_324, %gather3A_328 : vector<16xf32>
      %ge3A_338 = arith.constant 0.000000e+00 : f32
      %ge3A_339 = vector.broadcast %ge3A_338 : f32 to vector<16xf32>
      %ge3A_340 = arith.cmpf oge, %add3A_337, %ge3A_339 : vector<16xf32>
      %mul3A_341 = arith.constant 2.000000e-01 : f32
      %mul3A_342 = vector.broadcast %mul3A_341 : f32 to vector<16xf32>
      %mul3A_343 = arith.mulf %add3A_337, %mul3A_342 : vector<16xf32>
      %select_n3A_344 = arith.select %ge3A_340, %add3A_337, %mul3A_343 : vector<16xi1>, vector<16xf32>
      %sub3A_345 = arith.subf %select_n3A_344, %get3A_122 : vector<16xf32>
      %exp3A_346 = math.exp %sub3A_345 : vector<16xf32>
      tpu.vector_store_idx %arg11[%get3A_323], %exp3A_346 {add = true} : memref<10240xf32, #tpu.memory_space<vmem>>[vector<16xi32>], vector<16xf32>,
      %mul3A_347 = arith.mulf %exp3A_346, %gather3A_332 : vector<16xf32>
      tpu.vector_store_idx %arg12[%get3A_323], %mul3A_347 {add = true} : memref<10240xf32, #tpu.memory_space<vmem>>[vector<16xi32>], vector<16xf32>,
      %mul3A_348 = arith.mulf %exp3A_346, %gather3A_336 : vector<16xf32>
      tpu.vector_store_idx %arg13[%get3A_323], %mul3A_348 {add = true} : memref<10240xf32, #tpu.memory_space<vmem>>[vector<16xi32>], vector<16xf32>,
      %get3A_349 = arith.constant 78 : i32
      %get3A_350 = arith.constant 0 : i32
      %get3A_351 = arith.index_cast %get3A_349 : i32 to index
      %get3A_352 = arith.index_cast %get3A_350 : i32 to index
      %get3A_353 = arith.constant 96 : index
      %get3A_354 = tpu.vector_load %arg10[%get3A_351, %get3A_352, %get3A_353] {strides = array<i32>} : memref<79x2x128xi32, #tpu.memory_space<vmem>>, vector<16xi32>,
      %get3A_355 = arith.constant 78 : i32
      %get3A_356 = arith.constant 1 : i32
      %get3A_357 = arith.index_cast %get3A_355 : i32 to index
      %get3A_358 = arith.index_cast %get3A_356 : i32 to index
      %get3A_359 = arith.constant 96 : index
      %get3A_360 = tpu.vector_load %arg10[%get3A_357, %get3A_358, %get3A_359] {strides = array<i32>} : memref<79x2x128xi32, #tpu.memory_space<vmem>>, vector<16xi32>,
      %gather3A_361 = tpu.vector_load_idx %arg8[%get3A_354] : memref<40960xf32, #tpu.memory_space<vmem>>[vector<16xi32>], vector<16xf32>,
      %add3A_362 = arith.constant 10240 : i32
      %add3A_363 = vector.broadcast %add3A_362 : i32 to vector<16xi32>
      %add3A_364 = arith.addi %get3A_360, %add3A_363 : vector<16xi32>
      %gather3A_365 = tpu.vector_load_idx %arg8[%add3A_364] : memref<40960xf32, #tpu.memory_space<vmem>>[vector<16xi32>], vector<16xf32>,
      %add3A_366 = arith.constant 20480 : i32
      %add3A_367 = vector.broadcast %add3A_366 : i32 to vector<16xi32>
      %add3A_368 = arith.addi %get3A_354, %add3A_367 : vector<16xi32>
      %gather3A_369 = tpu.vector_load_idx %arg8[%add3A_368] : memref<40960xf32, #tpu.memory_space<vmem>>[vector<16xi32>], vector<16xf32>,
      %add3A_370 = arith.constant 30720 : i32
      %add3A_371 = vector.broadcast %add3A_370 : i32 to vector<16xi32>
      %add3A_372 = arith.addi %get3A_354, %add3A_371 : vector<16xi32>
      %gather3A_373 = tpu.vector_load_idx %arg8[%add3A_372] : memref<40960xf32, #tpu.memory_space<vmem>>[vector<16xi32>], vector<16xf32>,
      %add3A_374 = arith.addf %gather3A_361, %gather3A_365 : vector<16xf32>
      %ge3A_375 = arith.constant 0.000000e+00 : f32
      %ge3A_376 = vector.broadcast %ge3A_375 : f32 to vector<16xf32>
      %ge3A_377 = arith.cmpf oge, %add3A_374, %ge3A_376 : vector<16xf32>
      %mul3A_378 = arith.constant 2.000000e-01 : f32
      %mul3A_379 = vector.broadcast %mul3A_378 : f32 to vector<16xf32>
      %mul3A_380 = arith.mulf %add3A_374, %mul3A_379 : vector<16xf32>
      %select_n3A_381 = arith.select %ge3A_377, %add3A_374, %mul3A_380 : vector<16xi1>, vector<16xf32>
      %sub3A_382 = arith.subf %select_n3A_381, %get3A_122 : vector<16xf32>
      %exp3A_383 = math.exp %sub3A_382 : vector<16xf32>
      tpu.vector_store_idx %arg11[%get3A_360], %exp3A_383 {add = true} : memref<10240xf32, #tpu.memory_space<vmem>>[vector<16xi32>], vector<16xf32>,
      %mul3A_384 = arith.mulf %exp3A_383, %gather3A_369 : vector<16xf32>
      tpu.vector_store_idx %arg12[%get3A_360], %mul3A_384 {add = true} : memref<10240xf32, #tpu.memory_space<vmem>>[vector<16xi32>], vector<16xf32>,
      %mul3A_385 = arith.mulf %exp3A_383, %gather3A_373 : vector<16xf32>
      tpu.vector_store_idx %arg13[%get3A_360], %mul3A_385 {add = true} : memref<10240xf32, #tpu.memory_space<vmem>>[vector<16xi32>], vector<16xf32>,
      %get3A_386 = arith.constant 78 : i32
      %get3A_387 = arith.constant 0 : i32
      %get3A_388 = arith.index_cast %get3A_386 : i32 to index
      %get3A_389 = arith.index_cast %get3A_387 : i32 to index
      %get3A_390 = arith.constant 112 : index
      %get3A_391 = tpu.vector_load %arg10[%get3A_388, %get3A_389, %get3A_390] {strides = array<i32>} : memref<79x2x128xi32, #tpu.memory_space<vmem>>, vector<16xi32>,
      %get3A_392 = arith.constant 78 : i32
      %get3A_393 = arith.constant 1 : i32
      %get3A_394 = arith.index_cast %get3A_392 : i32 to index
      %get3A_395 = arith.index_cast %get3A_393 : i32 to index
      %get3A_396 = arith.constant 112 : index
      %get3A_397 = tpu.vector_load %arg10[%get3A_394, %get3A_395, %get3A_396] {strides = array<i32>} : memref<79x2x128xi32, #tpu.memory_space<vmem>>, vector<16xi32>,
      %gather3A_398 = tpu.vector_load_idx %arg8[%get3A_391] : memref<40960xf32, #tpu.memory_space<vmem>>[vector<16xi32>], vector<16xf32>,
      %add3A_399 = arith.constant 10240 : i32
      %add3A_400 = vector.broadcast %add3A_399 : i32 to vector<16xi32>
      %add3A_401 = arith.addi %get3A_397, %add3A_400 : vector<16xi32>
      %gather3A_402 = tpu.vector_load_idx %arg8[%add3A_401] : memref<40960xf32, #tpu.memory_space<vmem>>[vector<16xi32>], vector<16xf32>,
      %add3A_403 = arith.constant 20480 : i32
      %add3A_404 = vector.broadcast %add3A_403 : i32 to vector<16xi32>
      %add3A_405 = arith.addi %get3A_391, %add3A_404 : vector<16xi32>
      %gather3A_406 = tpu.vector_load_idx %arg8[%add3A_405] : memref<40960xf32, #tpu.memory_space<vmem>>[vector<16xi32>], vector<16xf32>,
      %add3A_407 = arith.constant 30720 : i32
      %add3A_408 = vector.broadcast %add3A_407 : i32 to vector<16xi32>
      %add3A_409 = arith.addi %get3A_391, %add3A_408 : vector<16xi32>
      %gather3A_410 = tpu.vector_load_idx %arg8[%add3A_409] : memref<40960xf32, #tpu.memory_space<vmem>>[vector<16xi32>], vector<16xf32>,
      %add3A_411 = arith.addf %gather3A_398, %gather3A_402 : vector<16xf32>
      %ge3A_412 = arith.constant 0.000000e+00 : f32
      %ge3A_413 = vector.broadcast %ge3A_412 : f32 to vector<16xf32>
      %ge3A_414 = arith.cmpf oge, %add3A_411, %ge3A_413 : vector<16xf32>
      %mul3A_415 = arith.constant 2.000000e-01 : f32
      %mul3A_416 = vector.broadcast %mul3A_415 : f32 to vector<16xf32>
      %mul3A_417 = arith.mulf %add3A_411, %mul3A_416 : vector<16xf32>
      %select_n3A_418 = arith.select %ge3A_414, %add3A_411, %mul3A_417 : vector<16xi1>, vector<16xf32>
      %sub3A_419 = arith.subf %select_n3A_418, %get3A_122 : vector<16xf32>
      %exp3A_420 = math.exp %sub3A_419 : vector<16xf32>
      tpu.vector_store_idx %arg11[%get3A_397], %exp3A_420 {add = true} : memref<10240xf32, #tpu.memory_space<vmem>>[vector<16xi32>], vector<16xf32>,
      %mul3A_421 = arith.mulf %exp3A_420, %gather3A_406 : vector<16xf32>
      tpu.vector_store_idx %arg12[%get3A_397], %mul3A_421 {add = true} : memref<10240xf32, #tpu.memory_space<vmem>>[vector<16xi32>], vector<16xf32>,
      %mul3A_422 = arith.mulf %exp3A_420, %gather3A_410 : vector<16xf32>
      tpu.vector_store_idx %arg13[%get3A_397], %mul3A_422 {add = true} : memref<10240xf32, #tpu.memory_space<vmem>>[vector<16xi32>], vector<16xf32>,
    } else {
    }
    "tpu.region"() ({
      %run_scoped3A = tpu.sem_alloc : memref<!tpu.dma_semaphore, #tpu.memory_space<semaphore_mem>>
      %dma_start3A_131 = arith.constant 0 : i32
      %dma_start3A_132 = tpu.memref_slice %arg5[%add3A, %dma_start3A_131] : memref<32x10240xf32, #tpu.memory_space<hbm>> -> memref<1x10240xf32, #tpu.memory_space<hbm>>
      %dma_start3A_133 = tpu.memref_squeeze %dma_start3A_132 : memref<1x10240xf32, #tpu.memory_space<hbm>> -> memref<10240xf32, #tpu.memory_space<hbm>>
      %dma_start3A_134 = arith.constant 0 : i32
      %dma_start3A_135 = tpu.memref_slice %arg5[%add3A, %dma_start3A_134] : memref<32x10240xf32, #tpu.memory_space<hbm>> -> memref<1x10240xf32, #tpu.memory_space<hbm>>
      %dma_start3A_136 = tpu.memref_squeeze %dma_start3A_135 : memref<1x10240xf32, #tpu.memory_space<hbm>> -> memref<10240xf32, #tpu.memory_space<hbm>>
      tpu.enqueue_dma source(%arg11 : memref<10240xf32, #tpu.memory_space<vmem>>) target(%dma_start3A_136 : memref<10240xf32, #tpu.memory_space<hbm>>) target_semaphore(%run_scoped3A : memref<!tpu.dma_semaphore, #tpu.memory_space<semaphore_mem>>)
      %dma_wait3A_137 = arith.constant 0 : i32
      %dma_wait3A_138 = tpu.memref_slice %arg5[%add3A, %dma_wait3A_137] : memref<32x10240xf32, #tpu.memory_space<hbm>> -> memref<1x10240xf32, #tpu.memory_space<hbm>>
      %dma_wait3A_139 = tpu.memref_squeeze %dma_wait3A_138 : memref<1x10240xf32, #tpu.memory_space<hbm>> -> memref<10240xf32, #tpu.memory_space<hbm>>
      %dma_wait3A_140 = arith.constant 0 : i32
      %dma_wait3A_141 = tpu.memref_slice %arg5[%add3A, %dma_wait3A_140] : memref<32x10240xf32, #tpu.memory_space<hbm>> -> memref<1x10240xf32, #tpu.memory_space<hbm>>
      %dma_wait3A_142 = tpu.memref_squeeze %dma_wait3A_141 : memref<1x10240xf32, #tpu.memory_space<hbm>> -> memref<10240xf32, #tpu.memory_space<hbm>>
      tpu.wait_dma2 semaphore(%run_scoped3A : memref<!tpu.dma_semaphore, #tpu.memory_space<semaphore_mem>>) src(%arg11 : memref<10240xf32, #tpu.memory_space<vmem>>) dst(%dma_wait3A_142 : memref<10240xf32, #tpu.memory_space<hbm>>)
      tpu.yield
    }) : () -> ()
    "tpu.region"() ({
      %run_scoped3A = tpu.sem_alloc : memref<!tpu.dma_semaphore, #tpu.memory_space<semaphore_mem>>
      %dma_start3A_131 = arith.constant 0 : i32
      %dma_start3A_132 = tpu.memref_slice %arg6[%add3A, %dma_start3A_131] : memref<32x10240xf32, #tpu.memory_space<hbm>> -> memref<1x10240xf32, #tpu.memory_space<hbm>>
      %dma_start3A_133 = tpu.memref_squeeze %dma_start3A_132 : memref<1x10240xf32, #tpu.memory_space<hbm>> -> memref<10240xf32, #tpu.memory_space<hbm>>
      %dma_start3A_134 = arith.constant 0 : i32
      %dma_start3A_135 = tpu.memref_slice %arg6[%add3A, %dma_start3A_134] : memref<32x10240xf32, #tpu.memory_space<hbm>> -> memref<1x10240xf32, #tpu.memory_space<hbm>>
      %dma_start3A_136 = tpu.memref_squeeze %dma_start3A_135 : memref<1x10240xf32, #tpu.memory_space<hbm>> -> memref<10240xf32, #tpu.memory_space<hbm>>
      tpu.enqueue_dma source(%arg12 : memref<10240xf32, #tpu.memory_space<vmem>>) target(%dma_start3A_136 : memref<10240xf32, #tpu.memory_space<hbm>>) target_semaphore(%run_scoped3A : memref<!tpu.dma_semaphore, #tpu.memory_space<semaphore_mem>>)
      %dma_wait3A_137 = arith.constant 0 : i32
      %dma_wait3A_138 = tpu.memref_slice %arg6[%add3A, %dma_wait3A_137] : memref<32x10240xf32, #tpu.memory_space<hbm>> -> memref<1x10240xf32, #tpu.memory_space<hbm>>
      %dma_wait3A_139 = tpu.memref_squeeze %dma_wait3A_138 : memref<1x10240xf32, #tpu.memory_space<hbm>> -> memref<10240xf32, #tpu.memory_space<hbm>>
      %dma_wait3A_140 = arith.constant 0 : i32
      %dma_wait3A_141 = tpu.memref_slice %arg6[%add3A, %dma_wait3A_140] : memref<32x10240xf32, #tpu.memory_space<hbm>> -> memref<1x10240xf32, #tpu.memory_space<hbm>>
      %dma_wait3A_142 = tpu.memref_squeeze %dma_wait3A_141 : memref<1x10240xf32, #tpu.memory_space<hbm>> -> memref<10240xf32, #tpu.memory_space<hbm>>
      tpu.wait_dma2 semaphore(%run_scoped3A : memref<!tpu.dma_semaphore, #tpu.memory_space<semaphore_mem>>) src(%arg12 : memref<10240xf32, #tpu.memory_space<vmem>>) dst(%dma_wait3A_142 : memref<10240xf32, #tpu.memory_space<hbm>>)
      tpu.yield
    }) : () -> ()
    "tpu.region"() ({
      %run_scoped3A = tpu.sem_alloc : memref<!tpu.dma_semaphore, #tpu.memory_space<semaphore_mem>>
      %dma_start3A_131 = arith.constant 0 : i32
      %dma_start3A_132 = tpu.memref_slice %arg7[%add3A, %dma_start3A_131] : memref<32x10240xf32, #tpu.memory_space<hbm>> -> memref<1x10240xf32, #tpu.memory_space<hbm>>
      %dma_start3A_133 = tpu.memref_squeeze %dma_start3A_132 : memref<1x10240xf32, #tpu.memory_space<hbm>> -> memref<10240xf32, #tpu.memory_space<hbm>>
      %dma_start3A_134 = arith.constant 0 : i32
      %dma_start3A_135 = tpu.memref_slice %arg7[%add3A, %dma_start3A_134] : memref<32x10240xf32, #tpu.memory_space<hbm>> -> memref<1x10240xf32, #tpu.memory_space<hbm>>
      %dma_start3A_136 = tpu.memref_squeeze %dma_start3A_135 : memref<1x10240xf32, #tpu.memory_space<hbm>> -> memref<10240xf32, #tpu.memory_space<hbm>>
      tpu.enqueue_dma source(%arg13 : memref<10240xf32, #tpu.memory_space<vmem>>) target(%dma_start3A_136 : memref<10240xf32, #tpu.memory_space<hbm>>) target_semaphore(%run_scoped3A : memref<!tpu.dma_semaphore, #tpu.memory_space<semaphore_mem>>)
      %dma_wait3A_137 = arith.constant 0 : i32
      %dma_wait3A_138 = tpu.memref_slice %arg7[%add3A, %dma_wait3A_137] : memref<32x10240xf32, #tpu.memory_space<hbm>> -> memref<1x10240xf32, #tpu.memory_space<hbm>>
      %dma_wait3A_139 = tpu.memref_squeeze %dma_wait3A_138 : memref<1x10240xf32, #tpu.memory_space<hbm>> -> memref<10240xf32, #tpu.memory_space<hbm>>
      %dma_wait3A_140 = arith.constant 0 : i32
      %dma_wait3A_141 = tpu.memref_slice %arg7[%add3A, %dma_wait3A_140] : memref<32x10240xf32, #tpu.memory_space<hbm>> -> memref<1x10240xf32, #tpu.memory_space<hbm>>
      %dma_wait3A_142 = tpu.memref_squeeze %dma_wait3A_141 : memref<1x10240xf32, #tpu.memory_space<hbm>> -> memref<10240xf32, #tpu.memory_space<hbm>>
      tpu.wait_dma2 semaphore(%run_scoped3A : memref<!tpu.dma_semaphore, #tpu.memory_space<semaphore_mem>>) src(%arg13 : memref<10240xf32, #tpu.memory_space<vmem>>) dst(%dma_wait3A_142 : memref<10240xf32, #tpu.memory_space<hbm>>)
      tpu.yield
    }) : () -> ()
    return
  }
}

module attributes {stable_mosaic.version = 14 : i64} {
  func.func @_pre_body(%arg0: memref<4x10000xf32, #tpu.memory_space<vmem>>, %arg1: memref<1x512xf32, #tpu.memory_space<vmem>>, %arg2: memref<1x512xf32, #tpu.memory_space<vmem>>, %arg3: memref<4x512xf32, #tpu.memory_space<vmem>>, %arg4: memref<2x512xf32, #tpu.memory_space<vmem>>, %arg5: memref<2x512xf32, #tpu.memory_space<vmem>>, %arg6: memref<8x10240xf32, #tpu.memory_space<vmem>>, %arg7: memref<1x16xf32, #tpu.memory_space<vmem>>) attributes {dimension_semantics = [], scalar_prefetch = 0 : i64, scratch_operands = 0 : i64, tpu.core_type = #tpu.core_type<tc>} {
    %get3A = arith.constant 0 : index
    %get3A_0 = arith.constant 0 : index
    %get3A_1 = vector.load %arg1[%get3A, %get3A_0] : memref<1x512xf32, #tpu.memory_space<vmem>>, vector<1x512xf32>
    %get3A_2 = arith.constant 0 : index
    %get3A_3 = arith.constant 0 : index
    %get3A_4 = vector.load %arg3[%get3A_2, %get3A_3] : memref<4x512xf32, #tpu.memory_space<vmem>>, vector<4x512xf32>
    %dot_general3A = arith.constant dense<0.000000e+00> : vector<1x4xf32>
    %dot_general3A_5 = tpu.matmul %get3A_1, %get3A_4, %dot_general3A {dimension_numbers = #tpu.dot_dimension_numbers<[1], [1], [0], [0], [0, 0, 1, 0], [], []>, transpose_lhs_hint = false} : vector<1x512xf32>, vector<4x512xf32>, vector<1x4xf32> -> vector<1x4xf32>
    %get3A_6 = arith.constant 0 : index
    %get3A_7 = arith.constant 0 : index
    %get3A_8 = vector.load %arg2[%get3A_6, %get3A_7] : memref<1x512xf32, #tpu.memory_space<vmem>>, vector<1x512xf32>
    %get3A_9 = arith.constant 0 : index
    %get3A_10 = arith.constant 0 : index
    %get3A_11 = vector.load %arg3[%get3A_9, %get3A_10] : memref<4x512xf32, #tpu.memory_space<vmem>>, vector<4x512xf32>
    %dot_general3A_12 = arith.constant dense<0.000000e+00> : vector<1x4xf32>
    %dot_general3A_13 = tpu.matmul %get3A_8, %get3A_11, %dot_general3A_12 {dimension_numbers = #tpu.dot_dimension_numbers<[1], [1], [0], [0], [0, 0, 1, 0], [], []>, transpose_lhs_hint = false} : vector<1x512xf32>, vector<4x512xf32>, vector<1x4xf32> -> vector<1x4xf32>
    %get3A_14 = arith.constant 0 : index
    %get3A_15 = arith.constant 0 : index
    %get3A_16 = vector.load %arg0[%get3A_14, %get3A_15] : memref<4x10000xf32, #tpu.memory_space<vmem>>, vector<4x10000xf32>
    %dot_general3A_17 = arith.constant dense<0.000000e+00> : vector<1x10000xf32>
    %dot_general3A_18 = tpu.matmul %dot_general3A_5, %get3A_16, %dot_general3A_17 {dimension_numbers = #tpu.dot_dimension_numbers<[1], [0], [0], [1], [0, 0, 1, 1], [], []>, transpose_lhs_hint = false} : vector<1x4xf32>, vector<4x10000xf32>, vector<1x10000xf32> -> vector<1x10000xf32>
    %get3A_19 = arith.constant 0 : index
    %get3A_20 = arith.constant 0 : index
    %get3A_21 = vector.load %arg0[%get3A_19, %get3A_20] : memref<4x10000xf32, #tpu.memory_space<vmem>>, vector<4x10000xf32>
    %dot_general3A_22 = arith.constant dense<0.000000e+00> : vector<1x10000xf32>
    %dot_general3A_23 = tpu.matmul %dot_general3A_13, %get3A_21, %dot_general3A_22 {dimension_numbers = #tpu.dot_dimension_numbers<[1], [0], [0], [1], [0, 0, 1, 1], [], []>, transpose_lhs_hint = false} : vector<1x4xf32>, vector<4x10000xf32>, vector<1x10000xf32> -> vector<1x10000xf32>
    %get3A_24 = arith.constant 0 : index
    %get3A_25 = arith.constant 0 : index
    %get3A_26 = vector.load %arg4[%get3A_24, %get3A_25] : memref<2x512xf32, #tpu.memory_space<vmem>>, vector<2x512xf32>
    %get3A_27 = arith.constant 0 : index
    %get3A_28 = arith.constant 0 : index
    %get3A_29 = vector.load %arg5[%get3A_27, %get3A_28] : memref<2x512xf32, #tpu.memory_space<vmem>>, vector<2x512xf32>
    %dot_general3A_30 = arith.constant dense<0.000000e+00> : vector<2x2xf32>
    %dot_general3A_31 = tpu.matmul %get3A_26, %get3A_29, %dot_general3A_30 {dimension_numbers = #tpu.dot_dimension_numbers<[1], [1], [0], [0], [0, 0, 1, 0], [], []>, transpose_lhs_hint = false} : vector<2x512xf32>, vector<2x512xf32>, vector<2x2xf32> -> vector<2x2xf32>
    %get3A_32 = arith.constant 0 : index
    %get3A_33 = arith.constant 0 : index
    %get3A_34 = vector.load %arg0[%get3A_32, %get3A_33] : memref<4x10000xf32, #tpu.memory_space<vmem>>, vector<2x10000xf32>
    %dot_general3A_35 = arith.constant dense<0.000000e+00> : vector<2x10000xf32>
    %dot_general3A_36 = tpu.matmul %dot_general3A_31, %get3A_34, %dot_general3A_35 {dimension_numbers = #tpu.dot_dimension_numbers<[0], [0], [1], [1], [0, 1, 1, 1], [], []>, transpose_lhs_hint = false} : vector<2x2xf32>, vector<2x10000xf32>, vector<2x10000xf32> -> vector<2x10000xf32>
    %swap3A = arith.constant 0 : index
    %swap3A_37 = arith.constant 0 : index
    %swap3A_38 = vector.load %arg6[%swap3A, %swap3A_37] : memref<8x10240xf32, #tpu.memory_space<vmem>>, vector<1x10000xf32>
    tpu.vector_store %arg6[%swap3A, %swap3A_37], %dot_general3A_18 {strides = array<i32>} : memref<8x10240xf32, #tpu.memory_space<vmem>>, vector<1x10000xf32>,
    %swap3A_39 = arith.constant 1 : index
    %swap3A_40 = arith.constant 0 : index
    %swap3A_41 = vector.load %arg6[%swap3A_39, %swap3A_40] : memref<8x10240xf32, #tpu.memory_space<vmem>>, vector<1x10000xf32>
    tpu.vector_store %arg6[%swap3A_39, %swap3A_40], %dot_general3A_23 {strides = array<i32>} : memref<8x10240xf32, #tpu.memory_space<vmem>>, vector<1x10000xf32>,
    %swap3A_42 = arith.constant 2 : index
    %swap3A_43 = arith.constant 0 : index
    %swap3A_44 = vector.load %arg6[%swap3A_42, %swap3A_43] : memref<8x10240xf32, #tpu.memory_space<vmem>>, vector<2x10000xf32>
    tpu.vector_store %arg6[%swap3A_42, %swap3A_43], %dot_general3A_36 {strides = array<i32>} : memref<8x10240xf32, #tpu.memory_space<vmem>>, vector<2x10000xf32>,
    %reduce_max3A = vector.shape_cast %dot_general3A_18 : vector<1x10000xf32> to vector<1x1x10000xf32>
    %reduce_max3A_45 = arith.constant dense<0xFF800000> : vector<1xf32>
    %reduce_max3A_46 = vector.multi_reduction <maximumf>, %reduce_max3A, %reduce_max3A_45 [1, 2] : vector<1x1x10000xf32> to vector<1xf32>
    %reduce_max3A_47 = vector.shape_cast %reduce_max3A_46 : vector<1xf32> to vector<1x1x1xf32>
    %reduce_max3A_48 = vector.extract %reduce_max3A_47[0, 0, 0] : f32 from vector<1x1x1xf32>
    %reduce_max3A_49 = vector.shape_cast %dot_general3A_23 : vector<1x10000xf32> to vector<1x1x10000xf32>
    %reduce_max3A_50 = arith.constant dense<0xFF800000> : vector<1xf32>
    %reduce_max3A_51 = vector.multi_reduction <maximumf>, %reduce_max3A_49, %reduce_max3A_50 [1, 2] : vector<1x1x10000xf32> to vector<1xf32>
    %reduce_max3A_52 = vector.shape_cast %reduce_max3A_51 : vector<1xf32> to vector<1x1x1xf32>
    %reduce_max3A_53 = vector.extract %reduce_max3A_52[0, 0, 0] : f32 from vector<1x1x1xf32>
    %add3A = arith.addf %reduce_max3A_48, %reduce_max3A_53 : f32
    %max3A = arith.constant 0.000000e+00 : f32
    %max3A_54 = arith.maximumf %add3A, %max3A : f32
    %broadcast_in_dim3A = arith.constant 0.000000e+00 : f32
    %broadcast_in_dim3A_55 = vector.broadcast %broadcast_in_dim3A : f32 to vector<4x10240xf32>
    %swap3A_56 = arith.constant 4 : index
    %swap3A_57 = arith.constant 0 : index
    %swap3A_58 = vector.load %arg6[%swap3A_56, %swap3A_57] : memref<8x10240xf32, #tpu.memory_space<vmem>>, vector<4x10240xf32>
    tpu.vector_store %arg6[%swap3A_56, %swap3A_57], %broadcast_in_dim3A_55 {strides = array<i32>} : memref<8x10240xf32, #tpu.memory_space<vmem>>, vector<4x10240xf32>,
    %broadcast_in_dim3A_59 = vector.broadcast %max3A_54 : f32 to vector<1x16xf32>
    %swap3A_60 = arith.constant 0 : index
    %swap3A_61 = arith.constant 0 : index
    %swap3A_62 = vector.load %arg7[%swap3A_60, %swap3A_61] : memref<1x16xf32, #tpu.memory_space<vmem>>, vector<1x16xf32>
    tpu.vector_store %arg7[%swap3A_60, %swap3A_61], %broadcast_in_dim3A_59 {strides = array<i32>} : memref<1x16xf32, #tpu.memory_space<vmem>>, vector<1x16xf32>,
    return
  }
}

</mosaic_0001>

<sc_bundles>
// kernel: kernel.5.cloned.1.call-start
scs
__scs_entry_jumppad:
0x0: {  	(pc) =	sbr.rel $0x88, $3  }
0x1: {  	(tag) =	ssettag $0x0;
	lr =	simm.s32 $0x1  }
0x2: {  	[smem:$0x3F9A] =	sst lr;
	_ =	strace $0xD0000000  }
0x3: {  	_ = 	snop  }
0x4: {  	_ = 	snop  }
0x5: {  	_ = 	snop  }
0x6: {  	_ = 	snop  }
0x7: {  	_ = 	snop  }
__scs_overlays_trampoline_lowered:
0x8: {  	[smem:$0x3FA9] =	sst s0  }
0x9: {  	[smem:$0x3FAA] =	sst s1  }
0xa: {  	[smem:$0x3FAB] =	sst s2  }
0xb: {  	[smem:$0x3FAC] =	sst s3  }
0xc: {  	[smem:$0x3FAD] =	sst s4  }
0xd: {  	[smem:$0x3FAE] =	sst s5  }
0xe: {  	[smem:$0x3FAF] =	sst s6  }
0xf: {  	[smem:$0x3FB0] =	sst s7  }
0x10: {  	[smem:$0x3FB1] =	sst s8  }
0x11: {  	[smem:$0x3FB2] =	sst s9;
	s0 =	simm.s32 @!p0 $0x0  }
0x12: {  	s1 =	sld [smem:$0x3F98];
	s0 =	simm.s32 @p0 $0x1  }
0x13: {  	[smem:$0x3FB3] =	sst s0;
	s0 =	simm.s32 @!p1 $0x0  }
0x14: {  	s2 =	sld [smem:$0x3F97];
	s0 =	simm.s32 @p1 $0x1  }
0x15: {  	[smem:$0x3FB4] =	sst s0;
	s0 =	simm.s32 @!p2 $0x0  }
0x16: {  	s3 =	sld [smem:$0x3FDB];
	s0 =	simm.s32 @p2 $0x1  }
0x17: {  	s4 =	simm.s32 $0x1BF5;
	[smem:$0x3FB6] =	sst s0  }
0x18: {  	s0 =	sld [smem:$0x3F99];
	_ =	swait.ge [sflag:s4], $0x0  }
0x19: {  	s7 =	sld [smem:$0x3F9A]  }
0x1a: {  	s8 =	sadd.s32 $0xFFFFE003, lr  }
0x1b: {  	s9 =	sadd.s32 $0xFFFFFEF7, lr;
	s5 =	simm.s32 $0xFFFFFFFF;
	p2 =	slt.u32 s8, $0xFFFFF086  }
0x1c: {  	p1 =	slt.u32 s9, $0xF7A;
	s5 =	simm.s32 @!p2 $0x0  }
0x1d: {  	s5 =	simm.s32 @p1 $0x1;
	p0 =	seq.s32 s7, s2  }
0x1e: {  	s7 =	smul.u32 @!p0 $0xF7A, s2;
	p2 =	seq.s32 @!p0 s5, $0x0  }
0x1f: {  	s9 =	smul.u32 $0xF7A, s1;
	s8 =	simm.s32 @!p0 $0x1BF5;
	p2 =	por !p2, p0  }
0x20: {  	[sflag:s8] =	ssyncset.s32 @!p0 $0xFFFFF086;
	s6 =	sadd.s32 @!p0 s3, s7;
	s7 =	simm.s32 @!p0 $0x108  }
0x21: {  	s3 =	sadd.s32 s3, s9;
	s6 =	sadd.s32 @!p0 $0x88, s6;
	s7 =	simm.s32 @p2 $0x1082  }
0x22: {  	[simem:s7], [sflag:s8] =	dma.local @!p0 [hbm:s6], $0xF7A  }
0x23: {  	s9 =	sor.u32 $0xD0000000, s2;
	s6 =	simm.s32 $0x108;
	_ =	swait.ge @!p0 [sflag:s8], $0x0  }
0x24: {  	s3 =	sadd.s32 $0x88, s3;
	s6 =	simm.s32 @!p1 $0x1082;
	[sflag:s4] =	ssyncset.s32 $0xFFFFF086  }
0x25: {  	[simem:s6], [sflag:s4] =	dma.local [hbm:s3], $0xF7A  }
0x26: {  	[smem:$0x3F9A] =	sst s1;
	(tag) =	ssettag s2;
	_ =	strace s9  }
0x27: {  	s1 =	sld [smem:$0x3FAA]  }
0x28: {  	s2 =	sld [smem:$0x3FAB]  }
0x29: {  	s4 =	sld [smem:$0x3FAD]  }
0x2a: {  	p0 =	seq.s32 s5, $0x0;
	s5 =	sld [smem:$0x3FAE]  }
0x2b: {  	s6 =	sld [smem:$0x3FAF]  }
0x2c: {  	s7 =	sld [smem:$0x3FB0]  }
0x2d: {  	s3 =	simm.s32 $0x108;
	s8 =	sld [smem:$0x3FB1]  }
0x2e: {  	s3 =	simm.s32 @!p0 $0x1082;
	s9 =	sld [smem:$0x3FB2]  }
0x2f: {  	lr =	sadd.s32 s0, s3;
	s0 =	sld [smem:$0x3FA9]  }
0x30: {  	s3 =	sld [smem:$0x3FAC]  }
0x31: {  	[smem:$0x3FB5] =	sst s10  }
0x32: {  	s10 =	sld [smem:$0x3FB3];
	_ =	sdelay $0x3  }
0x33: {  	p0 =	seq.s32 s10, $0x1;
	s10 =	sld [smem:$0x3FB5];
	_ =	sdelay $0x3  }
0x34: {  	[smem:$0x3FB5] =	sst s10  }
0x35: {  	s10 =	sld [smem:$0x3FB4];
	_ =	sdelay $0x3  }
0x36: {  	p1 =	seq.s32 s10, $0x1;
	s10 =	sld [smem:$0x3FB5];
	_ =	sdelay $0x3  }
0x37: {  	[smem:$0x3FB5] =	sst s10  }
0x38: {  	s10 =	sld [smem:$0x3FB6]  }
0x39: {  	_ = 	snop;
	(pc) =	sbr.ind lr, $3  }
0x3a: {  	_ = 	snop  }
0x3b: {  	_ = 	snop  }
0x3c: {  	p2 =	seq.s32 s10, $0x1;
	s10 =	sld [smem:$0x3FB5]  }
0x3d: {  	_ =	shalt  }
0x3e: {  	_ =	shalt  }
0x3f: {  	_ =	shalt  }
0x40: {  	_ =	shalt  }
0x41: {  	_ =	shalt  }
0x42: {  	_ =	shalt  }
0x43: {  	_ =	shalt  }
0x44: {  	_ =	shalt  }
0x45: {  	_ =	shalt  }
0x46: {  	_ =	shalt  }
0x47: {  	_ =	shalt  }
0x48: {  	_ =	shalt  }
0x49: {  	_ =	shalt  }
0x4a: {  	_ =	shalt  }
0x4b: {  	_ =	shalt  }
0x4c: {  	_ =	shalt  }
0x4d: {  	_ =	shalt  }
0x4e: {  	_ =	shalt  }
0x4f: {  	_ =	shalt  }
0x50: {  	_ =	shalt  }
0x51: {  	_ =	shalt  }
0x52: {  	_ =	shalt  }
0x53: {  	_ =	shalt  }
0x54: {  	_ =	shalt  }
0x55: {  	_ =	shalt  }
0x56: {  	_ =	shalt  }
0x57: {  	_ =	shalt  }
0x58: {  	_ =	shalt  }
0x59: {  	_ =	shalt  }
0x5a: {  	_ =	shalt  }
0x5b: {  	_ =	shalt  }
0x5c: {  	_ =	shalt  }
0x5d: {  	_ =	shalt  }
0x5e: {  	_ =	shalt  }
0x5f: {  	_ =	shalt  }
0x60: {  	_ =	shalt  }
0x61: {  	_ =	shalt  }
0x62: {  	_ =	shalt  }
0x63: {  	_ =	shalt  }
0x64: {  	_ =	shalt  }
0x65: {  	_ =	shalt  }
0x66: {  	_ =	shalt  }
0x67: {  	_ =	shalt  }
0x68: {  	_ =	shalt  }
0x69: {  	_ =	shalt  }
0x6a: {  	_ =	shalt  }
0x6b: {  	_ =	shalt  }
0x6c: {  	_ =	shalt  }
0x6d: {  	_ =	shalt  }
0x6e: {  	_ =	shalt  }
0x6f: {  	_ =	shalt  }
0x70: {  	_ =	shalt  }
0x71: {  	_ =	shalt  }
0x72: {  	_ =	shalt  }
0x73: {  	_ =	shalt  }
0x74: {  	_ =	shalt  }
0x75: {  	_ =	shalt  }
0x76: {  	_ =	shalt  }
0x77: {  	_ =	shalt  }
0x78: {  	_ =	shalt  }
0x79: {  	_ =	shalt  }
0x7a: {  	_ =	shalt  }
0x7b: {  	_ =	shalt  }
0x7c: {  	_ =	shalt  }
0x7d: {  	_ =	shalt  }
0x7e: {  	_ =	shalt  }
0x7f: {  	_ =	shalt  }
0x80: {  	_ =	shalt  }
0x81: {  	_ =	shalt  }
0x82: {  	_ =	shalt  }
0x83: {  	_ =	shalt  }
0x84: {  	_ =	shalt  }
0x85: {  	_ =	shalt  }
0x86: {  	_ =	shalt  }
0x87: {  	_ =	shalt  }
.Lfunc_end0:
.L_simem_size_0:
called_computation_lowered:
.L_overlay_start_0:
0x88: {  	s2 =	sld [smem:$0x3FD9]  }
0x89: {  	s3 =	sld [smem:$0x3FFE];
	_ =	sdelay $0x1  }
0x8a: {  	s1 =	srdreg.scid  }
0x8b: {  	s0 =	sand.u32 $0x1, s1  }
0x8c: {  	s17 =	sshll.u32 s0, $0xA;
	s2 =	sadd.s32 s3, s2  }
0x8d: {  	s2 =	sadd.s32 s2, s17  }
0x8e: {  	[smem:$0x3FC1] =	sst s2  }
0x8f: {  	_ = 	snop  }
0x90: {  	s2 =	sld [smem:$0x3FC8]  }
0x91: {  	s18 =	sld [smem:$0x3FD0];
	(tm) =	ssettm $0x1  }
0x92: {  	s4 =	sld [smem:$0x3FFB];
	_ =	sdelay $0x3  }
0x93: {  	_ =	strace s4  }
0x94: {  	s4 =	sld [smem:$0x3FFC];
	_ =	sdelay $0x3  }
0x95: {  	_ =	strace s4  }
0x96: {  	s4 =	sld [smem:$0x3FFD];
	_ =	sdelay $0x3  }
0x97: {  	_ =	strace s4  }
0x98: {  	_ =	strace $0x8FFFFFFF  }
0x99: {  	s19 =	sld [smem:$0x3FDB];
	_ =	sdelay $0x1  }
0x9a: {  	s5 =	simm.s32 $_scs_section_size  }
0x9b: {  	s6 =	simm.s32 $_size__tile_overlayer_lowered;
	s7 =	simm.s32 $_tile_overlayer_lowered  }
0x9c: {  	s22 =	simm.s32 $0x1BFF;
	s21 =	sshll.u32 s7, $0x1;
	s4 =	sadd.s32 s5, s19  }
0x9d: {  	s8 =	simm.s32 $0x0;
	s20 =	sshll.u32 s6, $0x1;
	s6 =	sadd.s32 s21, s4  }
0x9e: {  	[timem:s8], [sflag:s22] =	dma.local [hbm:s6], s20  }
0x9f: {  	_ =	swait.ge [sflag:s22], s20  }
0xa0: {  	s5 =	ssub.s32 $0x0, s20;
	[sflag:s22] =	ssyncset.done $0x0  }
0xa1: {  	[sflag:s22] =	ssyncadd.s32 s5;
	_ =	sdelay $0x1  }
0xa2: {  	s23 =	simm.s32 $0x1B8B  }
0xa3: {  	_ =	swait.ge [sflag:s23], $0x1  }
0xa4: {  	[sflag:s23] =	ssyncset.done $0x0  }
0xa5: {  	s25 =	simm.s32 $0x1B8E;
	s24 =	sld [smem:$0x3FFE];
	[sflag:s23] =	ssyncadd.s32 $0xFFFFFFFF  }
0xa6: {  	s26 =	simm.s32 $execute0_lowered;
	[smem:$0x3FD2] =	sst s25  }
0xa7: {  	s6 =	sshll.u32 s26, $0x1;
	_ =	strace $0x80000046;
	[dreg:$0x1] =	wrdreg $0xFFFFFFFF  }
0xa8: {  	s28 =	simm.s32 $_size_execute0_lowered;
	s4 =	sadd.s32 s4, s6;
	[dreg:$0x0] =	wrdreg $0x0  }
0xa9: {  	s6 =	sshll.u32 s28, $0x1;
	[dreg:$0x2] =	wrdreg s4  }
0xaa: {  	[dreg:$0x3] =	wrdreg s6  }
0xab: {  	[dreg:$0x4] =	wrdreg $0xC0  }
0xac: {  	_ =	task [dreg:s8], $0x5FFFF  }
0xad: {  	[dreg:$0x1] =	wrdreg $0xFFFFFFFF  }
0xae: {  	[dreg:$0x0] =	wrdreg $0x60  }
0xaf: {  	[dreg:$0x2] =	wrdreg s24  }
0xb0: {  	[dreg:$0x3] =	wrdreg s18  }
0xb1: {  	[dreg:$0x4] =	wrdreg s2  }
0xb2: {  	[dreg:$0x5] =	wrdreg $0x9  }
0xb3: {  	_ =	task.clear_ibuf [dreg:s8], $0x6FFFF;
	_ =	strace $0x90000046  }
0xb4: {  	s29 =	simm.s32 $0x9;
	_ =	strace $0x80000048  }
0xb5: {  	_ =	swait.ge [sflag:s29], $0x1  }
0xb6: {  	[sflag:s29] =	ssyncadd.s32 $0xFFFFFFFF  }
0xb7: {  	_ =	strace $0x90000048  }
0xb8: {  	_ =	sfence  }
0xb9: {  	s30 =	sld [smem:$0x0];
	_ =	sdelay $0x2  }
0xba: {  	s31 =	sshll.u32 s1, $0xD;
	s1 =	sshrl.u32 s1, $0x2  }
0xbb: {  	s3 =	sand.u32 $0x4000, s31;
	s1 =	sadd.s32 s1, s30  }
0xbc: {  	s0 =	sor.u32 s3, s0;
	s1 =	sshll.u32 s1, $0x11  }
0xbd: {  	s0 =	sor.u32 s1, s0  }
0xbe: {  	s0 =	sadd.s32 $0x8F2B, s0  }
0xbf: {  	[sflag:s0] =	ssyncadd.remote.s32 $0x1  }
0xc0: {  	_ =	sfence.sel $0xFFFF  }
0xc1: {  	[dreg:$0x0] =	wrdreg $0xFFFFFFFF;
	(pc) =	sbr.abs _section_cstart, $3  }
0xc2: {  	[dreg:$0x1] =	wrdreg $0xFFFFFFFF  }
0xc3: {  	_ =	task.clear_ibuf [dreg:s8], $0x2FFFF;
	_ =	strace $0x9FFFFFFF  }
0xc4: {  	(tm) =	ssettm $0x7FFFFFFF  }
0xc5: {  	_ =	shalt  }
tec
execute0_lowered:
.L_overlay_start_1:
0x0: {  	(tag) =	ssettag $0x1  }
0x1: {  	s1 =	srdreg.scid;
	s7 =	rddreg [dreg:$0x0]  }
0x2: {  	s0 =	stileid.u32;
	s2 =	rddreg [dreg:$0x1]  }
0x3: {  	s8 =	rddreg [dreg:$0x2];
	s14 =	simm.s32 $0x80;
	s15 =	simm.s32 $0x400  }
0x4: {  	s16 =	simm.s32 $0x2800;
	s17 =	simm.s32 $0x5000;
	s18 =	simm.s32 $0x7800  }
0x5: {  	s19 =	simm.s32 $0xA000;
	s20 =	simm.s32 $0xA080;
	s21 =	simm.s32 $0x1  }
0x6: {  	s22 =	simm.s32 $0xEF80;
	s23 =	simm.s32 $0x11780;
	s24 =	simm.s32 $0x13F80  }
0x7: {  	s25 =	simm.s32 $0x2;
	s26 =	simm.s32 $0x0;
	s1 =	sand.u32 $0x1, s1  }
0x8: {  	s3 =	sshll.u32 s0, $0x1;
	s30 =	sshrl.u32 s0, $0x2;
	p0 =	slt.u32 s0, $0xE  }
0x9: {  	s5 =	sor.u32 s1, s3;
	s4 =	smul.u32 $0x14000, s30;
	s3 =	simm.s32 $0x0  }
0xa: {  	s1 =	ssub.s32 $0x2, s1;
	s6 =	sshll.u32 s5, $0x7;
	[smem:$0x7FF] =	sst s3  }
0xb: {  	s31 =	sshrl.u32 s1, $0x1;
	s9 =	smul.u32 $0x9C0, s5;
	s10 =	sshll.u32 s5, $0x5  }
0xc: {  	s5 =	sadd.s32 $0x1E10, s7;
	s6 =	sand.u32 $0x380, s6;
	_ =	strace $0x80000047  }
.Ltmp0:
0xd: {  	s1 =	ssub.s32 s1, s31;
	s10 =	sadd.s32 s10, s8;
	(pc) =	sbr.rel .LBB2_1-.Ltmp0, $4  }
0xe: {  	s4 =	sor.u32 s4, s6;
	s8 =	sadd.s32 s8, s9;
	s9 =	sadd.s32 $0x13480, s10  }
0xf: {  	s13 =	smax.u32 s1, $0x1;
	s6 =	sshrl.u32 s4, $0x3;
	s4 =	sadd.s32 $0x1E00, s7  }
0x10: {  	s12 =	sadd.s32 s6, s7;
	s6 =	sadd.s32 $0x1E20, s7;
	s7 =	sadd.s32 $0x1E30, s7  }
0x11: {  	v0 =	vimm.f32 $0.0e+00;
	s10 =	sadd.s32 $0x4600, s12;
	s11 =	sadd.s32 $0xE600, s12;
	s12 =	sadd.s32 $0x18600, s12  }
.LBB2_7:
0x12: {  	[hbm4b:s10+s14] =	stream.strided.scatter [tilespmem:s22], [sflag:$0x2], $0x2800, s15, s14, $0x38;
	[tilespmem:$0x16780] =	vst v63  }
0x13: {  	_ =	swait.ge [sflag:s25], $0x2800  }
0x14: {  	[sflag:s25] =	ssyncset.done $0x0  }
0x15: {  	[sflag:s25] =	ssyncadd.s32 $0xFFFFD800  }
0x16: {  	[hbm4b:s11+s14] =	stream.strided.scatter [tilespmem:s23], [sflag:$0x2], $0x2800, s15, s14, $0x38;
	[tilespmem:$0x16780] =	vst v63  }
0x17: {  	s26 =	sadd.s32 $0x1, s26;
	_ =	swait.ge [sflag:s25], $0x2800  }
0x18: {  	p1 =	sne.s32 s26, s13;
	[sflag:s25] =	ssyncset.done $0x0  }
.Ltmp1:
0x19: {  	[sflag:s25] =	ssyncadd.s32 $0xFFFFD800;
	(pc) =	sbr.rel @!p1 .LBB2_8-.Ltmp1, $4  }
0x1a: {  	[hbm4b:s12+s14] =	stream.strided.scatter [tilespmem:s24], [sflag:$0x2], $0x2800, s15, s14, $0x38;
	[tilespmem:$0x16780] =	vst v63  }
0x1b: {  	_ =	swait.ge [sflag:s25], $0x2800  }
0x1c: {  	[sflag:s25] =	ssyncset.done $0x0  }
0x1d: {  	[sflag:s25] =	ssyncadd.s32 $0xFFFFD800  }
.LBB2_1:
0x1e: {  	[tilespmem:s3], [sflag:$0x1] =	stream.strided.gather [hbm4b:s4+s14], $0x2800, s15, s14, $0x38;
	[tilespmem:$0x16780] =	vst v63  }
0x1f: {  	_ = 	snop  }
0x20: {  	[tilespmem:s16], [sflag:$0x1] =	stream.strided.gather [hbm4b:s5+s14], $0x2800, s15, s14, $0x38;
	[tilespmem:$0x16780] =	vst v63  }
0x21: {  	_ = 	snop  }
0x22: {  	[tilespmem:s17], [sflag:$0x1] =	stream.strided.gather [hbm4b:s6+s14], $0x2800, s15, s14, $0x38;
	[tilespmem:$0x16780] =	vst v63  }
0x23: {  	_ = 	snop  }
0x24: {  	[tilespmem:s18], [sflag:$0x1] =	stream.strided.gather [hbm4b:s7+s14], $0x2800, s15, s14, $0x38;
	[tilespmem:$0x16780] =	vst v63  }
0x25: {  	_ = 	snop  }
0x26: {  	[tilespmem:s19], [sflag:$0x1] =	stream.linear.gather [hbm4b:s2+s3], $0x80, $0x38;
	[tilespmem:$0x16780] =	vst v63  }
0x27: {  	_ = 	snop  }
0x28: {  	[tilespmem:s20], [sflag:$0x1] =	stream.linear.gather [hbm4b:s8+s3], $0x4E00, $0x38;
	[tilespmem:$0x16780] =	vst v63  }
0x29: {  	s1 =	simm.s32 @!p0 $0x0;
	s28 =	simm.s32 @!p0 $0xEE80  }
0x2a: {  	[tilespmem:s28], [sflag:$0x2] =	stream.linear.gather @!p0 [hbm4b:s9+s1], $0x100, $0x38;
	[tilespmem:$0x16780] =	vst v63  }
0x2b: {  	s1 =	simm.s32 @!p0 $0x2  }
0x2c: {  	_ =	swait.ge @!p0 [sflag:s1], $0x100  }
0x2d: {  	[sflag:s1] =	ssyncset.done @!p0 $0x0  }
0x2e: {  	s28 =	simm.s32 $0xEFC0;
	[sflag:s1] =	ssyncadd.s32 @!p0 $0xFFFFFF00  }
0x2f: {  	[tilespmem:s28+$0xFFFFFFD0] =	vst v0  }
0x30: {  	[tilespmem:s28+$0x0] =	vst v0  }
0x31: {  	[tilespmem:s28+$0xFFFFFFC0] =	vst v0  }
0x32: {  	[tilespmem:s28+$0x30] =	vst v0  }
0x33: {  	[tilespmem:s28+$0xFFFFFFF0] =	vst v0  }
0x34: {  	[tilespmem:s28+$0xFFFFFFE0] =	vst v0  }
0x35: {  	[tilespmem:s28+$0x10] =	vst v0  }
0x36: {  	s30 =	simm.s32 $0x117C0;
	[tilespmem:s28+$0x20] =	vst v0  }
0x37: {  	[tilespmem:s30+$0xFFFFFFC0] =	vst v0  }
0x38: {  	[tilespmem:s30+$0x30] =	vst v0  }
0x39: {  	[tilespmem:s30+$0x0] =	vst v0  }
0x3a: {  	[tilespmem:s30+$0x20] =	vst v0  }
0x3b: {  	[tilespmem:s30+$0x10] =	vst v0  }
0x3c: {  	[tilespmem:s30+$0xFFFFFFD0] =	vst v0  }
0x3d: {  	[tilespmem:s30+$0xFFFFFFE0] =	vst v0  }
0x3e: {  	s29 =	simm.s32 $0x13FC0;
	[tilespmem:s30+$0xFFFFFFF0] =	vst v0  }
0x3f: {  	[tilespmem:s29+$0xFFFFFFC0] =	vst v0  }
0x40: {  	[tilespmem:s29+$0x30] =	vst v0  }
0x41: {  	[tilespmem:s29+$0x20] =	vst v0  }
0x42: {  	[tilespmem:s29+$0x10] =	vst v0  }
0x43: {  	s31 =	simm.s32 $0x0;
	s1 =	simm.s32 $0x14040;
	[tilespmem:s29+$0xFFFFFFD0] =	vst v0  }
.LBB2_2:
0x44: {  	s31 =	sadd.s32 $0x8, s31;
	[tilespmem:s29+$0xFFFFFFE0] =	vst v0;
	s28 =	sadd.s32 $0x80, s28;
	s30 =	sadd.s32 $0x80, s30  }
0x45: {  	p1 =	slt.u32 s31, $0x278;
	[tilespmem:s29+$0x0] =	vst v0  }
0x46: {  	[tilespmem:s29+$0xFFFFFFF0] =	vst v0;
	s29 =	smov.u32 s1  }
0x47: {  	[tilespmem:s28+$0xFFFFFFD0] =	vst v0  }
0x48: {  	[tilespmem:s28+$0x0] =	vst v0  }
0x49: {  	[tilespmem:s28+$0xFFFFFFC0] =	vst v0  }
0x4a: {  	[tilespmem:s30+$0xFFFFFFC0] =	vst v0  }
0x4b: {  	[tilespmem:s1+$0xFFFFFFC0] =	vst v0  }
0x4c: {  	[tilespmem:s28+$0x30] =	vst v0  }
0x4d: {  	[tilespmem:s30+$0x30] =	vst v0  }
0x4e: {  	[tilespmem:s1+$0x30] =	vst v0  }
0x4f: {  	[tilespmem:s30+$0x0] =	vst v0  }
0x50: {  	[tilespmem:s28+$0xFFFFFFF0] =	vst v0  }
0x51: {  	[tilespmem:s28+$0xFFFFFFE0] =	vst v0  }
0x52: {  	[tilespmem:s28+$0x10] =	vst v0  }
0x53: {  	[tilespmem:s28+$0x20] =	vst v0  }
0x54: {  	[tilespmem:s30+$0x20] =	vst v0  }
0x55: {  	[tilespmem:s1+$0x20] =	vst v0  }
0x56: {  	[tilespmem:s30+$0x10] =	vst v0  }
.Ltmp2:
0x57: {  	[tilespmem:s1+$0x10] =	vst v0;
	(pc) =	sbr.rel @p1 .LBB2_2-.Ltmp2, $4  }
0x58: {  	[tilespmem:s30+$0xFFFFFFD0] =	vst v0  }
0x59: {  	[tilespmem:s30+$0xFFFFFFE0] =	vst v0  }
0x5a: {  	[tilespmem:s1+$0xFFFFFFD0] =	vst v0  }
0x5b: {  	s1 =	sadd.s32 $0x80, s1;
	[tilespmem:s30+$0xFFFFFFF0] =	vst v0  }
0x5c: {  	[tilespmem:s29+$0xFFFFFFE0] =	vst v0  }
0x5d: {  	[tilespmem:s29+$0x0] =	vst v0  }
0x5e: {  	[tilespmem:s29+$0xFFFFFFF0] =	vst v0  }
0x5f: {  	_ =	swait.ge [sflag:s21], $0x2800  }
0x60: {  	[sflag:s21] =	ssyncset.done $0x0  }
0x61: {  	[sflag:s21] =	ssyncadd.s32 $0xFFFFD800  }
0x62: {  	_ =	swait.ge [sflag:s21], $0x2800  }
0x63: {  	[sflag:s21] =	ssyncset.done $0x0  }
0x64: {  	[sflag:s21] =	ssyncadd.s32 $0xFFFFD800  }
0x65: {  	_ =	swait.ge [sflag:s21], $0x2800  }
0x66: {  	[sflag:s21] =	ssyncset.done $0x0  }
0x67: {  	[sflag:s21] =	ssyncadd.s32 $0xFFFFD800  }
0x68: {  	_ =	swait.ge [sflag:s21], $0x2800  }
0x69: {  	[sflag:s21] =	ssyncset.done $0x0  }
0x6a: {  	[sflag:s21] =	ssyncadd.s32 $0xFFFFD800  }
0x6b: {  	_ =	swait.ge [sflag:s21], $0x80  }
0x6c: {  	[sflag:s21] =	ssyncset.done $0x0  }
0x6d: {  	[sflag:s21] =	ssyncadd.s32 $0xFFFFFF80  }
0x6e: {  	_ =	swait.ge [sflag:s21], $0x4E00  }
0x6f: {  	[sflag:s21] =	ssyncset.done $0x0  }
0x70: {  	s30 =	simm.s32 $0xA180;
	[sflag:s21] =	ssyncadd.s32 $0xFFFFB200  }
0x71: {  	v2 =	vld [tilespmem:s30+$0x80]  }
0x72: {  	v3 =	vld [tilespmem:s30+$0x0];
	_ =	sdelay $0x3  }
0x73: {  	v1 =	vadd.s32 $0x2800, v2;
	_ =	sdelay $0x3  }
0x74: {  	v4 =	vld.idx.msk [tilespmem:v3+s3+$0x0], $0xffff  }
0x75: {  	v5 =	vld.idx.msk [tilespmem:v1+s3+$0x0], $0xffff;
	_ =	sdelay $0x4  }
0x76: {  	v1 =	vld [tilespmem:$0xA000];
	v4 =	vadd.f32 v5, v4  }
0x77: {  	v5 =	vld [tilespmem:s30+$0xFFFFFF80]  }
0x78: {  	v6 =	vmul.f32 $2.000000030e-01, v4  }
0x79: {  	vm0 =	vge.f32 v4, $0.0e+00  }
0x7a: {  	v7 =	vld [tilespmem:s30+$0xFFFFFF00];
	v4 =	vsel vm0, v4, v6  }
0x7b: {  	v4 =	vsub.f32 v4, v1  }
0x7c: {  	v6 =	vadd.s32 $0x2800, v5  }
0x7d: {  	v4 =	vmul.f32 $1.442695020e+00, v4;
	_ =	sdelay $0x1  }
0x7e: {  	v8 =	vadd.s32 $0x5000, v3;
	(erf) = vpow2.f32 v4  }
0x7f: {  	v3 =	vadd.s32 $0x7800, v3  }
0x80: {  	v4 =	vld.idx.msk [tilespmem:v6+s3+$0x0], $0xffff  }
0x81: {  	v6 =	vld.idx.msk [tilespmem:v7+s3+$0x0], $0xffff;
	_ =	sdelay $0x1  }
0x82: {  	v8 =	vld.idx.msk [tilespmem:v8+s3+$0x0], $0xffff  }
0x83: {  	v3 =	vld.idx.msk [tilespmem:v3+s3+$0x0], $0xffff;
	_ =	sdelay $0x1  }
0x84: {  	v4 =	vadd.f32 v4, v6  }
0x85: {  	v6 =	vpop (erf)  }
0x86: {  	v9 =	vmul.f32 $2.000000030e-01, v4;
	v8 =	vmul.f32 v6, v8  }
0x87: {  	vm6 =	vge.f32 v4, $0.0e+00;
	[tilespmem:v2+s22+$0x0] =	vst.idx.add.f32.msk $0xffff, v6;
	v3 =	vmul.f32 v6, v3  }
0x88: {  	v4 =	vsel vm6, v4, v9;
	[tilespmem:v2+s23+$0x0] =	vst.idx.add.f32.msk $0xffff, v8  }
0x89: {  	v4 =	vsub.f32 v4, v1;
	[tilespmem:v2+s24+$0x0] =	vst.idx.add.f32.msk $0xffff, v3  }
0x8a: {  	v2 =	vld [tilespmem:s30+$0x90]  }
0x8b: {  	v3 =	vmul.f32 $1.442695020e+00, v4;
	v4 =	vld [tilespmem:s30+$0x10]  }
0x8c: {  	v6 =	vadd.s32 $0x5000, v7  }
0x8d: {  	v7 =	vadd.s32 $0x7800, v7  }
0x8e: {  	(erf) = vpow2.f32 v3  }
0x8f: {  	v3 =	vadd.s32 $0x2800, v2;
	_ =	sdelay $0x1  }
0x90: {  	v6 =	vld.idx.msk [tilespmem:v6+s3+$0x0], $0xffff  }
0x91: {  	v7 =	vld.idx.msk [tilespmem:v7+s3+$0x0], $0xffff  }
0x92: {  	v8 =	vld.idx.msk [tilespmem:v4+s3+$0x0], $0xffff  }
0x93: {  	v3 =	vld.idx.msk [tilespmem:v3+s3+$0x0], $0xffff;
	_ =	sdelay $0x2  }
0x94: {  	v9 =	vpop (erf)  }
0x95: {  	v6 =	vmul.f32 v9, v6  }
0x96: {  	[tilespmem:v5+s22+$0x0] =	vst.idx.add.f32.msk $0xffff, v9;
	v7 =	vmul.f32 v9, v7;
	v3 =	vadd.f32 v3, v8  }
0x97: {  	[tilespmem:v5+s23+$0x0] =	vst.idx.add.f32.msk $0xffff, v6  }
0x98: {  	[tilespmem:v5+s24+$0x0] =	vst.idx.add.f32.msk $0xffff, v7;
	v6 =	vmul.f32 $2.000000030e-01, v3  }
0x99: {  	v5 =	vld [tilespmem:s30+$0xFFFFFF90];
	vm7 =	vge.f32 v3, $0.0e+00  }
0x9a: {  	v3 =	vsel vm7, v3, v6  }
0x9b: {  	v3 =	vsub.f32 v3, v1  }
0x9c: {  	v6 =	vld [tilespmem:s30+$0xFFFFFF10]  }
0x9d: {  	v8 =	vadd.s32 $0x5000, v4;
	v3 =	vmul.f32 $1.442695020e+00, v3  }
0x9e: {  	v7 =	vadd.s32 $0x2800, v5  }
0x9f: {  	(erf) = vpow2.f32 v3  }
0xa0: {  	v3 =	vadd.s32 $0x7800, v4;
	_ =	sdelay $0x1  }
0xa1: {  	v8 =	vld.idx.msk [tilespmem:v8+s3+$0x0], $0xffff  }
0xa2: {  	v4 =	vld.idx.msk [tilespmem:v7+s3+$0x0], $0xffff  }
0xa3: {  	v7 =	vld.idx.msk [tilespmem:v6+s3+$0x0], $0xffff  }
0xa4: {  	v3 =	vld.idx.msk [tilespmem:v3+s3+$0x0], $0xffff;
	_ =	sdelay $0x2  }
0xa5: {  	v9 =	vpop (erf)  }
0xa6: {  	v8 =	vmul.f32 v9, v8  }
0xa7: {  	v4 =	vadd.f32 v4, v7;
	[tilespmem:v2+s22+$0x0] =	vst.idx.add.f32.msk $0xffff, v9;
	v3 =	vmul.f32 v9, v3  }
0xa8: {  	[tilespmem:v2+s23+$0x0] =	vst.idx.add.f32.msk $0xffff, v8  }
0xa9: {  	v7 =	vmul.f32 $2.000000030e-01, v4;
	[tilespmem:v2+s24+$0x0] =	vst.idx.add.f32.msk $0xffff, v3  }
0xaa: {  	vm8 =	vge.f32 v4, $0.0e+00;
	v2 =	vld [tilespmem:s30+$0xA0]  }
0xab: {  	v3 =	vsel vm8, v4, v7;
	v4 =	vld [tilespmem:s30+$0x20]  }
0xac: {  	v3 =	vsub.f32 v3, v1;
	_ =	sdelay $0x1  }
0xad: {  	v3 =	vmul.f32 $1.442695020e+00, v3  }
0xae: {  	v7 =	vadd.s32 $0x2800, v2  }
0xaf: {  	v8 =	vadd.s32 $0x5000, v6;
	(erf) = vpow2.f32 v3  }
0xb0: {  	v3 =	vadd.s32 $0x7800, v6;
	_ =	sdelay $0x1  }
0xb1: {  	v6 =	vld.idx.msk [tilespmem:v4+s3+$0x0], $0xffff  }
0xb2: {  	v7 =	vld.idx.msk [tilespmem:v7+s3+$0x0], $0xffff  }
0xb3: {  	v8 =	vld.idx.msk [tilespmem:v8+s3+$0x0], $0xffff  }
0xb4: {  	v3 =	vld.idx.msk [tilespmem:v3+s3+$0x0], $0xffff;
	_ =	sdelay $0x2  }
0xb5: {  	v9 =	vpop (erf);
	v6 =	vadd.f32 v7, v6  }
0xb6: {  	v7 =	vmul.f32 v9, v8  }
0xb7: {  	v3 =	vmul.f32 v9, v3;
	[tilespmem:v5+s22+$0x0] =	vst.idx.add.f32.msk $0xffff, v9;
	v8 =	vmul.f32 $2.000000030e-01, v6  }
0xb8: {  	[tilespmem:v5+s23+$0x0] =	vst.idx.add.f32.msk $0xffff, v7;
	vm9 =	vge.f32 v6, $0.0e+00  }
0xb9: {  	[tilespmem:v5+s24+$0x0] =	vst.idx.add.f32.msk $0xffff, v3;
	v3 =	vsel vm9, v6, v8  }
0xba: {  	v5 =	vld [tilespmem:s30+$0xFFFFFF20];
	v3 =	vsub.f32 v3, v1  }
0xbb: {  	v6 =	vld [tilespmem:s30+$0xFFFFFFA0]  }
0xbc: {  	v3 =	vmul.f32 $1.442695020e+00, v3  }
0xbd: {  	v7 =	vadd.s32 $0x5000, v4  }
0xbe: {  	(erf) = vpow2.f32 v3  }
0xbf: {  	v3 =	vadd.s32 $0x7800, v4  }
0xc0: {  	v4 =	vadd.s32 $0x2800, v6;
	_ =	sdelay $0x1  }
0xc1: {  	v7 =	vld.idx.msk [tilespmem:v7+s3+$0x0], $0xffff  }
0xc2: {  	v8 =	vld.idx.msk [tilespmem:v5+s3+$0x0], $0xffff  }
0xc3: {  	v3 =	vld.idx.msk [tilespmem:v3+s3+$0x0], $0xffff  }
0xc4: {  	v4 =	vld.idx.msk [tilespmem:v4+s3+$0x0], $0xffff;
	_ =	sdelay $0x1  }
0xc5: {  	v9 =	vpop (erf)  }
0xc6: {  	v7 =	vmul.f32 v9, v7  }
0xc7: {  	[tilespmem:v2+s22+$0x0] =	vst.idx.add.f32.msk $0xffff, v9;
	v3 =	vmul.f32 v9, v3  }
0xc8: {  	v4 =	vadd.f32 v4, v8;
	[tilespmem:v2+s23+$0x0] =	vst.idx.add.f32.msk $0xffff, v7  }
0xc9: {  	[tilespmem:v2+s24+$0x0] =	vst.idx.add.f32.msk $0xffff, v3  }
0xca: {  	v2 =	vmul.f32 $2.000000030e-01, v4;
	v3 =	vld [tilespmem:s30+$0xB0]  }
0xcb: {  	vm10 =	vge.f32 v4, $0.0e+00;
	v7 =	vld [tilespmem:s30+$0x30]  }
0xcc: {  	v2 =	vsel vm10, v4, v2  }
0xcd: {  	v2 =	vsub.f32 v2, v1;
	_ =	sdelay $0x1  }
0xce: {  	v2 =	vmul.f32 $1.442695020e+00, v2;
	v4 =	vadd.s32 $0x2800, v3;
	_ =	sdelay $0x1  }
0xcf: {  	v8 =	vadd.s32 $0x5000, v5;
	(erf) = vpow2.f32 v2  }
0xd0: {  	v2 =	vadd.s32 $0x7800, v5  }
0xd1: {  	v5 =	vld.idx.msk [tilespmem:v7+s3+$0x0], $0xffff  }
0xd2: {  	v4 =	vld.idx.msk [tilespmem:v4+s3+$0x0], $0xffff;
	_ =	sdelay $0x1  }
0xd3: {  	v8 =	vld.idx.msk [tilespmem:v8+s3+$0x0], $0xffff  }
0xd4: {  	v2 =	vld.idx.msk [tilespmem:v2+s3+$0x0], $0xffff;
	_ =	sdelay $0x1  }
0xd5: {  	v4 =	vadd.f32 v4, v5  }
0xd6: {  	v5 =	vpop (erf)  }
0xd7: {  	v8 =	vmul.f32 v5, v8;
	v9 =	vmul.f32 $2.000000030e-01, v4  }
0xd8: {  	[tilespmem:v6+s22+$0x0] =	vst.idx.add.f32.msk $0xffff, v5;
	v2 =	vmul.f32 v5, v2;
	vm11 =	vge.f32 v4, $0.0e+00  }
0xd9: {  	[tilespmem:v6+s23+$0x0] =	vst.idx.add.f32.msk $0xffff, v8;
	v4 =	vsel vm11, v4, v9  }
0xda: {  	s28 =	simm.s32 $0xA380;
	[tilespmem:v6+s24+$0x0] =	vst.idx.add.f32.msk $0xffff, v2;
	v2 =	vsub.f32 v4, v1  }
0xdb: {  	v8 =	vld [tilespmem:s28+$0x80]  }
0xdc: {  	v4 =	vld [tilespmem:s30+$0xFFFFFFB0];
	v2 =	vmul.f32 $1.442695020e+00, v2  }
0xdd: {  	v5 =	vld [tilespmem:s30+$0xFFFFFF30]  }
0xde: {  	v6 =	vadd.s32 $0x5000, v7;
	(erf) = vpow2.f32 v2  }
0xdf: {  	v2 =	vadd.s32 $0x7800, v7  }
0xe0: {  	v7 =	vld [tilespmem:s28+$0x0]  }
0xe1: {  	v10 =	vld [tilespmem:s28+$0xFFFFFF80];
	v9 =	vadd.s32 $0x2800, v4  }
0xe2: {  	v11 =	vld [tilespmem:s28+$0xFFFFFF00];
	v12 =	vadd.s32 $0x2800, v8  }
0xe3: {  	v6 =	vld.idx.msk [tilespmem:v6+s3+$0x0], $0xffff  }
0xe4: {  	v2 =	vld.idx.msk [tilespmem:v2+s3+$0x0], $0xffff  }
0xe5: {  	v13 =	vld.idx.msk [tilespmem:v5+s3+$0x0], $0xffff  }
0xe6: {  	v9 =	vld.idx.msk [tilespmem:v9+s3+$0x0], $0xffff  }
0xe7: {  	v12 =	vld.idx.msk [tilespmem:v12+s3+$0x0], $0xffff;
	v15 =	vpop (erf)  }
0xe8: {  	v14 =	vld.idx.msk [tilespmem:v7+s3+$0x0], $0xffff;
	v6 =	vmul.f32 v15, v6  }
0xe9: {  	[tilespmem:v3+s22+$0x0] =	vst.idx.add.f32.msk $0xffff, v15;
	v2 =	vmul.f32 v15, v2  }
0xea: {  	[tilespmem:v3+s23+$0x0] =	vst.idx.add.f32.msk $0xffff, v6  }
0xeb: {  	v6 =	vadd.f32 v9, v13;
	[tilespmem:v3+s24+$0x0] =	vst.idx.add.f32.msk $0xffff, v2  }
0xec: {  	v2 =	vadd.s32 $0x2800, v10;
	v3 =	vld [tilespmem:s30+$0xC0]  }
0xed: {  	v12 =	vadd.f32 v12, v14;
	v9 =	vmul.f32 $2.000000030e-01, v6;
	v13 =	vld [tilespmem:s30+$0x40]  }
0xee: {  	vm12 =	vge.f32 v6, $0.0e+00  }
0xef: {  	v6 =	vsel vm12, v6, v9;
	v9 =	vmul.f32 $2.000000030e-01, v12  }
0xf0: {  	vm13 =	vge.f32 v12, $0.0e+00;
	v6 =	vsub.f32 v6, v1  }
0xf1: {  	v2 =	vld.idx.msk [tilespmem:v2+s3+$0x0], $0xffff;
	v9 =	vsel vm13, v12, v9;
	v14 =	vadd.s32 $0x2800, v3  }
0xf2: {  	v12 =	vld.idx.msk [tilespmem:v11+s3+$0x0], $0xffff;
	v6 =	vmul.f32 $1.442695020e+00, v6;
	v9 =	vsub.f32 v9, v1;
	_ =	sdelay $0x1  }
0xf3: {  	v15 =	vadd.s32 $0x5000, v5;
	(erf) = vpow2.f32 v6;
	v6 =	vmul.f32 $1.442695020e+00, v9  }
0xf4: {  	v5 =	vadd.s32 $0x7800, v5;
	v16 =	vld.idx.msk [tilespmem:v13+s3+$0x0], $0xffff  }
0xf5: {  	v17 =	vadd.s32 $0x5000, v7;
	(erf) = vpow2.f32 v6;
	v14 =	vld.idx.msk [tilespmem:v14+s3+$0x0], $0xffff  }
0xf6: {  	v2 =	vadd.f32 v2, v12;
	v6 =	vadd.s32 $0x7800, v7  }
0xf7: {  	v9 =	vadd.s32 $0x5000, v11  }
0xf8: {  	v7 =	vadd.s32 $0x7800, v11;
	v11 =	vld.idx.msk [tilespmem:v15+s3+$0x0], $0xffff;
	v12 =	vmul.f32 $2.000000030e-01, v2  }
0xf9: {  	v5 =	vld.idx.msk [tilespmem:v5+s3+$0x0], $0xffff;
	vm14 =	vge.f32 v2, $0.0e+00  }
0xfa: {  	v2 =	vsel vm14, v2, v12;
	v12 =	vld.idx.msk [tilespmem:v17+s3+$0x0], $0xffff;
	v14 =	vadd.f32 v14, v16  }
0xfb: {  	v2 =	vsub.f32 v2, v1;
	v6 =	vld.idx.msk [tilespmem:v6+s3+$0x0], $0xffff  }
0xfc: {  	v9 =	vld.idx.msk [tilespmem:v9+s3+$0x0], $0xffff;
	v15 =	vpop (erf);
	v16 =	vmul.f32 $2.000000030e-01, v14  }
0xfd: {  	v7 =	vld.idx.msk [tilespmem:v7+s3+$0x0], $0xffff;
	v2 =	vmul.f32 $1.442695020e+00, v2;
	v11 =	vmul.f32 v15, v11;
	vm15 =	vge.f32 v14, $0.0e+00  }
0xfe: {  	[tilespmem:v4+s22+$0x0] =	vst.idx.add.f32.msk $0xffff, v15;
	v17 =	vpop (erf);
	v14 =	vsel vm15, v14, v16  }
0xff: {  	(erf) = vpow2.f32 v2;
	[tilespmem:v4+s23+$0x0] =	vst.idx.add.f32.msk $0xffff, v11;
	v2 =	vmul.f32 v17, v12;
	v11 =	vsub.f32 v14, v1  }
0x100: {  	[tilespmem:v8+s22+$0x0] =	vst.idx.add.f32.msk $0xffff, v17;
	v6 =	vmul.f32 v17, v6  }
0x101: {  	[tilespmem:v8+s23+$0x0] =	vst.idx.add.f32.msk $0xffff, v2;
	v2 =	vmul.f32 $1.442695020e+00, v11  }
0x102: {  	[tilespmem:v8+s24+$0x0] =	vst.idx.add.f32.msk $0xffff, v6  }
0x103: {  	v5 =	vmul.f32 v15, v5;
	v6 =	vadd.s32 $0x5000, v13;
	v8 =	vld [tilespmem:s28+$0x90];
	(erf) = vpow2.f32 v2  }
0x104: {  	v11 =	vld [tilespmem:s28+$0x10];
	v2 =	vadd.s32 $0x7800, v13  }
0x105: {  	[tilespmem:v4+s24+$0x0] =	vst.idx.add.f32.msk $0xffff, v5  }
0x106: {  	v4 =	vld [tilespmem:s30+$0xFFFFFFC0]  }
0x107: {  	v5 =	vld [tilespmem:s30+$0xFFFFFF40]  }
0x108: {  	v12 =	vpop (erf);
	v6 =	vld.idx.msk [tilespmem:v6+s3+$0x0], $0xffff;
	v13 =	vadd.s32 $0x2800, v8  }
0x109: {  	v9 =	vmul.f32 v12, v9;
	v2 =	vld.idx.msk [tilespmem:v2+s3+$0x0], $0xffff  }
0x10a: {  	[tilespmem:v10+s22+$0x0] =	vst.idx.add.f32.msk $0xffff, v12  }
0x10b: {  	[tilespmem:v10+s23+$0x0] =	vst.idx.add.f32.msk $0xffff, v9  }
0x10c: {  	v9 =	vld.idx.msk [tilespmem:v11+s3+$0x0], $0xffff;
	v14 =	vpop (erf)  }
0x10d: {  	v13 =	vld.idx.msk [tilespmem:v13+s3+$0x0], $0xffff;
	v6 =	vmul.f32 v14, v6  }
0x10e: {  	[tilespmem:v3+s22+$0x0] =	vst.idx.add.f32.msk $0xffff, v14;
	v2 =	vmul.f32 v14, v2  }
0x10f: {  	[tilespmem:v3+s23+$0x0] =	vst.idx.add.f32.msk $0xffff, v6  }
0x110: {  	[tilespmem:v3+s24+$0x0] =	vst.idx.add.f32.msk $0xffff, v2  }
0x111: {  	v3 =	vld [tilespmem:s30+$0xD0]  }
0x112: {  	v2 =	vmul.f32 v12, v7;
	v6 =	vld [tilespmem:s30+$0x50];
	v7 =	vadd.f32 v13, v9;
	_ =	sdelay $0x1  }
0x113: {  	v9 =	vadd.s32 $0x2800, v4;
	[tilespmem:v10+s24+$0x0] =	vst.idx.add.f32.msk $0xffff, v2;
	v10 =	vmul.f32 $2.000000030e-01, v7  }
0x114: {  	v2 =	vld [tilespmem:s28+$0xFFFFFF90];
	vm4 =	vge.f32 v7, $0.0e+00  }
0x115: {  	v7 =	vsel vm4, v7, v10;
	v12 =	vadd.s32 $0x2800, v3  }
0x116: {  	v14 =	vld.idx.msk [tilespmem:v5+s3+$0x0], $0xffff;
	v7 =	vsub.f32 v7, v1  }
0x117: {  	v10 =	vld [tilespmem:s28+$0xFFFFFF10]  }
0x118: {  	v16 =	vadd.s32 $0x5000, v11;
	v9 =	vld.idx.msk [tilespmem:v9+s3+$0x0], $0xffff;
	v7 =	vmul.f32 $1.442695020e+00, v7  }
0x119: {  	v13 =	vadd.s32 $0x2800, v2;
	v15 =	vld.idx.msk [tilespmem:v6+s3+$0x0], $0xffff  }
0x11a: {  	(erf) = vpow2.f32 v7;
	v12 =	vld.idx.msk [tilespmem:v12+s3+$0x0], $0xffff  }
0x11b: {  	v7 =	vadd.s32 $0x7800, v11;
	_ =	sdelay $0x1  }
0x11c: {  	v9 =	vadd.f32 v9, v14;
	v14 =	vld.idx.msk [tilespmem:v16+s3+$0x0], $0xffff  }
0x11d: {  	v11 =	vld.idx.msk [tilespmem:v13+s3+$0x0], $0xffff  }
0x11e: {  	v13 =	vld.idx.msk [tilespmem:v10+s3+$0x0], $0xffff;
	v12 =	vadd.f32 v12, v15;
	v15 =	vmul.f32 $2.000000030e-01, v9  }
0x11f: {  	v7 =	vld.idx.msk [tilespmem:v7+s3+$0x0], $0xffff  }
0x120: {  	vm5 =	vge.f32 v9, $0.0e+00;
	v16 =	vmul.f32 $2.000000030e-01, v12  }
0x121: {  	v9 =	vsel vm5, v9, v15;
	vm6 =	vge.f32 v12, $0.0e+00  }
0x122: {  	v9 =	vsub.f32 v9, v1;
	v15 =	vpop (erf);
	v12 =	vsel vm6, v12, v16  }
0x123: {  	v11 =	vadd.f32 v11, v13;
	v13 =	vmul.f32 v15, v14;
	v12 =	vsub.f32 v12, v1  }
0x124: {  	v9 =	vmul.f32 $1.442695020e+00, v9;
	[tilespmem:v8+s22+$0x0] =	vst.idx.add.f32.msk $0xffff, v15;
	v7 =	vmul.f32 v15, v7  }
0x125: {  	v14 =	vmul.f32 $2.000000030e-01, v11;
	[tilespmem:v8+s23+$0x0] =	vst.idx.add.f32.msk $0xffff, v13;
	v12 =	vmul.f32 $1.442695020e+00, v12  }
0x126: {  	vm7 =	vge.f32 v11, $0.0e+00;
	(erf) = vpow2.f32 v9;
	[tilespmem:v8+s24+$0x0] =	vst.idx.add.f32.msk $0xffff, v7  }
0x127: {  	v7 =	vsel vm7, v11, v14;
	v8 =	vadd.s32 $0x5000, v6;
	v9 =	vld [tilespmem:s28+$0xA0];
	(erf) = vpow2.f32 v12  }
0x128: {  	v6 =	vadd.s32 $0x7800, v6;
	v7 =	vsub.f32 v7, v1;
	v11 =	vld [tilespmem:s28+$0x20]  }
0x129: {  	v12 =	vadd.s32 $0x5000, v10  }
0x12a: {  	v10 =	vadd.s32 $0x7800, v10;
	v7 =	vmul.f32 $1.442695020e+00, v7;
	_ =	sdelay $0x1  }
0x12b: {  	(erf) = vpow2.f32 v7;
	v7 =	vld.idx.msk [tilespmem:v8+s3+$0x0], $0xffff;
	v8 =	vadd.s32 $0x2800, v9  }
0x12c: {  	v6 =	vld.idx.msk [tilespmem:v6+s3+$0x0], $0xffff  }
0x12d: {  	v12 =	vld.idx.msk [tilespmem:v12+s3+$0x0], $0xffff  }
0x12e: {  	v10 =	vld.idx.msk [tilespmem:v10+s3+$0x0], $0xffff;
	v13 =	vpop (erf)  }
0x12f: {  	v14 =	vld.idx.msk [tilespmem:v11+s3+$0x0], $0xffff;
	v15 =	vpop (erf)  }
0x130: {  	v8 =	vld.idx.msk [tilespmem:v8+s3+$0x0], $0xffff;
	v7 =	vmul.f32 v15, v7  }
0x131: {  	[tilespmem:v3+s22+$0x0] =	vst.idx.add.f32.msk $0xffff, v15;
	v6 =	vmul.f32 v15, v6  }
0x132: {  	[tilespmem:v3+s23+$0x0] =	vst.idx.add.f32.msk $0xffff, v7  }
0x133: {  	[tilespmem:v3+s24+$0x0] =	vst.idx.add.f32.msk $0xffff, v6  }
0x134: {  	v3 =	vpop (erf);
	v6 =	vld [tilespmem:s30+$0xE0]  }
0x135: {  	v7 =	vmul.f32 v3, v12;
	v12 =	vld [tilespmem:s30+$0x60];
	v8 =	vadd.f32 v8, v14  }
0x136: {  	[tilespmem:v2+s22+$0x0] =	vst.idx.add.f32.msk $0xffff, v3  }
0x137: {  	v10 =	vmul.f32 v3, v10;
	v3 =	vadd.s32 $0x5000, v5;
	[tilespmem:v2+s23+$0x0] =	vst.idx.add.f32.msk $0xffff, v7;
	v7 =	vmul.f32 $2.000000030e-01, v8  }
0x138: {  	vm8 =	vge.f32 v8, $0.0e+00  }
0x139: {  	[tilespmem:v2+s24+$0x0] =	vst.idx.add.f32.msk $0xffff, v10;
	v2 =	vadd.s32 $0x2800, v6;
	v7 =	vsel vm8, v8, v7  }
0x13a: {  	v5 =	vadd.s32 $0x7800, v5;
	v8 =	vld [tilespmem:s28+$0xFFFFFFA0];
	v7 =	vsub.f32 v7, v1  }
0x13b: {  	v15 =	vadd.s32 $0x5000, v11;
	v10 =	vld [tilespmem:s28+$0xFFFFFF20]  }
0x13c: {  	v11 =	vadd.s32 $0x7800, v11;
	v3 =	vld.idx.msk [tilespmem:v3+s3+$0x0], $0xffff;
	v7 =	vmul.f32 $1.442695020e+00, v7  }
0x13d: {  	v14 =	vld.idx.msk [tilespmem:v12+s3+$0x0], $0xffff  }
0x13e: {  	v2 =	vld.idx.msk [tilespmem:v2+s3+$0x0], $0xffff;
	(erf) = vpow2.f32 v7  }
0x13f: {  	v5 =	vld.idx.msk [tilespmem:v5+s3+$0x0], $0xffff;
	v7 =	vadd.s32 $0x2800, v8  }
0x140: {  	v15 =	vld.idx.msk [tilespmem:v15+s3+$0x0], $0xffff  }
0x141: {  	v11 =	vld.idx.msk [tilespmem:v11+s3+$0x0], $0xffff  }
0x142: {  	[tilespmem:v4+s22+$0x0] =	vst.idx.add.f32.msk $0xffff, v13  }
0x143: {  	v3 =	vmul.f32 v13, v3;
	v16 =	vld.idx.msk [tilespmem:v10+s3+$0x0], $0xffff;
	v14 =	vadd.f32 v2, v14  }
0x144: {  	v2 =	vmul.f32 v13, v5;
	v5 =	vld.idx.msk [tilespmem:v7+s3+$0x0], $0xffff  }
0x145: {  	[tilespmem:v4+s23+$0x0] =	vst.idx.add.f32.msk $0xffff, v3;
	v3 =	vmul.f32 $2.000000030e-01, v14  }
0x146: {  	vm9 =	vge.f32 v14, $0.0e+00  }
0x147: {  	[tilespmem:v4+s24+$0x0] =	vst.idx.add.f32.msk $0xffff, v2;
	v4 =	vpop (erf);
	v3 =	vsel vm9, v14, v3  }
0x148: {  	v2 =	vld [tilespmem:s30+$0xFFFFFFD0];
	v13 =	vmul.f32 v4, v15;
	v3 =	vsub.f32 v3, v1  }
0x149: {  	[tilespmem:v9+s22+$0x0] =	vst.idx.add.f32.msk $0xffff, v4;
	v4 =	vmul.f32 v4, v11;
	v5 =	vadd.f32 v5, v16  }
0x14a: {  	[tilespmem:v9+s23+$0x0] =	vst.idx.add.f32.msk $0xffff, v13  }
0x14b: {  	v11 =	vadd.s32 $0x5000, v10;
	v3 =	vmul.f32 $1.442695020e+00, v3;
	[tilespmem:v9+s24+$0x0] =	vst.idx.add.f32.msk $0xffff, v4;
	v4 =	vmul.f32 $2.000000030e-01, v5  }
0x14c: {  	v7 =	vld [tilespmem:s30+$0xFFFFFF50];
	v10 =	vadd.s32 $0x7800, v10;
	vm10 =	vge.f32 v5, $0.0e+00  }
0x14d: {  	v9 =	vadd.s32 $0x5000, v12;
	v13 =	vld [tilespmem:s28+$0xB0];
	(erf) = vpow2.f32 v3;
	v4 =	vsel vm10, v5, v4  }
0x14e: {  	v3 =	vadd.s32 $0x7800, v12;
	v12 =	vld [tilespmem:s28+$0x30];
	v4 =	vsub.f32 v4, v1  }
0x14f: {  	v5 =	vadd.s32 $0x2800, v2  }
0x150: {  	v11 =	vld.idx.msk [tilespmem:v11+s3+$0x0], $0xffff;
	v4 =	vmul.f32 $1.442695020e+00, v4  }
0x151: {  	v10 =	vld.idx.msk [tilespmem:v10+s3+$0x0], $0xffff  }
0x152: {  	v9 =	vld.idx.msk [tilespmem:v9+s3+$0x0], $0xffff;
	v14 =	vadd.s32 $0x2800, v13;
	(erf) = vpow2.f32 v4  }
0x153: {  	v3 =	vld.idx.msk [tilespmem:v3+s3+$0x0], $0xffff  }
0x154: {  	v4 =	vld.idx.msk [tilespmem:v5+s3+$0x0], $0xffff  }
0x155: {  	v5 =	vld.idx.msk [tilespmem:v7+s3+$0x0], $0xffff  }
0x156: {  	v15 =	vld.idx.msk [tilespmem:v12+s3+$0x0], $0xffff;
	v16 =	vpop (erf)  }
0x157: {  	v14 =	vld.idx.msk [tilespmem:v14+s3+$0x0], $0xffff;
	v9 =	vmul.f32 v16, v9  }
0x158: {  	[tilespmem:v6+s22+$0x0] =	vst.idx.add.f32.msk $0xffff, v16;
	v3 =	vmul.f32 v16, v3  }
0x159: {  	[tilespmem:v6+s23+$0x0] =	vst.idx.add.f32.msk $0xffff, v9  }
0x15a: {  	[tilespmem:v6+s24+$0x0] =	vst.idx.add.f32.msk $0xffff, v3  }
0x15b: {  	v17 =	vadd.s32 $0x5000, v7;
	v7 =	vadd.s32 $0x7800, v7;
	v4 =	vadd.f32 v4, v5;
	v6 =	vld [tilespmem:s30+$0xF0];
	v9 =	vpop (erf)  }
0x15c: {  	v5 =	vld [tilespmem:s30+$0x70];
	v11 =	vmul.f32 v9, v11  }
0x15d: {  	v14 =	vadd.f32 v14, v15;
	v15 =	vmul.f32 $2.000000030e-01, v4;
	[tilespmem:v8+s22+$0x0] =	vst.idx.add.f32.msk $0xffff, v9;
	v9 =	vmul.f32 v9, v10  }
0x15e: {  	vm11 =	vge.f32 v4, $0.0e+00;
	[tilespmem:v8+s23+$0x0] =	vst.idx.add.f32.msk $0xffff, v11  }
0x15f: {  	v10 =	vmul.f32 $2.000000030e-01, v14;
	v4 =	vsel vm11, v4, v15;
	[tilespmem:v8+s24+$0x0] =	vst.idx.add.f32.msk $0xffff, v9  }
0x160: {  	vm12 =	vge.f32 v14, $0.0e+00;
	v11 =	vadd.s32 $0x2800, v6;
	v8 =	vsub.f32 v4, v1;
	v4 =	vld.idx.msk [tilespmem:v7+s3+$0x0], $0xffff  }
0x161: {  	v9 =	vsel vm12, v14, v10;
	v10 =	vld [tilespmem:s28+$0xFFFFFFB0]  }
0x162: {  	s29 =	simm.s32 $0xA580;
	v7 =	vsub.f32 v9, v1;
	v9 =	vld [tilespmem:s28+$0xFFFFFF30]  }
0x163: {  	v16 =	vld [tilespmem:s29+$0x0];
	v8 =	vmul.f32 $1.442695020e+00, v8  }
0x164: {  	v15 =	vadd.s32 $0x5000, v12;
	v7 =	vmul.f32 $1.442695020e+00, v7;
	v14 =	vld.idx.msk [tilespmem:v5+s3+$0x0], $0xffff  }
0x165: {  	(erf) = vpow2.f32 v8;
	v8 =	vld.idx.msk [tilespmem:v11+s3+$0x0], $0xffff  }
0x166: {  	v11 =	vadd.s32 $0x7800, v12;
	v12 =	vld [tilespmem:s29+$0x80];
	(erf) = vpow2.f32 v7  }
0x167: {  	v3 =	vld.idx.msk [tilespmem:v17+s3+$0x0], $0xffff;
	v7 =	vadd.s32 $0x2800, v10  }
0x168: {  	v17 =	vld [tilespmem:s29+$0xFFFFFF80]  }
0x169: {  	v15 =	vld.idx.msk [tilespmem:v15+s3+$0x0], $0xffff  }
0x16a: {  	v19 =	vld.idx.msk [tilespmem:v9+s3+$0x0], $0xffff;
	v8 =	vadd.f32 v8, v14  }
0x16b: {  	v11 =	vld.idx.msk [tilespmem:v11+s3+$0x0], $0xffff;
	v14 =	vadd.s32 $0x2800, v12  }
0x16c: {  	v7 =	vld.idx.msk [tilespmem:v7+s3+$0x0], $0xffff;
	v20 =	vmul.f32 $2.000000030e-01, v8  }
0x16d: {  	vm13 =	vge.f32 v8, $0.0e+00  }
0x16e: {  	v21 =	vld [tilespmem:s29+$0xFFFFFF00];
	v22 =	vpop (erf);
	v8 =	vsel vm13, v8, v20  }
0x16f: {  	v20 =	vld.idx.msk [tilespmem:v16+s3+$0x0], $0xffff;
	v23 =	vpop (erf);
	v8 =	vsub.f32 v8, v1  }
0x170: {  	v24 =	vadd.s32 $0x2800, v17;
	v14 =	vld.idx.msk [tilespmem:v14+s3+$0x0], $0xffff;
	v15 =	vmul.f32 v23, v15  }
0x171: {  	[tilespmem:v13+s22+$0x0] =	vst.idx.add.f32.msk $0xffff, v23;
	v11 =	vmul.f32 v23, v11;
	v7 =	vadd.f32 v7, v19;
	v8 =	vmul.f32 $1.442695020e+00, v8  }
0x172: {  	[tilespmem:v13+s23+$0x0] =	vst.idx.add.f32.msk $0xffff, v15  }
0x173: {  	v18 =	vadd.s32 $0x5000, v9;
	[tilespmem:v13+s24+$0x0] =	vst.idx.add.f32.msk $0xffff, v11;
	(erf) = vpow2.f32 v8;
	v8 =	vmul.f32 $2.000000030e-01, v7  }
0x174: {  	v11 =	vadd.s32 $0x5000, v5;
	vm14 =	vge.f32 v7, $0.0e+00;
	v13 =	vld [tilespmem:s28+$0xC0]  }
0x175: {  	v9 =	vadd.s32 $0x7800, v9;
	v19 =	vld [tilespmem:s28+$0x40];
	v7 =	vsel vm14, v7, v8  }
0x176: {  	v5 =	vadd.s32 $0x7800, v5;
	v8 =	vadd.f32 v14, v20;
	v20 =	vld.idx.msk [tilespmem:v24+s3+$0x0], $0xffff;
	v7 =	vsub.f32 v7, v1  }
0x177: {  	v15 =	vadd.s32 $0x5000, v21;
	v14 =	vadd.s32 $0x7800, v21;
	v21 =	vld.idx.msk [tilespmem:v21+s3+$0x0], $0xffff  }
0x178: {  	v18 =	vld.idx.msk [tilespmem:v18+s3+$0x0], $0xffff;
	v23 =	vmul.f32 $2.000000030e-01, v8;
	v7 =	vmul.f32 $1.442695020e+00, v7  }
0x179: {  	v11 =	vld.idx.msk [tilespmem:v11+s3+$0x0], $0xffff;
	vm15 =	vge.f32 v8, $0.0e+00;
	v62 =	vadd.s32 $0x2800, v13  }
0x17a: {  	v9 =	vld.idx.msk [tilespmem:v9+s3+$0x0], $0xffff;
	v8 =	vsel vm15, v8, v23;
	(erf) = vpow2.f32 v7  }
0x17b: {  	v5 =	vld.idx.msk [tilespmem:v5+s3+$0x0], $0xffff;
	v7 =	vsub.f32 v8, v1  }
0x17c: {  	v8 =	vld.idx.msk [tilespmem:v14+s3+$0x0], $0xffff;
	v14 =	vadd.f32 v20, v21  }
0x17d: {  	v21 =	vld.idx.msk [tilespmem:v19+s3+$0x0], $0xffff;
	v20 =	vpop (erf);
	v7 =	vmul.f32 $1.442695020e+00, v7  }
0x17e: {  	v63 =	vmul.f32 $2.000000030e-01, v14;
	v11 =	vmul.f32 v20, v11;
	v23 =	vld.idx.msk [tilespmem:v62+s3+$0x0], $0xffff  }
0x17f: {  	v25 =	vadd.s32 $0x5000, v16;
	vm4 =	vge.f32 v14, $0.0e+00;
	[tilespmem:v6+s22+$0x0] =	vst.idx.add.f32.msk $0xffff, v20;
	(erf) = vpow2.f32 v7  }
0x180: {  	v3 =	vmul.f32 v22, v3;
	v7 =	vadd.s32 $0x7800, v16;
	[tilespmem:v6+s23+$0x0] =	vst.idx.add.f32.msk $0xffff, v11;
	v11 =	vsel vm4, v14, v63  }
0x181: {  	[tilespmem:v2+s22+$0x0] =	vst.idx.add.f32.msk $0xffff, v22;
	v5 =	vmul.f32 v20, v5  }
0x182: {  	[tilespmem:v2+s23+$0x0] =	vst.idx.add.f32.msk $0xffff, v3  }
0x183: {  	[tilespmem:v6+s24+$0x0] =	vst.idx.add.f32.msk $0xffff, v5;
	v5 =	vsub.f32 v11, v1;
	v11 =	vpop (erf)  }
0x184: {  	v6 =	vld.idx.msk [tilespmem:v25+s3+$0x0], $0xffff;
	v9 =	vmul.f32 v11, v9  }
0x185: {  	v5 =	vmul.f32 $1.442695020e+00, v5;
	v14 =	vadd.f32 v23, v21;
	v7 =	vld.idx.msk [tilespmem:v7+s3+$0x0], $0xffff;
	v16 =	vmul.f32 v11, v18  }
0x186: {  	[tilespmem:v10+s22+$0x0] =	vst.idx.add.f32.msk $0xffff, v11  }
0x187: {  	(erf) = vpow2.f32 v5;
	v5 =	vmul.f32 $2.000000030e-01, v14;
	[tilespmem:v10+s23+$0x0] =	vst.idx.add.f32.msk $0xffff, v16  }
0x188: {  	vm5 =	vge.f32 v14, $0.0e+00;
	[tilespmem:v10+s24+$0x0] =	vst.idx.add.f32.msk $0xffff, v9;
	v9 =	vpop (erf)  }
0x189: {  	v15 =	vld.idx.msk [tilespmem:v15+s3+$0x0], $0xffff;
	v5 =	vsel vm5, v14, v5;
	v6 =	vmul.f32 v9, v6  }
0x18a: {  	v5 =	vsub.f32 v5, v1;
	[tilespmem:v12+s22+$0x0] =	vst.idx.add.f32.msk $0xffff, v9;
	v7 =	vmul.f32 v9, v7  }
0x18b: {  	[tilespmem:v12+s23+$0x0] =	vst.idx.add.f32.msk $0xffff, v6  }
0x18c: {  	v5 =	vmul.f32 $1.442695020e+00, v5;
	[tilespmem:v12+s24+$0x0] =	vst.idx.add.f32.msk $0xffff, v7  }
0x18d: {  	v4 =	vmul.f32 v22, v4;
	v7 =	vld [tilespmem:s29+$0x90]  }
0x18e: {  	v6 =	vadd.s32 $0x5000, v19;
	(erf) = vpow2.f32 v5;
	v5 =	vld [tilespmem:s29+$0x10]  }
0x18f: {  	[tilespmem:v2+s24+$0x0] =	vst.idx.add.f32.msk $0xffff, v4;
	v9 =	vadd.s32 $0x7800, v19  }
0x190: {  	v10 =	vld [tilespmem:s28+$0xFFFFFFC0]  }
0x191: {  	v11 =	vld [tilespmem:s28+$0xFFFFFF40];
	v12 =	vpop (erf)  }
0x192: {  	[tilespmem:v17+s22+$0x0] =	vst.idx.add.f32.msk $0xffff, v12;
	v14 =	vmul.f32 v12, v15;
	v8 =	vmul.f32 v12, v8;
	v12 =	vadd.s32 $0x2800, v7  }
0x193: {  	v6 =	vld.idx.msk [tilespmem:v6+s3+$0x0], $0xffff  }
0x194: {  	v9 =	vld.idx.msk [tilespmem:v9+s3+$0x0], $0xffff  }
0x195: {  	[tilespmem:v17+s23+$0x0] =	vst.idx.add.f32.msk $0xffff, v14  }
0x196: {  	v14 =	vld.idx.msk [tilespmem:v5+s3+$0x0], $0xffff  }
0x197: {  	v15 =	vpop (erf);
	v12 =	vld.idx.msk [tilespmem:v12+s3+$0x0], $0xffff  }
0x198: {  	[tilespmem:v17+s24+$0x0] =	vst.idx.add.f32.msk $0xffff, v8;
	v6 =	vmul.f32 v15, v6  }
0x199: {  	[tilespmem:v13+s22+$0x0] =	vst.idx.add.f32.msk $0xffff, v15;
	v9 =	vmul.f32 v15, v9  }
0x19a: {  	[tilespmem:v13+s23+$0x0] =	vst.idx.add.f32.msk $0xffff, v6;
	v6 =	vadd.s32 $0x2800, v10  }
0x19b: {  	[tilespmem:v13+s24+$0x0] =	vst.idx.add.f32.msk $0xffff, v9  }
0x19c: {  	v9 =	vld [tilespmem:s28+$0xD0];
	v12 =	vadd.f32 v12, v14  }
0x19d: {  	v13 =	vld [tilespmem:s28+$0x50]  }
0x19e: {  	v8 =	vld [tilespmem:s29+$0xFFFFFF90];
	v3 =	vmul.f32 $2.000000030e-01, v12  }
0x19f: {  	v18 =	vadd.s32 $0x5000, v5;
	v4 =	vld.idx.msk [tilespmem:v6+s3+$0x0], $0xffff;
	vm6 =	vge.f32 v12, $0.0e+00  }
0x1a0: {  	v6 =	vld.idx.msk [tilespmem:v11+s3+$0x0], $0xffff;
	v3 =	vsel vm6, v12, v3  }
0x1a1: {  	v14 =	vadd.s32 $0x2800, v9;
	v3 =	vsub.f32 v3, v1  }
0x1a2: {  	v15 =	vld [tilespmem:s29+$0xFFFFFF10];
	v12 =	vadd.s32 $0x5000, v11  }
0x1a3: {  	v16 =	vld [tilespmem:s30+$0xFFFFFFE0];
	v3 =	vmul.f32 $1.442695020e+00, v3  }
0x1a4: {  	v2 =	vadd.s32 $0x2800, v8;
	v18 =	vld.idx.msk [tilespmem:v18+s3+$0x0], $0xffff  }
0x1a5: {  	v17 =	vld.idx.msk [tilespmem:v13+s3+$0x0], $0xffff;
	(erf) = vpow2.f32 v3;
	v3 =	vadd.f32 v4, v6  }
0x1a6: {  	v5 =	vadd.s32 $0x7800, v5;
	v14 =	vld.idx.msk [tilespmem:v14+s3+$0x0], $0xffff  }
0x1a7: {  	v11 =	vadd.s32 $0x7800, v11;
	v4 =	vld.idx.msk [tilespmem:v12+s3+$0x0], $0xffff;
	v19 =	vmul.f32 $2.000000030e-01, v3  }
0x1a8: {  	v20 =	vadd.s32 $0x7800, v15;
	v12 =	vld [tilespmem:s30+$0xFFFFFF60];
	vm7 =	vge.f32 v3, $0.0e+00  }
0x1a9: {  	v21 =	vadd.s32 $0x2800, v16;
	v2 =	vld.idx.msk [tilespmem:v2+s3+$0x0], $0xffff;
	v3 =	vsel vm7, v3, v19  }
0x1aa: {  	v6 =	vadd.s32 $0x5000, v15;
	v15 =	vld.idx.msk [tilespmem:v15+s3+$0x0], $0xffff;
	v3 =	vsub.f32 v3, v1  }
0x1ab: {  	v5 =	vld.idx.msk [tilespmem:v5+s3+$0x0], $0xffff;
	v14 =	vadd.f32 v14, v17  }
0x1ac: {  	v11 =	vld.idx.msk [tilespmem:v11+s3+$0x0], $0xffff;
	v3 =	vmul.f32 $1.442695020e+00, v3  }
0x1ad: {  	v19 =	vld.idx.msk [tilespmem:v20+s3+$0x0], $0xffff;
	v17 =	vmul.f32 $2.000000030e-01, v14  }
0x1ae: {  	v20 =	vld.idx.msk [tilespmem:v21+s3+$0x0], $0xffff;
	vm8 =	vge.f32 v14, $0.0e+00;
	(erf) = vpow2.f32 v3  }
0x1af: {  	v6 =	vld.idx.msk [tilespmem:v6+s3+$0x0], $0xffff;
	v2 =	vadd.f32 v2, v15;
	v14 =	vsel vm8, v14, v17;
	v21 =	vpop (erf)  }
0x1b0: {  	v14 =	vsub.f32 v14, v1;
	v3 =	vld.idx.msk [tilespmem:v12+s3+$0x0], $0xffff;
	v15 =	vmul.f32 v21, v18  }
0x1b1: {  	v17 =	vadd.s32 $0x5000, v12;
	[tilespmem:v7+s22+$0x0] =	vst.idx.add.f32.msk $0xffff, v21;
	v5 =	vmul.f32 v21, v5;
	v18 =	vmul.f32 $2.000000030e-01, v2  }
0x1b2: {  	vm9 =	vge.f32 v2, $0.0e+00;
	v12 =	vadd.s32 $0x7800, v12;
	v14 =	vmul.f32 $1.442695020e+00, v14;
	[tilespmem:v7+s23+$0x0] =	vst.idx.add.f32.msk $0xffff, v15  }
0x1b3: {  	v2 =	vsel vm9, v2, v18;
	[tilespmem:v7+s24+$0x0] =	vst.idx.add.f32.msk $0xffff, v5;
	v5 =	vadd.s32 $0x5000, v13  }
0x1b4: {  	(erf) = vpow2.f32 v14;
	v2 =	vsub.f32 v2, v1;
	v7 =	vld [tilespmem:s29+$0xA0]  }
0x1b5: {  	v13 =	vadd.s32 $0x7800, v13;
	v14 =	vld [tilespmem:s29+$0x20]  }
0x1b6: {  	v15 =	vld.idx.msk [tilespmem:v17+s3+$0x0], $0xffff;
	v2 =	vmul.f32 $1.442695020e+00, v2  }
0x1b7: {  	v12 =	vld.idx.msk [tilespmem:v12+s3+$0x0], $0xffff;
	v3 =	vadd.f32 v20, v3;
	v17 =	vpop (erf)  }
0x1b8: {  	v5 =	vld.idx.msk [tilespmem:v5+s3+$0x0], $0xffff;
	(erf) = vpow2.f32 v2;
	v4 =	vmul.f32 v17, v4  }
0x1b9: {  	v2 =	vadd.s32 $0x2800, v7;
	v11 =	vmul.f32 v17, v11;
	[tilespmem:v10+s22+$0x0] =	vst.idx.add.f32.msk $0xffff, v17;
	v17 =	vmul.f32 $2.000000030e-01, v3  }
0x1ba: {  	vm10 =	vge.f32 v3, $0.0e+00;
	v13 =	vld.idx.msk [tilespmem:v13+s3+$0x0], $0xffff  }
0x1bb: {  	[tilespmem:v10+s23+$0x0] =	vst.idx.add.f32.msk $0xffff, v4;
	v3 =	vsel vm10, v3, v17  }
0x1bc: {  	[tilespmem:v10+s24+$0x0] =	vst.idx.add.f32.msk $0xffff, v11;
	v3 =	vsub.f32 v3, v1  }
0x1bd: {  	v4 =	vld.idx.msk [tilespmem:v14+s3+$0x0], $0xffff;
	v10 =	vpop (erf)  }
0x1be: {  	v5 =	vmul.f32 v10, v5;
	v2 =	vld.idx.msk [tilespmem:v2+s3+$0x0], $0xffff;
	v3 =	vmul.f32 $1.442695020e+00, v3  }
0x1bf: {  	[tilespmem:v9+s22+$0x0] =	vst.idx.add.f32.msk $0xffff, v10;
	v10 =	vmul.f32 v10, v13  }
0x1c0: {  	[tilespmem:v9+s23+$0x0] =	vst.idx.add.f32.msk $0xffff, v5  }
0x1c1: {  	[tilespmem:v9+s24+$0x0] =	vst.idx.add.f32.msk $0xffff, v10  }
0x1c2: {  	(erf) = vpow2.f32 v3;
	v9 =	vld [tilespmem:s28+$0xE0];
	v3 =	vpop (erf)  }
0x1c3: {  	v5 =	vmul.f32 v3, v6;
	v6 =	vld [tilespmem:s28+$0x60];
	v2 =	vadd.f32 v2, v4  }
0x1c4: {  	v10 =	vld [tilespmem:s28+$0xFFFFFF50]  }
0x1c5: {  	v4 =	vmul.f32 v3, v19;
	[tilespmem:v8+s22+$0x0] =	vst.idx.add.f32.msk $0xffff, v3;
	v3 =	vmul.f32 $2.000000030e-01, v2  }
0x1c6: {  	[tilespmem:v8+s23+$0x0] =	vst.idx.add.f32.msk $0xffff, v5;
	vm11 =	vge.f32 v2, $0.0e+00  }
0x1c7: {  	[tilespmem:v8+s24+$0x0] =	vst.idx.add.f32.msk $0xffff, v4;
	v8 =	vadd.s32 $0x2800, v9;
	v2 =	vsel vm11, v2, v3  }
0x1c8: {  	v4 =	vld [tilespmem:s29+$0xFFFFFFA0];
	v2 =	vsub.f32 v2, v1  }
0x1c9: {  	v3 =	vld [tilespmem:s29+$0xFFFFFF20]  }
0x1ca: {  	v5 =	vld [tilespmem:s28+$0xFFFFFFD0];
	v2 =	vmul.f32 $1.442695020e+00, v2  }
0x1cb: {  	v17 =	vadd.s32 $0x5000, v14;
	v11 =	vpop (erf);
	v13 =	vld.idx.msk [tilespmem:v6+s3+$0x0], $0xffff  }
0x1cc: {  	v15 =	vmul.f32 v11, v15;
	v8 =	vld.idx.msk [tilespmem:v8+s3+$0x0], $0xffff;
	(erf) = vpow2.f32 v2  }
0x1cd: {  	[tilespmem:v16+s22+$0x0] =	vst.idx.add.f32.msk $0xffff, v11;
	v2 =	vmul.f32 v11, v12;
	v12 =	vadd.s32 $0x7800, v14  }
0x1ce: {  	v11 =	vadd.s32 $0x2800, v4;
	[tilespmem:v16+s23+$0x0] =	vst.idx.add.f32.msk $0xffff, v15  }
0x1cf: {  	v14 =	vadd.s32 $0x5000, v3;
	[tilespmem:v16+s24+$0x0] =	vst.idx.add.f32.msk $0xffff, v2  }
0x1d0: {  	v2 =	vadd.s32 $0x2800, v5;
	v16 =	vld.idx.msk [tilespmem:v17+s3+$0x0], $0xffff  }
0x1d1: {  	v15 =	vld.idx.msk [tilespmem:v3+s3+$0x0], $0xffff;
	v8 =	vadd.f32 v8, v13  }
0x1d2: {  	v12 =	vld.idx.msk [tilespmem:v12+s3+$0x0], $0xffff  }
0x1d3: {  	v11 =	vld.idx.msk [tilespmem:v11+s3+$0x0], $0xffff;
	v13 =	vmul.f32 $2.000000030e-01, v8  }
0x1d4: {  	v14 =	vld.idx.msk [tilespmem:v14+s3+$0x0], $0xffff;
	vm12 =	vge.f32 v8, $0.0e+00  }
0x1d5: {  	v2 =	vld.idx.msk [tilespmem:v2+s3+$0x0], $0xffff;
	v8 =	vsel vm12, v8, v13;
	v17 =	vpop (erf)  }
0x1d6: {  	v8 =	vsub.f32 v8, v1;
	v13 =	vmul.f32 v17, v16;
	v16 =	vld.idx.msk [tilespmem:v10+s3+$0x0], $0xffff  }
0x1d7: {  	v3 =	vadd.s32 $0x7800, v3;
	[tilespmem:v7+s22+$0x0] =	vst.idx.add.f32.msk $0xffff, v17;
	v12 =	vmul.f32 v17, v12  }
0x1d8: {  	v17 =	vadd.s32 $0x5000, v10;
	v11 =	vadd.f32 v11, v15;
	v8 =	vmul.f32 $1.442695020e+00, v8;
	[tilespmem:v7+s23+$0x0] =	vst.idx.add.f32.msk $0xffff, v13  }
0x1d9: {  	[tilespmem:v7+s24+$0x0] =	vst.idx.add.f32.msk $0xffff, v12  }
0x1da: {  	v15 =	vmul.f32 $2.000000030e-01, v11;
	v7 =	vadd.s32 $0x5000, v6;
	(erf) = vpow2.f32 v8;
	v12 =	vld [tilespmem:s29+$0xB0]  }
0x1db: {  	vm13 =	vge.f32 v11, $0.0e+00;
	v6 =	vadd.s32 $0x7800, v6;
	v13 =	vld [tilespmem:s29+$0x30]  }
0x1dc: {  	v3 =	vld.idx.msk [tilespmem:v3+s3+$0x0], $0xffff;
	v8 =	vadd.s32 $0x7800, v10;
	v10 =	vsel vm13, v11, v15  }
0x1dd: {  	v11 =	vld.idx.msk [tilespmem:v17+s3+$0x0], $0xffff;
	v10 =	vsub.f32 v10, v1  }
0x1de: {  	v15 =	vadd.f32 v2, v16;
	v2 =	vld [tilespmem:s30+$0xFFFFFFF0]  }
0x1df: {  	v10 =	vmul.f32 $1.442695020e+00, v10;
	v7 =	vld.idx.msk [tilespmem:v7+s3+$0x0], $0xffff  }
0x1e0: {  	v17 =	vmul.f32 $2.000000030e-01, v15;
	v6 =	vld.idx.msk [tilespmem:v6+s3+$0x0], $0xffff;
	v16 =	vadd.s32 $0x2800, v12  }
0x1e1: {  	vm14 =	vge.f32 v15, $0.0e+00;
	v18 =	vld.idx.msk [tilespmem:v8+s3+$0x0], $0xffff;
	(erf) = vpow2.f32 v10  }
0x1e2: {  	v8 =	vsel vm14, v15, v17;
	v17 =	vld [tilespmem:s30+$0xFFFFFF70]  }
0x1e3: {  	v8 =	vsub.f32 v8, v1;
	v10 =	vld.idx.msk [tilespmem:v13+s3+$0x0], $0xffff;
	v15 =	vpop (erf)  }
0x1e4: {  	v7 =	vmul.f32 v15, v7;
	[tilespmem:v9+s22+$0x0] =	vst.idx.add.f32.msk $0xffff, v15  }
0x1e5: {  	v8 =	vmul.f32 $1.442695020e+00, v8;
	v6 =	vmul.f32 v15, v6;
	v15 =	vadd.s32 $0x2800, v2;
	v16 =	vld.idx.msk [tilespmem:v16+s3+$0x0], $0xffff  }
0x1e6: {  	[tilespmem:v9+s23+$0x0] =	vst.idx.add.f32.msk $0xffff, v7  }
0x1e7: {  	(erf) = vpow2.f32 v8;
	[tilespmem:v9+s24+$0x0] =	vst.idx.add.f32.msk $0xffff, v6  }
0x1e8: {  	v6 =	vld [tilespmem:s28+$0xF0]  }
0x1e9: {  	v7 =	vld [tilespmem:s28+$0x70]  }
0x1ea: {  	v8 =	vpop (erf);
	v21 =	vld.idx.msk [tilespmem:v15+s3+$0x0], $0xffff;
	v9 =	vadd.f32 v16, v10  }
0x1eb: {  	[tilespmem:v4+s22+$0x0] =	vst.idx.add.f32.msk $0xffff, v8;
	v10 =	vmul.f32 v8, v14  }
0x1ec: {  	v3 =	vmul.f32 v8, v3;
	v14 =	vld.idx.msk [tilespmem:v17+s3+$0x0], $0xffff;
	v8 =	vmul.f32 $2.000000030e-01, v9  }
0x1ed: {  	[tilespmem:v4+s23+$0x0] =	vst.idx.add.f32.msk $0xffff, v10;
	vm15 =	vge.f32 v9, $0.0e+00;
	v22 =	vadd.s32 $0x2800, v6  }
0x1ee: {  	[tilespmem:v4+s24+$0x0] =	vst.idx.add.f32.msk $0xffff, v3;
	v3 =	vsel vm15, v9, v8  }
0x1ef: {  	v10 =	vld [tilespmem:s29+$0xFFFFFFB0];
	v19 =	vsub.f32 v3, v1  }
0x1f0: {  	v4 =	vadd.s32 $0x5000, v17;
	v15 =	vld [tilespmem:s29+$0xFFFFFF30];
	v8 =	vpop (erf)  }
0x1f1: {  	v3 =	vadd.s32 $0x7800, v17;
	v16 =	vld.idx.msk [tilespmem:v7+s3+$0x0], $0xffff;
	v11 =	vmul.f32 v8, v11;
	v20 =	vmul.f32 $1.442695020e+00, v19  }
0x1f2: {  	s31 =	simm.s32 $0xA780;
	s30 =	simm.s32 $0x4;
	v9 =	vmul.f32 v8, v18;
	v19 =	vadd.s32 $0x5000, v13;
	v18 =	vadd.f32 v21, v14;
	v17 =	vld.idx.msk [tilespmem:v22+s3+$0x0], $0xffff  }
.LBB2_4:
0x1f3: {  	v14 =	vld [tilespmem:s31+$0x80];
	v21 =	vadd.s32 $0x7800, v13;
	(erf) = vpow2.f32 v20  }
0x1f4: {  	v20 =	vld [tilespmem:s31+$0x0];
	v22 =	vadd.s32 $0x2800, v10;
	vm0 =	vge.f32 v18, $0.0e+00;
	v23 =	vmul.f32 $2.000000030e-01, v18  }
0x1f5: {  	v13 =	vld [tilespmem:s31+$0xFFFFFF80];
	v24 =	vadd.s32 $0x5000, v15;
	v25 =	vadd.s32 $0x7800, v15  }
0x1f6: {  	v26 =	vld [tilespmem:s31+$0xFFFFFF00];
	v18 =	vsel vm0, v18, v23  }
0x1f7: {  	v19 =	vld.idx.msk [tilespmem:v19+s3+$0x0], $0xffff;
	v18 =	vsub.f32 v18, v1  }
0x1f8: {  	v16 =	vadd.f32 v17, v16;
	v23 =	vadd.s32 $0x2800, v14;
	v21 =	vld.idx.msk [tilespmem:v21+s3+$0x0], $0xffff  }
0x1f9: {  	v17 =	vld.idx.msk [tilespmem:v22+s3+$0x0], $0xffff;
	v18 =	vmul.f32 $1.442695020e+00, v18  }
0x1fa: {  	v27 =	vmul.f32 $2.000000030e-01, v16;
	v22 =	vadd.s32 $0x2800, v13;
	v15 =	vld.idx.msk [tilespmem:v15+s3+$0x0], $0xffff  }
0x1fb: {  	vm0 =	vge.f32 v16, $0.0e+00;
	v28 =	vadd.s32 $0x5000, v26;
	v29 =	vadd.s32 $0x7800, v26;
	v24 =	vld.idx.msk [tilespmem:v24+s3+$0x0], $0xffff  }
0x1fc: {  	v16 =	vsel vm0, v16, v27;
	v30 =	vld.idx.msk [tilespmem:v20+s3+$0x0], $0xffff;
	v31 =	vpop (erf);
	(erf) = vpow2.f32 v18  }
0x1fd: {  	v16 =	vsub.f32 v16, v1;
	v18 =	vld.idx.msk [tilespmem:v23+s3+$0x0], $0xffff;
	v19 =	vmul.f32 v31, v19  }
0x1fe: {  	v21 =	vmul.f32 v31, v21;
	[tilespmem:v12+s22+$0x0] =	vst.idx.add.f32.msk $0xffff, v31  }
0x1ff: {  	s30 =	sadd.s32 $0x2, s30;
	v16 =	vmul.f32 $1.442695020e+00, v16;
	[tilespmem:v12+s23+$0x0] =	vst.idx.add.f32.msk $0xffff, v19  }
0x200: {  	p1 =	slt.u32 s30, $0x4C;
	v15 =	vadd.f32 v17, v15;
	v17 =	vadd.s32 $0x5000, v7;
	[tilespmem:v12+s24+$0x0] =	vst.idx.add.f32.msk $0xffff, v21  }
0x201: {  	v19 =	vadd.s32 $0x7800, v7;
	v12 =	vld [tilespmem:s29+$0xC0];
	(erf) = vpow2.f32 v16  }
0x202: {  	vm0 =	vge.f32 v15, $0.0e+00;
	v27 =	vmul.f32 $2.000000030e-01, v15;
	v16 =	vld [tilespmem:s29+$0x40]  }
0x203: {  	v21 =	vld.idx.msk [tilespmem:v22+s3+$0x0], $0xffff  }
0x204: {  	v23 =	vsel vm0, v15, v27;
	v22 =	vld.idx.msk [tilespmem:v26+s3+$0x0], $0xffff  }
0x205: {  	v15 =	vadd.f32 v18, v30;
	v18 =	vsub.f32 v23, v1;
	v17 =	vld.idx.msk [tilespmem:v17+s3+$0x0], $0xffff;
	v7 =	vpop (erf)  }
0x206: {  	v23 =	vadd.s32 $0x2800, v12;
	v19 =	vld.idx.msk [tilespmem:v19+s3+$0x0], $0xffff  }
0x207: {  	v27 =	vmul.f32 $2.000000030e-01, v15;
	v18 =	vmul.f32 $1.442695020e+00, v18;
	v26 =	vld.idx.msk [tilespmem:v28+s3+$0x0], $0xffff  }
0x208: {  	vm0 =	vge.f32 v15, $0.0e+00;
	v28 =	vld.idx.msk [tilespmem:v29+s3+$0x0], $0xffff  }
0x209: {  	v15 =	vsel vm0, v15, v27;
	v25 =	vld.idx.msk [tilespmem:v25+s3+$0x0], $0xffff;
	(erf) = vpow2.f32 v18  }
0x20a: {  	v15 =	vsub.f32 v15, v1;
	v18 =	vadd.f32 v21, v22;
	v21 =	vld.idx.msk [tilespmem:v16+s3+$0x0], $0xffff;
	v22 =	vpop (erf)  }
0x20b: {  	v23 =	vld.idx.msk [tilespmem:v23+s3+$0x0], $0xffff;
	v17 =	vmul.f32 v22, v17  }
0x20c: {  	v15 =	vmul.f32 $1.442695020e+00, v15;
	vm0 =	vge.f32 v18, $0.0e+00;
	v19 =	vmul.f32 v22, v19;
	[tilespmem:v6+s22+$0x0] =	vst.idx.add.f32.msk $0xffff, v22  }
0x20d: {  	v27 =	vadd.s32 $0x5000, v20;
	v22 =	vmul.f32 $2.000000030e-01, v18;
	[tilespmem:v6+s23+$0x0] =	vst.idx.add.f32.msk $0xffff, v17  }
0x20e: {  	v17 =	vadd.s32 $0x7800, v20;
	(erf) = vpow2.f32 v15;
	[tilespmem:v6+s24+$0x0] =	vst.idx.add.f32.msk $0xffff, v19  }
0x20f: {  	v6 =	vsel vm0, v18, v22;
	[tilespmem:v5+s22+$0x0] =	vst.idx.add.f32.msk $0xffff, v8  }
0x210: {  	v6 =	vsub.f32 v6, v1;
	[tilespmem:v5+s23+$0x0] =	vst.idx.add.f32.msk $0xffff, v11  }
0x211: {  	[tilespmem:v5+s24+$0x0] =	vst.idx.add.f32.msk $0xffff, v9  }
0x212: {  	v5 =	vmul.f32 $1.442695020e+00, v6;
	v6 =	vld.idx.msk [tilespmem:v27+s3+$0x0], $0xffff;
	v8 =	vpop (erf)  }
0x213: {  	v9 =	vld.idx.msk [tilespmem:v17+s3+$0x0], $0xffff;
	v11 =	vmul.f32 v8, v24;
	v15 =	vmul.f32 v8, v25;
	v17 =	vadd.f32 v23, v21  }
0x214: {  	(erf) = vpow2.f32 v5;
	[tilespmem:v10+s22+$0x0] =	vst.idx.add.f32.msk $0xffff, v8  }
0x215: {  	[tilespmem:v10+s23+$0x0] =	vst.idx.add.f32.msk $0xffff, v11;
	v8 =	vmul.f32 $2.000000030e-01, v17  }
0x216: {  	vm0 =	vge.f32 v17, $0.0e+00;
	[tilespmem:v10+s24+$0x0] =	vst.idx.add.f32.msk $0xffff, v15  }
0x217: {  	v10 =	vpop (erf);
	v5 =	vld [tilespmem:s29+$0xFFFFFFC0];
	v8 =	vsel vm0, v17, v8  }
0x218: {  	v6 =	vmul.f32 v10, v6;
	v11 =	vld [tilespmem:s29+$0xFFFFFF40];
	v8 =	vsub.f32 v8, v1  }
0x219: {  	v9 =	vmul.f32 v10, v9;
	[tilespmem:v14+s22+$0x0] =	vst.idx.add.f32.msk $0xffff, v10  }
0x21a: {  	[tilespmem:v14+s23+$0x0] =	vst.idx.add.f32.msk $0xffff, v6;
	v17 =	vmul.f32 $1.442695020e+00, v8  }
0x21b: {  	v8 =	vadd.s32 $0x5000, v16;
	[tilespmem:v14+s24+$0x0] =	vst.idx.add.f32.msk $0xffff, v9  }
0x21c: {  	v9 =	vadd.s32 $0x7800, v16;
	v10 =	vld [tilespmem:s31+$0x90];
	v14 =	vadd.s32 $0x2800, v5;
	(erf) = vpow2.f32 v17  }
0x21d: {  	v15 =	vld [tilespmem:s31+$0x10];
	v6 =	vpop (erf);
	v16 =	vadd.s32 $0x5000, v11;
	v17 =	vadd.s32 $0x7800, v11  }
0x21e: {  	[tilespmem:v13+s22+$0x0] =	vst.idx.add.f32.msk $0xffff, v6;
	v18 =	vmul.f32 v6, v26;
	v19 =	vmul.f32 v6, v28  }
0x21f: {  	v6 =	vld [tilespmem:s28+$0xFFFFFFE0]  }
0x220: {  	v20 =	vld.idx.msk [tilespmem:v8+s3+$0x0], $0xffff  }
0x221: {  	v21 =	vadd.s32 $0x2800, v10;
	v9 =	vld.idx.msk [tilespmem:v9+s3+$0x0], $0xffff  }
0x222: {  	[tilespmem:v13+s23+$0x0] =	vst.idx.add.f32.msk $0xffff, v18  }
0x223: {  	[tilespmem:v13+s24+$0x0] =	vst.idx.add.f32.msk $0xffff, v19  }
0x224: {  	v8 =	vld [tilespmem:s31+$0xFFFFFF90];
	v13 =	vadd.s32 $0x2800, v6  }
0x225: {  	v18 =	vld.idx.msk [tilespmem:v15+s3+$0x0], $0xffff;
	v19 =	vpop (erf)  }
0x226: {  	v21 =	vld.idx.msk [tilespmem:v21+s3+$0x0], $0xffff;
	v20 =	vmul.f32 v19, v20  }
0x227: {  	v9 =	vmul.f32 v19, v9;
	[tilespmem:v12+s22+$0x0] =	vst.idx.add.f32.msk $0xffff, v19  }
0x228: {  	[tilespmem:v12+s23+$0x0] =	vst.idx.add.f32.msk $0xffff, v20  }
0x229: {  	v19 =	vadd.s32 $0x2800, v8;
	[tilespmem:v12+s24+$0x0] =	vst.idx.add.f32.msk $0xffff, v9  }
0x22a: {  	v9 =	vld [tilespmem:s29+$0xD0]  }
0x22b: {  	v12 =	vld [tilespmem:s29+$0x50]  }
0x22c: {  	v18 =	vadd.f32 v21, v18;
	v20 =	vld [tilespmem:s31+$0xFFFFFF10]  }
0x22d: {  	v14 =	vld.idx.msk [tilespmem:v14+s3+$0x0], $0xffff  }
0x22e: {  	v21 =	vmul.f32 $2.000000030e-01, v18;
	v19 =	vld.idx.msk [tilespmem:v19+s3+$0x0], $0xffff  }
0x22f: {  	vm0 =	vge.f32 v18, $0.0e+00;
	v11 =	vld.idx.msk [tilespmem:v11+s3+$0x0], $0xffff;
	v22 =	vadd.s32 $0x2800, v9  }
0x230: {  	v18 =	vsel vm0, v18, v21;
	v16 =	vld.idx.msk [tilespmem:v16+s3+$0x0], $0xffff  }
0x231: {  	v18 =	vsub.f32 v18, v1;
	v21 =	vadd.s32 $0x5000, v20;
	v23 =	vadd.s32 $0x7800, v20;
	v17 =	vld.idx.msk [tilespmem:v17+s3+$0x0], $0xffff  }
0x232: {  	v24 =	vld [tilespmem:s28+$0xFFFFFF60]  }
0x233: {  	v18 =	vmul.f32 $1.442695020e+00, v18;
	v25 =	vld.idx.msk [tilespmem:v12+s3+$0x0], $0xffff  }
0x234: {  	v26 =	vadd.s32 $0x5000, v15;
	v22 =	vld.idx.msk [tilespmem:v22+s3+$0x0], $0xffff  }
0x235: {  	v15 =	vadd.s32 $0x7800, v15;
	v11 =	vadd.f32 v14, v11;
	v20 =	vld.idx.msk [tilespmem:v20+s3+$0x0], $0xffff;
	(erf) = vpow2.f32 v18  }
0x236: {  	v14 =	vld.idx.msk [tilespmem:v21+s3+$0x0], $0xffff  }
0x237: {  	vm0 =	vge.f32 v11, $0.0e+00;
	v21 =	vmul.f32 $2.000000030e-01, v11;
	v18 =	vld.idx.msk [tilespmem:v23+s3+$0x0], $0xffff;
	v23 =	vadd.s32 $0x5000, v24  }
0x238: {  	v27 =	vadd.s32 $0x7800, v24;
	v13 =	vld.idx.msk [tilespmem:v13+s3+$0x0], $0xffff  }
0x239: {  	v11 =	vsel vm0, v11, v21;
	v26 =	vld.idx.msk [tilespmem:v26+s3+$0x0], $0xffff  }
0x23a: {  	v11 =	vsub.f32 v11, v1;
	v21 =	vadd.f32 v22, v25;
	v15 =	vld.idx.msk [tilespmem:v15+s3+$0x0], $0xffff  }
0x23b: {  	v19 =	vadd.f32 v19, v20;
	v20 =	vld.idx.msk [tilespmem:v24+s3+$0x0], $0xffff  }
0x23c: {  	v11 =	vmul.f32 $1.442695020e+00, v11;
	v22 =	vmul.f32 $2.000000030e-01, v21;
	v23 =	vld.idx.msk [tilespmem:v23+s3+$0x0], $0xffff  }
0x23d: {  	vm1 =	vge.f32 v21, $0.0e+00;
	vm0 =	vge.f32 v19, $0.0e+00;
	v24 =	vmul.f32 $2.000000030e-01, v19;
	v25 =	vld.idx.msk [tilespmem:v27+s3+$0x0], $0xffff  }
0x23e: {  	v21 =	vsel vm1, v21, v22;
	v27 =	vpop (erf);
	(erf) = vpow2.f32 v11;
	v4 =	vld.idx.msk [tilespmem:v4+s3+$0x0], $0xffff  }
0x23f: {  	v11 =	vsel vm0, v19, v24;
	v21 =	vsub.f32 v21, v1;
	v19 =	vmul.f32 v27, v26;
	v3 =	vld.idx.msk [tilespmem:v3+s3+$0x0], $0xffff  }
0x240: {  	v11 =	vsub.f32 v11, v1;
	v15 =	vmul.f32 v27, v15;
	[tilespmem:v10+s22+$0x0] =	vst.idx.add.f32.msk $0xffff, v27  }
0x241: {  	v13 =	vadd.f32 v13, v20;
	[tilespmem:v10+s23+$0x0] =	vst.idx.add.f32.msk $0xffff, v19;
	v19 =	vmul.f32 $1.442695020e+00, v21  }
0x242: {  	v11 =	vmul.f32 $1.442695020e+00, v11;
	[tilespmem:v10+s24+$0x0] =	vst.idx.add.f32.msk $0xffff, v15;
	v10 =	vadd.s32 $0x5000, v12  }
0x243: {  	v12 =	vadd.s32 $0x7800, v12;
	v15 =	vld [tilespmem:s31+$0xA0];
	(erf) = vpow2.f32 v19;
	v19 =	vmul.f32 $2.000000030e-01, v13  }
0x244: {  	vm0 =	vge.f32 v13, $0.0e+00;
	v4 =	vmul.f32 v7, v4;
	v20 =	vld [tilespmem:s31+$0x20];
	(erf) = vpow2.f32 v11  }
0x245: {  	v3 =	vmul.f32 v7, v3;
	v11 =	vsel vm0, v13, v19;
	[tilespmem:v2+s22+$0x0] =	vst.idx.add.f32.msk $0xffff, v7  }
0x246: {  	v7 =	vsub.f32 v11, v1;
	[tilespmem:v2+s23+$0x0] =	vst.idx.add.f32.msk $0xffff, v4  }
0x247: {  	v4 =	vld.idx.msk [tilespmem:v10+s3+$0x0], $0xffff;
	v10 =	vpop (erf)  }
0x248: {  	v11 =	vadd.s32 $0x2800, v15;
	v13 =	vmul.f32 v10, v16;
	v16 =	vmul.f32 v10, v17;
	v12 =	vld.idx.msk [tilespmem:v12+s3+$0x0], $0xffff  }
0x249: {  	[tilespmem:v5+s22+$0x0] =	vst.idx.add.f32.msk $0xffff, v10;
	v10 =	vmul.f32 $1.442695020e+00, v7  }
0x24a: {  	[tilespmem:v5+s23+$0x0] =	vst.idx.add.f32.msk $0xffff, v13  }
0x24b: {  	[tilespmem:v5+s24+$0x0] =	vst.idx.add.f32.msk $0xffff, v16;
	(erf) = vpow2.f32 v10  }
0x24c: {  	v5 =	vld.idx.msk [tilespmem:v20+s3+$0x0], $0xffff;
	v7 =	vpop (erf)  }
0x24d: {  	v10 =	vld.idx.msk [tilespmem:v11+s3+$0x0], $0xffff;
	v11 =	vpop (erf);
	v4 =	vmul.f32 v7, v4  }
0x24e: {  	v13 =	vmul.f32 v11, v14;
	[tilespmem:v9+s22+$0x0] =	vst.idx.add.f32.msk $0xffff, v7;
	v7 =	vmul.f32 v7, v12  }
0x24f: {  	v12 =	vmul.f32 v11, v18;
	[tilespmem:v9+s23+$0x0] =	vst.idx.add.f32.msk $0xffff, v4  }
0x250: {  	[tilespmem:v9+s24+$0x0] =	vst.idx.add.f32.msk $0xffff, v7  }
0x251: {  	v7 =	vld [tilespmem:s29+$0xE0]  }
0x252: {  	v4 =	vld [tilespmem:s29+$0x60]  }
0x253: {  	v5 =	vadd.f32 v10, v5;
	[tilespmem:v8+s22+$0x0] =	vst.idx.add.f32.msk $0xffff, v11  }
0x254: {  	[tilespmem:v8+s23+$0x0] =	vst.idx.add.f32.msk $0xffff, v13;
	v9 =	vpop (erf)  }
0x255: {  	v10 =	vmul.f32 $2.000000030e-01, v5;
	[tilespmem:v8+s24+$0x0] =	vst.idx.add.f32.msk $0xffff, v12;
	v11 =	vmul.f32 v9, v23  }
0x256: {  	vm0 =	vge.f32 v5, $0.0e+00;
	v13 =	vmul.f32 v9, v25;
	v8 =	vld [tilespmem:s31+$0xFFFFFFA0];
	v12 =	vadd.s32 $0x2800, v7  }
0x257: {  	v5 =	vsel vm0, v5, v10;
	v14 =	vld [tilespmem:s31+$0xFFFFFF20]  }
0x258: {  	v10 =	vsub.f32 v5, v1;
	v5 =	vld [tilespmem:s29+$0xFFFFFFD0]  }
0x259: {  	v16 =	vld [tilespmem:s29+$0xFFFFFF50]  }
0x25a: {  	v10 =	vmul.f32 $1.442695020e+00, v10;
	v17 =	vld.idx.msk [tilespmem:v4+s3+$0x0], $0xffff  }
0x25b: {  	v19 =	vadd.s32 $0x5000, v20;
	v18 =	vadd.s32 $0x2800, v8;
	v12 =	vld.idx.msk [tilespmem:v12+s3+$0x0], $0xffff  }
0x25c: {  	v20 =	vadd.s32 $0x7800, v20;
	v21 =	vadd.s32 $0x5000, v14;
	(erf) = vpow2.f32 v10;
	[tilespmem:v6+s22+$0x0] =	vst.idx.add.f32.msk $0xffff, v9  }
0x25d: {  	v9 =	vadd.s32 $0x7800, v14;
	v10 =	vadd.s32 $0x2800, v5;
	[tilespmem:v6+s23+$0x0] =	vst.idx.add.f32.msk $0xffff, v11  }
0x25e: {  	v11 =	vadd.s32 $0x5000, v16;
	v22 =	vadd.s32 $0x7800, v16;
	[tilespmem:v6+s24+$0x0] =	vst.idx.add.f32.msk $0xffff, v13  }
0x25f: {  	v6 =	vld.idx.msk [tilespmem:v14+s3+$0x0], $0xffff  }
0x260: {  	v13 =	vld.idx.msk [tilespmem:v19+s3+$0x0], $0xffff  }
0x261: {  	v12 =	vadd.f32 v12, v17;
	v14 =	vld.idx.msk [tilespmem:v20+s3+$0x0], $0xffff  }
0x262: {  	v17 =	vld.idx.msk [tilespmem:v18+s3+$0x0], $0xffff  }
0x263: {  	v19 =	vmul.f32 $2.000000030e-01, v12;
	v18 =	vld.idx.msk [tilespmem:v21+s3+$0x0], $0xffff  }
0x264: {  	vm0 =	vge.f32 v12, $0.0e+00;
	v9 =	vld.idx.msk [tilespmem:v9+s3+$0x0], $0xffff  }
0x265: {  	v12 =	vsel vm0, v12, v19;
	v20 =	vpop (erf);
	v10 =	vld.idx.msk [tilespmem:v10+s3+$0x0], $0xffff  }
0x266: {  	v12 =	vsub.f32 v12, v1;
	v13 =	vmul.f32 v20, v13;
	v16 =	vld.idx.msk [tilespmem:v16+s3+$0x0], $0xffff  }
0x267: {  	v14 =	vmul.f32 v20, v14;
	[tilespmem:v15+s22+$0x0] =	vst.idx.add.f32.msk $0xffff, v20  }
0x268: {  	v6 =	vadd.f32 v17, v6;
	[tilespmem:v15+s23+$0x0] =	vst.idx.add.f32.msk $0xffff, v13;
	v13 =	vmul.f32 $1.442695020e+00, v12  }
0x269: {  	[tilespmem:v15+s24+$0x0] =	vst.idx.add.f32.msk $0xffff, v14;
	v14 =	vadd.s32 $0x5000, v4  }
0x26a: {  	v15 =	vmul.f32 $2.000000030e-01, v6;
	v4 =	vadd.s32 $0x7800, v4;
	v12 =	vld [tilespmem:s31+$0xB0];
	(erf) = vpow2.f32 v13  }
0x26b: {  	vm0 =	vge.f32 v6, $0.0e+00;
	v13 =	vld [tilespmem:s31+$0x30]  }
0x26c: {  	v6 =	vsel vm0, v6, v15;
	v10 =	vadd.f32 v10, v16;
	v11 =	vld.idx.msk [tilespmem:v11+s3+$0x0], $0xffff  }
0x26d: {  	v6 =	vsub.f32 v6, v1;
	v15 =	vld.idx.msk [tilespmem:v22+s3+$0x0], $0xffff  }
0x26e: {  	vm0 =	vge.f32 v10, $0.0e+00;
	v16 =	vmul.f32 $2.000000030e-01, v10;
	v14 =	vld.idx.msk [tilespmem:v14+s3+$0x0], $0xffff  }
0x26f: {  	v6 =	vmul.f32 $1.442695020e+00, v6;
	v17 =	vadd.s32 $0x2800, v12;
	v4 =	vld.idx.msk [tilespmem:v4+s3+$0x0], $0xffff  }
0x270: {  	v10 =	vsel vm0, v10, v16;
	v16 =	vld [tilespmem:s28+$0xFFFFFFF0]  }
0x271: {  	(erf) = vpow2.f32 v6;
	v6 =	vsub.f32 v10, v1;
	v10 =	vld [tilespmem:s28+$0xFFFFFF70];
	s28 =	smov.u32 s29;
	s29 =	smov.u32 s31  }
0x272: {  	[tilespmem:v2+s24+$0x0] =	vst.idx.add.f32.msk $0xffff, v3  }
0x273: {  	v19 =	vld.idx.msk [tilespmem:v13+s3+$0x0], $0xffff;
	v21 =	vmul.f32 $1.442695020e+00, v6;
	v3 =	vpop (erf)  }
0x274: {  	v17 =	vld.idx.msk [tilespmem:v17+s3+$0x0], $0xffff;
	v6 =	vmul.f32 v3, v14  }
0x275: {  	v14 =	vmul.f32 v3, v4;
	[tilespmem:v7+s22+$0x0] =	vst.idx.add.f32.msk $0xffff, v3;
	(erf) = vpow2.f32 v21;
	v20 =	vadd.s32 $0x2800, v16;
	v2 =	vmovc v16  }
0x276: {  	[tilespmem:v7+s23+$0x0] =	vst.idx.add.f32.msk $0xffff, v6;
	v4 =	vadd.s32 $0x5000, v10;
	v3 =	vadd.s32 $0x7800, v10  }
0x277: {  	[tilespmem:v7+s24+$0x0] =	vst.idx.add.f32.msk $0xffff, v14  }
0x278: {  	v6 =	vld [tilespmem:s28+$0xF0]  }
0x279: {  	v7 =	vld [tilespmem:s28+$0x70]  }
0x27a: {  	v14 =	vadd.f32 v17, v19;
	v16 =	vpop (erf);
	v21 =	vld.idx.msk [tilespmem:v20+s3+$0x0], $0xffff  }
0x27b: {  	[tilespmem:v8+s22+$0x0] =	vst.idx.add.f32.msk $0xffff, v16;
	v17 =	vmul.f32 v16, v18;
	v9 =	vmul.f32 v16, v9  }
0x27c: {  	v16 =	vmul.f32 $2.000000030e-01, v14;
	v18 =	vld.idx.msk [tilespmem:v10+s3+$0x0], $0xffff  }
0x27d: {  	vm0 =	vge.f32 v14, $0.0e+00;
	[tilespmem:v8+s23+$0x0] =	vst.idx.add.f32.msk $0xffff, v17;
	v17 =	vadd.s32 $0x2800, v6  }
.Ltmp3:
0x27e: {  	[tilespmem:v8+s24+$0x0] =	vst.idx.add.f32.msk $0xffff, v9;
	v9 =	vsel vm0, v14, v16;
	v8 =	vpop (erf);
	(pc) =	sbr.rel @p1 .LBB2_4-.Ltmp3, $4  }
0x27f: {  	v10 =	vld [tilespmem:s31+$0xFFFFFFB0];
	v14 =	vsub.f32 v9, v1;
	v11 =	vmul.f32 v8, v11;
	v9 =	vmul.f32 v8, v15  }
0x280: {  	v15 =	vld [tilespmem:s31+$0xFFFFFF30]  }
0x281: {  	v20 =	vmul.f32 $1.442695020e+00, v14;
	v16 =	vld.idx.msk [tilespmem:v7+s3+$0x0], $0xffff  }
0x282: {  	v19 =	vadd.s32 $0x5000, v13;
	s31 =	sadd.s32 $0x200, s31;
	v18 =	vadd.f32 v21, v18;
	v17 =	vld.idx.msk [tilespmem:v17+s3+$0x0], $0xffff  }
0x283: {  	(erf) = vpow2.f32 v20  }
0x284: {  	v13 =	vadd.s32 $0x7800, v13;
	_ =	sdelay $0x3  }
0x285: {  	v14 =	vld.idx.msk [tilespmem:v19+s3+$0x0], $0xffff  }
0x286: {  	v13 =	vld.idx.msk [tilespmem:v13+s3+$0x0], $0xffff;
	_ =	sdelay $0x2  }
0x287: {  	v57 =	vpop (erf)  }
0x288: {  	v14 =	vmul.f32 v57, v14  }
0x289: {  	[tilespmem:v12+s22+$0x0] =	vst.idx.add.f32.msk $0xffff, v57;
	v13 =	vmul.f32 v57, v13  }
0x28a: {  	[tilespmem:v12+s23+$0x0] =	vst.idx.add.f32.msk $0xffff, v14  }
0x28b: {  	[tilespmem:v12+s24+$0x0] =	vst.idx.add.f32.msk $0xffff, v13  }
0x28c: {  	v58 =	vadd.s32 $0x2800, v10;
	v14 =	vld [tilespmem:s29+$0xC0]  }
0x28d: {  	v13 =	vld [tilespmem:s29+$0x40];
	_ =	sdelay $0x2  }
0x28e: {  	v60 =	vld.idx.msk [tilespmem:v15+s3+$0x0], $0xffff  }
0x28f: {  	v59 =	vld.idx.msk [tilespmem:v58+s3+$0x0], $0xffff;
	v61 =	vadd.s32 $0x2800, v14;
	_ =	sdelay $0x3  }
0x290: {  	v62 =	vmul.f32 $2.000000030e-01, v18;
	v16 =	vadd.f32 v17, v16;
	v63 =	vld.idx.msk [tilespmem:v13+s3+$0x0], $0xffff  }
0x291: {  	vm0 =	vge.f32 v18, $0.0e+00;
	v12 =	vadd.f32 v59, v60;
	v20 =	vld.idx.msk [tilespmem:v61+s3+$0x0], $0xffff  }
0x292: {  	v17 =	vsel vm0, v18, v62;
	v21 =	vmul.f32 $2.000000030e-01, v16  }
0x293: {  	v17 =	vsub.f32 v17, v1;
	vm4 =	vge.f32 v16, $0.0e+00;
	v23 =	vmul.f32 $2.000000030e-01, v12  }
0x294: {  	v16 =	vsel vm4, v16, v21;
	vm5 =	vge.f32 v12, $0.0e+00  }
0x295: {  	v17 =	vmul.f32 $1.442695020e+00, v17;
	v16 =	vsub.f32 v16, v1;
	v12 =	vsel vm5, v12, v23  }
0x296: {  	v12 =	vsub.f32 v12, v1;
	v24 =	vadd.f32 v20, v63  }
0x297: {  	(erf) = vpow2.f32 v17;
	v16 =	vmul.f32 $1.442695020e+00, v16  }
0x298: {  	v12 =	vmul.f32 $1.442695020e+00, v12;
	v25 =	vmul.f32 $2.000000030e-01, v24  }
0x299: {  	(erf) = vpow2.f32 v16;
	vm6 =	vge.f32 v24, $0.0e+00  }
0x29a: {  	v26 =	vadd.s32 $0x5000, v15;
	(erf) = vpow2.f32 v12;
	v16 =	vsel vm6, v24, v25  }
0x29b: {  	v27 =	vadd.s32 $0x7800, v15;
	v16 =	vsub.f32 v16, v1;
	_ =	sdelay $0x1  }
0x29c: {  	v16 =	vmul.f32 $1.442695020e+00, v16  }
0x29d: {  	v29 =	vadd.s32 $0x5000, v13  }
0x29e: {  	v28 =	vld.idx.msk [tilespmem:v26+s3+$0x0], $0xffff;
	(erf) = vpow2.f32 v16  }
0x29f: {  	v15 =	vld.idx.msk [tilespmem:v27+s3+$0x0], $0xffff;
	v30 =	vadd.s32 $0x7800, v13  }
0x2a0: {  	v12 =	vpop (erf)  }
0x2a1: {  	v13 =	vpop (erf)  }
0x2a2: {  	v18 =	vld.idx.msk [tilespmem:v29+s3+$0x0], $0xffff;
	v31 =	vpop (erf)  }
0x2a3: {  	[tilespmem:v10+s22+$0x0] =	vst.idx.add.f32.msk $0xffff, v31;
	v17 =	vmul.f32 v31, v28  }
0x2a4: {  	v15 =	vmul.f32 v31, v15;
	v16 =	vld.idx.msk [tilespmem:v30+s3+$0x0], $0xffff  }
0x2a5: {  	[tilespmem:v10+s23+$0x0] =	vst.idx.add.f32.msk $0xffff, v17  }
0x2a6: {  	[tilespmem:v10+s24+$0x0] =	vst.idx.add.f32.msk $0xffff, v15  }
0x2a7: {  	v10 =	vld [tilespmem:s29+$0xFFFFFFC0];
	v32 =	vpop (erf)  }
0x2a8: {  	v17 =	vld [tilespmem:s29+$0xFFFFFF40];
	v18 =	vmul.f32 v32, v18  }
0x2a9: {  	[tilespmem:v14+s22+$0x0] =	vst.idx.add.f32.msk $0xffff, v32;
	v15 =	vmul.f32 v32, v16  }
0x2aa: {  	[tilespmem:v14+s23+$0x0] =	vst.idx.add.f32.msk $0xffff, v18  }
0x2ab: {  	[tilespmem:v14+s24+$0x0] =	vst.idx.add.f32.msk $0xffff, v15  }
0x2ac: {  	v14 =	vld [tilespmem:s29+$0xD0]  }
0x2ad: {  	v15 =	vld [tilespmem:s29+$0x50];
	_ =	sdelay $0x1  }
0x2ae: {  	v33 =	vadd.s32 $0x2800, v10;
	_ =	sdelay $0x1  }
0x2af: {  	v34 =	vadd.s32 $0x2800, v14;
	_ =	sdelay $0x1  }
0x2b0: {  	v35 =	vld.idx.msk [tilespmem:v17+s3+$0x0], $0xffff  }
0x2b1: {  	v16 =	vld.idx.msk [tilespmem:v33+s3+$0x0], $0xffff  }
0x2b2: {  	v36 =	vld.idx.msk [tilespmem:v15+s3+$0x0], $0xffff  }
0x2b3: {  	v18 =	vld.idx.msk [tilespmem:v34+s3+$0x0], $0xffff;
	_ =	sdelay $0x3  }
0x2b4: {  	v16 =	vadd.f32 v16, v35  }
0x2b5: {  	v18 =	vadd.f32 v18, v36  }
0x2b6: {  	v19 =	vmul.f32 $2.000000030e-01, v16  }
0x2b7: {  	vm7 =	vge.f32 v16, $0.0e+00;
	v20 =	vmul.f32 $2.000000030e-01, v18  }
0x2b8: {  	v16 =	vsel vm7, v16, v19;
	vm8 =	vge.f32 v18, $0.0e+00  }
0x2b9: {  	[tilespmem:v5+s22+$0x0] =	vst.idx.add.f32.msk $0xffff, v8;
	v37 =	vsub.f32 v16, v1;
	v38 =	vsel vm8, v18, v20  }
0x2ba: {  	[tilespmem:v5+s23+$0x0] =	vst.idx.add.f32.msk $0xffff, v11;
	v39 =	vsub.f32 v38, v1  }
0x2bb: {  	[tilespmem:v5+s24+$0x0] =	vst.idx.add.f32.msk $0xffff, v9;
	v40 =	vmul.f32 $1.442695020e+00, v37  }
0x2bc: {  	v41 =	vld [tilespmem:s28+$0xFFFFFFE0];
	v42 =	vmul.f32 $1.442695020e+00, v39  }
0x2bd: {  	v45 =	vld [tilespmem:s28+$0xFFFFFF60];
	(erf) = vpow2.f32 v40  }
0x2be: {  	v44 =	vadd.s32 $0x5000, v15;
	(erf) = vpow2.f32 v42  }
0x2bf: {  	v15 =	vadd.s32 $0x7800, v15;
	_ =	sdelay $0x1  }
0x2c0: {  	v47 =	vadd.s32 $0x2800, v41  }
0x2c1: {  	v43 =	vadd.s32 $0x5000, v17  }
0x2c2: {  	v46 =	vadd.s32 $0x7800, v17;
	v5 =	vld.idx.msk [tilespmem:v44+s3+$0x0], $0xffff  }
0x2c3: {  	v15 =	vld.idx.msk [tilespmem:v15+s3+$0x0], $0xffff  }
0x2c4: {  	v49 =	vld.idx.msk [tilespmem:v45+s3+$0x0], $0xffff  }
0x2c5: {  	v17 =	vld.idx.msk [tilespmem:v47+s3+$0x0], $0xffff;
	v48 =	vpop (erf)  }
0x2c6: {  	v11 =	vld.idx.msk [tilespmem:v43+s3+$0x0], $0xffff;
	v50 =	vpop (erf)  }
0x2c7: {  	v16 =	vld.idx.msk [tilespmem:v46+s3+$0x0], $0xffff;
	v5 =	vmul.f32 v50, v5  }
0x2c8: {  	[tilespmem:v14+s22+$0x0] =	vst.idx.add.f32.msk $0xffff, v50;
	v15 =	vmul.f32 v50, v15  }
0x2c9: {  	[tilespmem:v14+s23+$0x0] =	vst.idx.add.f32.msk $0xffff, v5  }
0x2ca: {  	[tilespmem:v14+s24+$0x0] =	vst.idx.add.f32.msk $0xffff, v15  }
0x2cb: {  	v52 =	vld [tilespmem:s29+$0xE0]  }
0x2cc: {  	v51 =	vmul.f32 v48, v11;
	v15 =	vld [tilespmem:s29+$0x60]  }
0x2cd: {  	[tilespmem:v10+s22+$0x0] =	vst.idx.add.f32.msk $0xffff, v48;
	v53 =	vmul.f32 v48, v16  }
0x2ce: {  	[tilespmem:v10+s23+$0x0] =	vst.idx.add.f32.msk $0xffff, v51  }
0x2cf: {  	[tilespmem:v10+s24+$0x0] =	vst.idx.add.f32.msk $0xffff, v53  }
0x2d0: {  	v5 =	vld [tilespmem:s29+$0xFFFFFFD0];
	v54 =	vadd.s32 $0x2800, v52  }
0x2d1: {  	v56 =	vld [tilespmem:s29+$0xFFFFFF50];
	_ =	sdelay $0x2  }
0x2d2: {  	v55 =	vadd.f32 v17, v49;
	v57 =	vld.idx.msk [tilespmem:v15+s3+$0x0], $0xffff  }
0x2d3: {  	v58 =	vadd.s32 $0x2800, v5;
	v10 =	vld.idx.msk [tilespmem:v54+s3+$0x0], $0xffff  }
0x2d4: {  	v17 =	vmul.f32 $2.000000030e-01, v55  }
0x2d5: {  	vm9 =	vge.f32 v55, $0.0e+00  }
0x2d6: {  	v14 =	vsel vm9, v55, v17  }
0x2d7: {  	v61 =	vld.idx.msk [tilespmem:v56+s3+$0x0], $0xffff;
	v14 =	vsub.f32 v14, v1  }
0x2d8: {  	v59 =	vld.idx.msk [tilespmem:v58+s3+$0x0], $0xffff;
	v10 =	vadd.f32 v10, v57  }
0x2d9: {  	v14 =	vmul.f32 $1.442695020e+00, v14  }
0x2da: {  	v18 =	vmul.f32 $2.000000030e-01, v10  }
0x2db: {  	v60 =	vadd.s32 $0x5000, v45;
	(erf) = vpow2.f32 v14;
	vm10 =	vge.f32 v10, $0.0e+00  }
0x2dc: {  	v9 =	vadd.s32 $0x7800, v45;
	v10 =	vsel vm10, v10, v18  }
0x2dd: {  	v14 =	vadd.f32 v59, v61;
	v10 =	vsub.f32 v10, v1  }
0x2de: {  	v27 =	vadd.s32 $0x5000, v56  }
0x2df: {  	v24 =	vadd.s32 $0x5000, v15;
	v17 =	vmul.f32 $2.000000030e-01, v14;
	v10 =	vmul.f32 $1.442695020e+00, v10  }
0x2e0: {  	v62 =	vld.idx.msk [tilespmem:v60+s3+$0x0], $0xffff;
	v15 =	vadd.s32 $0x7800, v15;
	vm11 =	vge.f32 v14, $0.0e+00  }
0x2e1: {  	v9 =	vld.idx.msk [tilespmem:v9+s3+$0x0], $0xffff;
	v25 =	vsel vm11, v14, v17;
	(erf) = vpow2.f32 v10  }
0x2e2: {  	v10 =	vsub.f32 v25, v1  }
0x2e3: {  	v31 =	vld.idx.msk [tilespmem:v27+s3+$0x0], $0xffff  }
0x2e4: {  	v28 =	vadd.s32 $0x7800, v56;
	v29 =	vld.idx.msk [tilespmem:v24+s3+$0x0], $0xffff;
	v63 =	vpop (erf);
	v10 =	vmul.f32 $1.442695020e+00, v10  }
0x2e5: {  	v30 =	vld.idx.msk [tilespmem:v15+s3+$0x0], $0xffff;
	v26 =	vmul.f32 v63, v62  }
0x2e6: {  	v9 =	vmul.f32 v63, v9;
	[tilespmem:v41+s22+$0x0] =	vst.idx.add.f32.msk $0xffff, v63;
	(erf) = vpow2.f32 v10  }
0x2e7: {  	[tilespmem:v41+s23+$0x0] =	vst.idx.add.f32.msk $0xffff, v26  }
0x2e8: {  	[tilespmem:v41+s24+$0x0] =	vst.idx.add.f32.msk $0xffff, v9  }
0x2e9: {  	v14 =	vld.idx.msk [tilespmem:v28+s3+$0x0], $0xffff  }
0x2ea: {  	v32 =	vld [tilespmem:s28+$0xFFFFFFF0];
	v33 =	vpop (erf)  }
0x2eb: {  	v34 =	vld [tilespmem:s28+$0xFFFFFF70];
	v8 =	vmul.f32 v33, v29  }
0x2ec: {  	[tilespmem:v52+s22+$0x0] =	vst.idx.add.f32.msk $0xffff, v33;
	v9 =	vmul.f32 v33, v30  }
0x2ed: {  	[tilespmem:v52+s23+$0x0] =	vst.idx.add.f32.msk $0xffff, v8  }
0x2ee: {  	[tilespmem:v52+s24+$0x0] =	vst.idx.add.f32.msk $0xffff, v9  }
0x2ef: {  	v35 =	vpop (erf);
	v8 =	vld [tilespmem:s29+$0xF0]  }
0x2f0: {  	v11 =	vld [tilespmem:s29+$0x70];
	v10 =	vmul.f32 v35, v31  }
0x2f1: {  	v14 =	vmul.f32 v35, v14;
	[tilespmem:v5+s22+$0x0] =	vst.idx.add.f32.msk $0xffff, v35  }
0x2f2: {  	[tilespmem:v5+s23+$0x0] =	vst.idx.add.f32.msk $0xffff, v10  }
0x2f3: {  	[tilespmem:v5+s24+$0x0] =	vst.idx.add.f32.msk $0xffff, v14  }
0x2f4: {  	v5 =	vld [tilespmem:s29+$0xFFFFFFE0]  }
0x2f5: {  	v36 =	vadd.s32 $0x2800, v32;
	v10 =	vld [tilespmem:s29+$0xFFFFFF60];
	_ =	sdelay $0x1  }
0x2f6: {  	v37 =	vadd.s32 $0x2800, v8;
	_ =	sdelay $0x1  }
0x2f7: {  	v39 =	vld.idx.msk [tilespmem:v34+s3+$0x0], $0xffff;
	v38 =	vadd.s32 $0x2800, v5  }
0x2f8: {  	v9 =	vld.idx.msk [tilespmem:v36+s3+$0x0], $0xffff  }
0x2f9: {  	v40 =	vld.idx.msk [tilespmem:v11+s3+$0x0], $0xffff  }
0x2fa: {  	v14 =	vld.idx.msk [tilespmem:v37+s3+$0x0], $0xffff  }
0x2fb: {  	v41 =	vld.idx.msk [tilespmem:v10+s3+$0x0], $0xffff  }
0x2fc: {  	v16 =	vld.idx.msk [tilespmem:v38+s3+$0x0], $0xffff;
	_ =	sdelay $0x2  }
0x2fd: {  	v9 =	vadd.f32 v9, v39  }
0x2fe: {  	v14 =	vadd.f32 v14, v40  }
0x2ff: {  	v18 =	vmul.f32 $2.000000030e-01, v9;
	v16 =	vadd.f32 v16, v41  }
0x300: {  	vm12 =	vge.f32 v9, $0.0e+00;
	v19 =	vmul.f32 $2.000000030e-01, v14  }
0x301: {  	v9 =	vsel vm12, v9, v18;
	vm13 =	vge.f32 v14, $0.0e+00;
	v42 =	vmul.f32 $2.000000030e-01, v16  }
0x302: {  	v9 =	vsub.f32 v9, v1;
	v14 =	vsel vm13, v14, v19;
	vm14 =	vge.f32 v16, $0.0e+00  }
0x303: {  	v14 =	vsub.f32 v14, v1;
	v16 =	vsel vm14, v16, v42  }
0x304: {  	v9 =	vmul.f32 $1.442695020e+00, v9;
	v16 =	vsub.f32 v16, v1  }
0x305: {  	v14 =	vmul.f32 $1.442695020e+00, v14  }
0x306: {  	(erf) = vpow2.f32 v9;
	v43 =	vmul.f32 $1.442695020e+00, v16  }
0x307: {  	(erf) = vpow2.f32 v14  }
0x308: {  	v44 =	vadd.s32 $0x5000, v10;
	(erf) = vpow2.f32 v43  }
0x309: {  	v45 =	vadd.s32 $0x7800, v10;
	_ =	sdelay $0x3  }
0x30a: {  	v46 =	vld.idx.msk [tilespmem:v44+s3+$0x0], $0xffff  }
0x30b: {  	v9 =	vld.idx.msk [tilespmem:v45+s3+$0x0], $0xffff  }
0x30c: {  	v47 =	vpop (erf)  }
0x30d: {  	v48 =	vpop (erf)  }
0x30e: {  	v49 =	vpop (erf)  }
0x30f: {  	v10 =	vmul.f32 v49, v46  }
0x310: {  	v9 =	vmul.f32 v49, v9;
	[tilespmem:v5+s22+$0x0] =	vst.idx.add.f32.msk $0xffff, v49  }
0x311: {  	[tilespmem:v5+s23+$0x0] =	vst.idx.add.f32.msk $0xffff, v10  }
0x312: {  	[tilespmem:v5+s24+$0x0] =	vst.idx.add.f32.msk $0xffff, v9  }
0x313: {  	v5 =	vld [tilespmem:s29+$0xFFFFFFF0]  }
0x314: {  	v9 =	vld [tilespmem:s29+$0xFFFFFF70];
	_ =	sdelay $0x3  }
0x315: {  	v50 =	vadd.s32 $0x2800, v5;
	_ =	sdelay $0x1  }
0x316: {  	v4 =	vld.idx.msk [tilespmem:v4+s3+$0x0], $0xffff;
	v51 =	vadd.s32 $0x5000, v7  }
0x317: {  	v3 =	vld.idx.msk [tilespmem:v3+s3+$0x0], $0xffff;
	v52 =	vadd.s32 $0x7800, v7  }
0x318: {  	v53 =	vld.idx.msk [tilespmem:v9+s3+$0x0], $0xffff  }
0x319: {  	v10 =	vld.idx.msk [tilespmem:v50+s3+$0x0], $0xffff;
	_ =	sdelay $0x1  }
0x31a: {  	v18 =	vld.idx.msk [tilespmem:v51+s3+$0x0], $0xffff  }
0x31b: {  	v4 =	vmul.f32 v12, v4;
	v7 =	vld.idx.msk [tilespmem:v52+s3+$0x0], $0xffff;
	v54 =	vadd.s32 $0x5000, v11  }
0x31c: {  	[tilespmem:v2+s22+$0x0] =	vst.idx.add.f32.msk $0xffff, v12;
	v3 =	vmul.f32 v12, v3  }
0x31d: {  	[tilespmem:v2+s23+$0x0] =	vst.idx.add.f32.msk $0xffff, v4;
	v10 =	vadd.f32 v10, v53  }
0x31e: {  	[tilespmem:v2+s24+$0x0] =	vst.idx.add.f32.msk $0xffff, v3;
	v56 =	vadd.s32 $0x7800, v11  }
0x31f: {  	[tilespmem:v6+s22+$0x0] =	vst.idx.add.f32.msk $0xffff, v13;
	v18 =	vmul.f32 v13, v18;
	v55 =	vmul.f32 $2.000000030e-01, v10  }
0x320: {  	v7 =	vmul.f32 v13, v7;
	v59 =	vld.idx.msk [tilespmem:v54+s3+$0x0], $0xffff;
	vm15 =	vge.f32 v10, $0.0e+00  }
0x321: {  	v58 =	vadd.s32 $0x5000, v34;
	[tilespmem:v6+s23+$0x0] =	vst.idx.add.f32.msk $0xffff, v18;
	v57 =	vsel vm15, v10, v55  }
0x322: {  	v60 =	vadd.s32 $0x7800, v34;
	[tilespmem:v6+s24+$0x0] =	vst.idx.add.f32.msk $0xffff, v7;
	v7 =	vsub.f32 v57, v1  }
0x323: {  	v2 =	vld.idx.msk [tilespmem:v56+s3+$0x0], $0xffff  }
0x324: {  	v7 =	vmul.f32 $1.442695020e+00, v7;
	_ =	sdelay $0x1  }
0x325: {  	v63 =	vld.idx.msk [tilespmem:v58+s3+$0x0], $0xffff;
	v3 =	vadd.s32 $0x5000, v9;
	(erf) = vpow2.f32 v7  }
0x326: {  	v4 =	vld.idx.msk [tilespmem:v60+s3+$0x0], $0xffff;
	v62 =	vmul.f32 v48, v59;
	v61 =	vadd.s32 $0x7800, v9  }
0x327: {  	[tilespmem:v8+s22+$0x0] =	vst.idx.add.f32.msk $0xffff, v48;
	v2 =	vmul.f32 v48, v2  }
0x328: {  	[tilespmem:v8+s23+$0x0] =	vst.idx.add.f32.msk $0xffff, v62  }
0x329: {  	[tilespmem:v8+s24+$0x0] =	vst.idx.add.f32.msk $0xffff, v2  }
0x32a: {  	v2 =	vmul.f32 v47, v63;
	v3 =	vld.idx.msk [tilespmem:v3+s3+$0x0], $0xffff  }
0x32b: {  	v6 =	vld.idx.msk [tilespmem:v61+s3+$0x0], $0xffff;
	_ =	sdelay $0x1  }
0x32c: {  	[tilespmem:v32+s22+$0x0] =	vst.idx.add.f32.msk $0xffff, v47;
	v4 =	vmul.f32 v47, v4  }
.Ltmp4:
0x32d: {  	[tilespmem:v32+s23+$0x0] =	vst.idx.add.f32.msk $0xffff, v2;
	v2 =	vpop (erf);
	(pc) =	sbr.rel @p0 .LBB2_7-.Ltmp4, $4  }
0x32e: {  	[tilespmem:v32+s24+$0x0] =	vst.idx.add.f32.msk $0xffff, v4;
	v3 =	vmul.f32 v2, v3  }
0x32f: {  	[tilespmem:v5+s22+$0x0] =	vst.idx.add.f32.msk $0xffff, v2;
	v2 =	vmul.f32 v2, v6  }
0x330: {  	[tilespmem:v5+s23+$0x0] =	vst.idx.add.f32.msk $0xffff, v3  }
0x331: {  	[tilespmem:v5+s24+$0x0] =	vst.idx.add.f32.msk $0xffff, v2  }
0x332: {  	v2 =	vld [tilespmem:$0xEF00]  }
0x333: {  	v3 =	vld [tilespmem:$0xEE80];
	_ =	sdelay $0x3  }
0x334: {  	v4 =	vadd.s32 $0x2800, v2;
	_ =	sdelay $0x3  }
0x335: {  	v5 =	vld.idx.msk [tilespmem:v3+s3+$0x0], $0xffff  }
0x336: {  	v4 =	vld.idx.msk [tilespmem:v4+s3+$0x0], $0xffff;
	_ =	sdelay $0x4  }
0x337: {  	v4 =	vadd.f32 v4, v5;
	_ =	sdelay $0x1  }
0x338: {  	v5 =	vmul.f32 $2.000000030e-01, v4  }
0x339: {  	vm0 =	vge.f32 v4, $0.0e+00  }
0x33a: {  	v4 =	vsel vm0, v4, v5  }
0x33b: {  	v4 =	vsub.f32 v4, v1;
	_ =	sdelay $0x1  }
0x33c: {  	v4 =	vmul.f32 $1.442695020e+00, v4;
	_ =	sdelay $0x1  }
0x33d: {  	v27 =	vadd.s32 $0x5000, v3;
	(erf) = vpow2.f32 v4  }
0x33e: {  	v3 =	vadd.s32 $0x7800, v3;
	_ =	sdelay $0x3  }
0x33f: {  	v28 =	vld.idx.msk [tilespmem:v27+s3+$0x0], $0xffff  }
0x340: {  	v3 =	vld.idx.msk [tilespmem:v3+s3+$0x0], $0xffff;
	_ =	sdelay $0x2  }
0x341: {  	v29 =	vpop (erf)  }
0x342: {  	v4 =	vmul.f32 v29, v28  }
0x343: {  	[tilespmem:v2+s22+$0x0] =	vst.idx.add.f32.msk $0xffff, v29;
	v3 =	vmul.f32 v29, v3  }
0x344: {  	[tilespmem:v2+s23+$0x0] =	vst.idx.add.f32.msk $0xffff, v4  }
0x345: {  	[tilespmem:v2+s24+$0x0] =	vst.idx.add.f32.msk $0xffff, v3  }
0x346: {  	v2 =	vld [tilespmem:$0xEF10]  }
0x347: {  	v3 =	vld [tilespmem:$0xEE90];
	_ =	sdelay $0x3  }
0x348: {  	v30 =	vadd.s32 $0x2800, v2;
	_ =	sdelay $0x3  }
0x349: {  	v31 =	vld.idx.msk [tilespmem:v3+s3+$0x0], $0xffff  }
0x34a: {  	v4 =	vld.idx.msk [tilespmem:v30+s3+$0x0], $0xffff;
	_ =	sdelay $0x4  }
0x34b: {  	v4 =	vadd.f32 v4, v31;
	_ =	sdelay $0x1  }
0x34c: {  	v5 =	vmul.f32 $2.000000030e-01, v4  }
0x34d: {  	vm9 =	vge.f32 v4, $0.0e+00  }
0x34e: {  	v4 =	vsel vm9, v4, v5  }
0x34f: {  	v4 =	vsub.f32 v4, v1;
	_ =	sdelay $0x1  }
0x350: {  	v4 =	vmul.f32 $1.442695020e+00, v4;
	_ =	sdelay $0x1  }
0x351: {  	v32 =	vadd.s32 $0x5000, v3;
	(erf) = vpow2.f32 v4  }
0x352: {  	v3 =	vadd.s32 $0x7800, v3;
	_ =	sdelay $0x3  }
0x353: {  	v33 =	vld.idx.msk [tilespmem:v32+s3+$0x0], $0xffff  }
0x354: {  	v3 =	vld.idx.msk [tilespmem:v3+s3+$0x0], $0xffff;
	_ =	sdelay $0x2  }
0x355: {  	v34 =	vpop (erf)  }
0x356: {  	v4 =	vmul.f32 v34, v33  }
0x357: {  	[tilespmem:v2+s22+$0x0] =	vst.idx.add.f32.msk $0xffff, v34;
	v3 =	vmul.f32 v34, v3  }
0x358: {  	[tilespmem:v2+s23+$0x0] =	vst.idx.add.f32.msk $0xffff, v4  }
0x359: {  	[tilespmem:v2+s24+$0x0] =	vst.idx.add.f32.msk $0xffff, v3  }
0x35a: {  	v2 =	vld [tilespmem:$0xEF20]  }
0x35b: {  	v3 =	vld [tilespmem:$0xEEA0];
	_ =	sdelay $0x3  }
0x35c: {  	v35 =	vadd.s32 $0x2800, v2;
	_ =	sdelay $0x3  }
0x35d: {  	v36 =	vld.idx.msk [tilespmem:v3+s3+$0x0], $0xffff  }
0x35e: {  	v4 =	vld.idx.msk [tilespmem:v35+s3+$0x0], $0xffff;
	_ =	sdelay $0x4  }
0x35f: {  	v4 =	vadd.f32 v4, v36;
	_ =	sdelay $0x1  }
0x360: {  	v5 =	vmul.f32 $2.000000030e-01, v4  }
0x361: {  	vm10 =	vge.f32 v4, $0.0e+00  }
0x362: {  	v4 =	vsel vm10, v4, v5  }
0x363: {  	v4 =	vsub.f32 v4, v1;
	_ =	sdelay $0x1  }
0x364: {  	v4 =	vmul.f32 $1.442695020e+00, v4;
	_ =	sdelay $0x1  }
0x365: {  	v37 =	vadd.s32 $0x5000, v3;
	(erf) = vpow2.f32 v4  }
0x366: {  	v3 =	vadd.s32 $0x7800, v3;
	_ =	sdelay $0x3  }
0x367: {  	v38 =	vld.idx.msk [tilespmem:v37+s3+$0x0], $0xffff  }
0x368: {  	v3 =	vld.idx.msk [tilespmem:v3+s3+$0x0], $0xffff;
	_ =	sdelay $0x2  }
0x369: {  	v39 =	vpop (erf)  }
0x36a: {  	v4 =	vmul.f32 v39, v38  }
0x36b: {  	[tilespmem:v2+s22+$0x0] =	vst.idx.add.f32.msk $0xffff, v39;
	v3 =	vmul.f32 v39, v3  }
0x36c: {  	[tilespmem:v2+s23+$0x0] =	vst.idx.add.f32.msk $0xffff, v4  }
0x36d: {  	[tilespmem:v2+s24+$0x0] =	vst.idx.add.f32.msk $0xffff, v3  }
0x36e: {  	v2 =	vld [tilespmem:$0xEF30]  }
0x36f: {  	v3 =	vld [tilespmem:$0xEEB0];
	_ =	sdelay $0x3  }
0x370: {  	v40 =	vadd.s32 $0x2800, v2;
	_ =	sdelay $0x3  }
0x371: {  	v41 =	vld.idx.msk [tilespmem:v3+s3+$0x0], $0xffff  }
0x372: {  	v4 =	vld.idx.msk [tilespmem:v40+s3+$0x0], $0xffff;
	_ =	sdelay $0x4  }
0x373: {  	v4 =	vadd.f32 v4, v41;
	_ =	sdelay $0x1  }
0x374: {  	v5 =	vmul.f32 $2.000000030e-01, v4  }
0x375: {  	vm11 =	vge.f32 v4, $0.0e+00  }
0x376: {  	v4 =	vsel vm11, v4, v5  }
0x377: {  	v4 =	vsub.f32 v4, v1;
	_ =	sdelay $0x1  }
0x378: {  	v4 =	vmul.f32 $1.442695020e+00, v4;
	_ =	sdelay $0x1  }
0x379: {  	v42 =	vadd.s32 $0x5000, v3;
	(erf) = vpow2.f32 v4  }
0x37a: {  	v3 =	vadd.s32 $0x7800, v3;
	_ =	sdelay $0x3  }
0x37b: {  	v43 =	vld.idx.msk [tilespmem:v42+s3+$0x0], $0xffff  }
0x37c: {  	v3 =	vld.idx.msk [tilespmem:v3+s3+$0x0], $0xffff;
	_ =	sdelay $0x2  }
0x37d: {  	v44 =	vpop (erf)  }
0x37e: {  	v4 =	vmul.f32 v44, v43  }
0x37f: {  	[tilespmem:v2+s22+$0x0] =	vst.idx.add.f32.msk $0xffff, v44;
	v3 =	vmul.f32 v44, v3  }
0x380: {  	[tilespmem:v2+s23+$0x0] =	vst.idx.add.f32.msk $0xffff, v4  }
0x381: {  	[tilespmem:v2+s24+$0x0] =	vst.idx.add.f32.msk $0xffff, v3  }
0x382: {  	v2 =	vld [tilespmem:$0xEF40]  }
0x383: {  	v3 =	vld [tilespmem:$0xEEC0];
	_ =	sdelay $0x3  }
0x384: {  	v45 =	vadd.s32 $0x2800, v2;
	_ =	sdelay $0x3  }
0x385: {  	v46 =	vld.idx.msk [tilespmem:v3+s3+$0x0], $0xffff  }
0x386: {  	v4 =	vld.idx.msk [tilespmem:v45+s3+$0x0], $0xffff;
	_ =	sdelay $0x4  }
0x387: {  	v4 =	vadd.f32 v4, v46;
	_ =	sdelay $0x1  }
0x388: {  	v5 =	vmul.f32 $2.000000030e-01, v4  }
0x389: {  	vm12 =	vge.f32 v4, $0.0e+00  }
0x38a: {  	v4 =	vsel vm12, v4, v5  }
0x38b: {  	v4 =	vsub.f32 v4, v1;
	_ =	sdelay $0x1  }
0x38c: {  	v4 =	vmul.f32 $1.442695020e+00, v4;
	_ =	sdelay $0x1  }
0x38d: {  	v47 =	vadd.s32 $0x5000, v3;
	(erf) = vpow2.f32 v4  }
0x38e: {  	v3 =	vadd.s32 $0x7800, v3;
	_ =	sdelay $0x3  }
0x38f: {  	v48 =	vld.idx.msk [tilespmem:v47+s3+$0x0], $0xffff  }
0x390: {  	v3 =	vld.idx.msk [tilespmem:v3+s3+$0x0], $0xffff;
	_ =	sdelay $0x2  }
0x391: {  	v49 =	vpop (erf)  }
0x392: {  	v4 =	vmul.f32 v49, v48  }
0x393: {  	[tilespmem:v2+s22+$0x0] =	vst.idx.add.f32.msk $0xffff, v49;
	v3 =	vmul.f32 v49, v3  }
0x394: {  	[tilespmem:v2+s23+$0x0] =	vst.idx.add.f32.msk $0xffff, v4  }
0x395: {  	[tilespmem:v2+s24+$0x0] =	vst.idx.add.f32.msk $0xffff, v3  }
0x396: {  	v2 =	vld [tilespmem:$0xEF50]  }
0x397: {  	v3 =	vld [tilespmem:$0xEED0];
	_ =	sdelay $0x3  }
0x398: {  	v50 =	vadd.s32 $0x2800, v2;
	_ =	sdelay $0x3  }
0x399: {  	v51 =	vld.idx.msk [tilespmem:v3+s3+$0x0], $0xffff  }
0x39a: {  	v4 =	vld.idx.msk [tilespmem:v50+s3+$0x0], $0xffff;
	_ =	sdelay $0x4  }
0x39b: {  	v4 =	vadd.f32 v4, v51;
	_ =	sdelay $0x1  }
0x39c: {  	v5 =	vmul.f32 $2.000000030e-01, v4  }
0x39d: {  	vm13 =	vge.f32 v4, $0.0e+00  }
0x39e: {  	v4 =	vsel vm13, v4, v5  }
0x39f: {  	v4 =	vsub.f32 v4, v1;
	_ =	sdelay $0x1  }
0x3a0: {  	v4 =	vmul.f32 $1.442695020e+00, v4;
	_ =	sdelay $0x1  }
0x3a1: {  	v52 =	vadd.s32 $0x5000, v3;
	(erf) = vpow2.f32 v4  }
0x3a2: {  	v3 =	vadd.s32 $0x7800, v3;
	_ =	sdelay $0x3  }
0x3a3: {  	v53 =	vld.idx.msk [tilespmem:v52+s3+$0x0], $0xffff  }
0x3a4: {  	v3 =	vld.idx.msk [tilespmem:v3+s3+$0x0], $0xffff;
	_ =	sdelay $0x2  }
0x3a5: {  	v54 =	vpop (erf)  }
0x3a6: {  	v4 =	vmul.f32 v54, v53  }
0x3a7: {  	[tilespmem:v2+s22+$0x0] =	vst.idx.add.f32.msk $0xffff, v54;
	v3 =	vmul.f32 v54, v3  }
0x3a8: {  	[tilespmem:v2+s23+$0x0] =	vst.idx.add.f32.msk $0xffff, v4  }
0x3a9: {  	[tilespmem:v2+s24+$0x0] =	vst.idx.add.f32.msk $0xffff, v3  }
0x3aa: {  	v2 =	vld [tilespmem:$0xEF60]  }
0x3ab: {  	v3 =	vld [tilespmem:$0xEEE0];
	_ =	sdelay $0x3  }
0x3ac: {  	v55 =	vadd.s32 $0x2800, v2;
	_ =	sdelay $0x3  }
0x3ad: {  	v56 =	vld.idx.msk [tilespmem:v3+s3+$0x0], $0xffff  }
0x3ae: {  	v4 =	vld.idx.msk [tilespmem:v55+s3+$0x0], $0xffff;
	_ =	sdelay $0x4  }
0x3af: {  	v4 =	vadd.f32 v4, v56;
	_ =	sdelay $0x1  }
0x3b0: {  	v5 =	vmul.f32 $2.000000030e-01, v4  }
0x3b1: {  	vm14 =	vge.f32 v4, $0.0e+00  }
0x3b2: {  	v4 =	vsel vm14, v4, v5  }
0x3b3: {  	v4 =	vsub.f32 v4, v1;
	_ =	sdelay $0x1  }
0x3b4: {  	v4 =	vmul.f32 $1.442695020e+00, v4;
	_ =	sdelay $0x1  }
0x3b5: {  	v57 =	vadd.s32 $0x5000, v3;
	(erf) = vpow2.f32 v4  }
0x3b6: {  	v3 =	vadd.s32 $0x7800, v3;
	_ =	sdelay $0x3  }
0x3b7: {  	v58 =	vld.idx.msk [tilespmem:v57+s3+$0x0], $0xffff  }
0x3b8: {  	v3 =	vld.idx.msk [tilespmem:v3+s3+$0x0], $0xffff;
	_ =	sdelay $0x2  }
0x3b9: {  	v59 =	vpop (erf)  }
0x3ba: {  	v4 =	vmul.f32 v59, v58  }
0x3bb: {  	[tilespmem:v2+s22+$0x0] =	vst.idx.add.f32.msk $0xffff, v59;
	v3 =	vmul.f32 v59, v3  }
0x3bc: {  	[tilespmem:v2+s23+$0x0] =	vst.idx.add.f32.msk $0xffff, v4  }
0x3bd: {  	[tilespmem:v2+s24+$0x0] =	vst.idx.add.f32.msk $0xffff, v3  }
0x3be: {  	v2 =	vld [tilespmem:$0xEF70]  }
0x3bf: {  	v3 =	vld [tilespmem:$0xEEF0];
	_ =	sdelay $0x3  }
0x3c0: {  	v60 =	vadd.s32 $0x2800, v2;
	_ =	sdelay $0x3  }
0x3c1: {  	v61 =	vld.idx.msk [tilespmem:v3+s3+$0x0], $0xffff  }
0x3c2: {  	v4 =	vld.idx.msk [tilespmem:v60+s3+$0x0], $0xffff;
	_ =	sdelay $0x4  }
0x3c3: {  	v4 =	vadd.f32 v4, v61;
	_ =	sdelay $0x1  }
0x3c4: {  	v5 =	vmul.f32 $2.000000030e-01, v4  }
0x3c5: {  	vm15 =	vge.f32 v4, $0.0e+00  }
0x3c6: {  	v4 =	vsel vm15, v4, v5  }
0x3c7: {  	v1 =	vsub.f32 v4, v1;
	_ =	sdelay $0x1  }
0x3c8: {  	v1 =	vmul.f32 $1.442695020e+00, v1;
	_ =	sdelay $0x1  }
0x3c9: {  	v62 =	vadd.s32 $0x5000, v3;
	(erf) = vpow2.f32 v1  }
0x3ca: {  	v1 =	vadd.s32 $0x7800, v3;
	_ =	sdelay $0x3  }
0x3cb: {  	v3 =	vld.idx.msk [tilespmem:v62+s3+$0x0], $0xffff  }
0x3cc: {  	v1 =	vld.idx.msk [tilespmem:v1+s3+$0x0], $0xffff;
	_ =	sdelay $0x2  }
.Ltmp5:
0x3cd: {  	v63 =	vpop (erf);
	(pc) =	sbr.rel .LBB2_7-.Ltmp5, $4  }
0x3ce: {  	v3 =	vmul.f32 v63, v3  }
0x3cf: {  	[tilespmem:v2+s22+$0x0] =	vst.idx.add.f32.msk $0xffff, v63;
	v1 =	vmul.f32 v63, v1  }
0x3d0: {  	[tilespmem:v2+s23+$0x0] =	vst.idx.add.f32.msk $0xffff, v3  }
0x3d1: {  	[tilespmem:v2+s24+$0x0] =	vst.idx.add.f32.msk $0xffff, v1  }
.LBB2_8:
0x3d2: {  	_ =	sfence.sel $0x180000  }
0x3d3: {  	[bflag:$0x0] =	sbarrier.arrive $0xFFFF  }
0x3d4: {  	_ =	strace $0x90000047  }
0x3d5: {  	[bflag:$0x2] =	sbarrier.arrive $0xFFFF  }
0x3d6: {  	p0 =	sne.s32 s0, $0x0;
	s0 =	rddreg [dreg:$0x3]  }
0x3d7: {  	s0 =	sadd.s32 @!p0 $0x100000, s0  }
0x3d8: {  	[sflag:s0] =	ssyncadd.tile.s32 @!p0 $0x1;
	_ =	shalt  }
.Lfunc_end2:
_tile_overlayer_lowered:
.L_overlay_start_2:
0x3d9: {  	(tag) =	ssettag $0x2  }
0x3da: {  	s0 =	rddreg [dreg:$0x0];
	s2 =	stileid.u32  }
0x3db: {  	s1 =	rddreg [dreg:$0x1];
	p0 =	sne.s32 s2, $0x0  }
0x3dc: {  	s3 =	rddreg [dreg:$0x2];
	[bflag:$0x3] =	sbarrier.arrive $0xFFFF;
	s2 =	simm.s32 @!p0 $0x1C02  }
0x3dd: {  	[timem:s3], [sflag:s2] =	dma.local @!p0 [hbm:s0], s1  }
0x3de: {  	s0 =	simm.s32 @!p0 $0x2  }
0x3df: {  	_ =	swait.ge @!p0 [sflag:s0], s1  }
0x3e0: {  	s1 =	ssub.s32 @!p0 $0x0, s1;
	[sflag:s0] =	ssyncset.done @!p0 $0x0  }
0x3e1: {  	[sflag:s0] =	ssyncadd.s32 @!p0 s1  }
0x3e2: {  	[bflag:$0x3] =	sbarrier.arrive $0xFFFF  }
0x3e3: {  	_ =	shalt  }

// kernel: kernel.8.cloned.1.call-start
scs
__scs_entry_jumppad:
0x0: {  	(pc) =	sbr.rel $0x88, $3  }
0x1: {  	(tag) =	ssettag $0x0;
	lr =	simm.s32 $0x1  }
0x2: {  	[smem:$0x3F9A] =	sst lr;
	_ =	strace $0xD0000000  }
0x3: {  	_ = 	snop  }
0x4: {  	_ = 	snop  }
0x5: {  	_ = 	snop  }
0x6: {  	_ = 	snop  }
0x7: {  	_ = 	snop  }
__scs_overlays_trampoline_lowered:
0x8: {  	[smem:$0x3FA9] =	sst s0  }
0x9: {  	[smem:$0x3FAA] =	sst s1  }
0xa: {  	[smem:$0x3FAB] =	sst s2  }
0xb: {  	[smem:$0x3FAC] =	sst s3  }
0xc: {  	[smem:$0x3FAD] =	sst s4  }
0xd: {  	[smem:$0x3FAE] =	sst s5  }
0xe: {  	[smem:$0x3FAF] =	sst s6  }
0xf: {  	[smem:$0x3FB0] =	sst s7  }
0x10: {  	[smem:$0x3FB1] =	sst s8  }
0x11: {  	[smem:$0x3FB2] =	sst s9;
	s0 =	simm.s32 @!p0 $0x0  }
0x12: {  	s1 =	sld [smem:$0x3F98];
	s0 =	simm.s32 @p0 $0x1  }
0x13: {  	[smem:$0x3FB3] =	sst s0;
	s0 =	simm.s32 @!p1 $0x0  }
0x14: {  	s2 =	sld [smem:$0x3F97];
	s0 =	simm.s32 @p1 $0x1  }
0x15: {  	[smem:$0x3FB4] =	sst s0;
	s0 =	simm.s32 @!p2 $0x0  }
0x16: {  	s3 =	sld [smem:$0x3FDB];
	s0 =	simm.s32 @p2 $0x1  }
0x17: {  	s4 =	simm.s32 $0x1BF5;
	[smem:$0x3FB6] =	sst s0  }
0x18: {  	s0 =	sld [smem:$0x3F99];
	_ =	swait.ge [sflag:s4], $0x0  }
0x19: {  	s7 =	sld [smem:$0x3F9A]  }
0x1a: {  	s8 =	sadd.s32 $0xFFFFE003, lr  }
0x1b: {  	s9 =	sadd.s32 $0xFFFFFEF7, lr;
	s5 =	simm.s32 $0xFFFFFFFF;
	p2 =	slt.u32 s8, $0xFFFFF086  }
0x1c: {  	p1 =	slt.u32 s9, $0xF7A;
	s5 =	simm.s32 @!p2 $0x0  }
0x1d: {  	s5 =	simm.s32 @p1 $0x1;
	p0 =	seq.s32 s7, s2  }
0x1e: {  	s7 =	smul.u32 @!p0 $0xF7A, s2;
	p2 =	seq.s32 @!p0 s5, $0x0  }
0x1f: {  	s9 =	smul.u32 $0xF7A, s1;
	s8 =	simm.s32 @!p0 $0x1BF5;
	p2 =	por !p2, p0  }
0x20: {  	[sflag:s8] =	ssyncset.s32 @!p0 $0xFFFFF086;
	s6 =	sadd.s32 @!p0 s3, s7;
	s7 =	simm.s32 @!p0 $0x108  }
0x21: {  	s3 =	sadd.s32 s3, s9;
	s6 =	sadd.s32 @!p0 $0x88, s6;
	s7 =	simm.s32 @p2 $0x1082  }
0x22: {  	[simem:s7], [sflag:s8] =	dma.local @!p0 [hbm:s6], $0xF7A  }
0x23: {  	s9 =	sor.u32 $0xD0000000, s2;
	s6 =	simm.s32 $0x108;
	_ =	swait.ge @!p0 [sflag:s8], $0x0  }
0x24: {  	s3 =	sadd.s32 $0x88, s3;
	s6 =	simm.s32 @!p1 $0x1082;
	[sflag:s4] =	ssyncset.s32 $0xFFFFF086  }
0x25: {  	[simem:s6], [sflag:s4] =	dma.local [hbm:s3], $0xF7A  }
0x26: {  	[smem:$0x3F9A] =	sst s1;
	(tag) =	ssettag s2;
	_ =	strace s9  }
0x27: {  	s1 =	sld [smem:$0x3FAA]  }
0x28: {  	s2 =	sld [smem:$0x3FAB]  }
0x29: {  	s4 =	sld [smem:$0x3FAD]  }
0x2a: {  	p0 =	seq.s32 s5, $0x0;
	s5 =	sld [smem:$0x3FAE]  }
0x2b: {  	s6 =	sld [smem:$0x3FAF]  }
0x2c: {  	s7 =	sld [smem:$0x3FB0]  }
0x2d: {  	s3 =	simm.s32 $0x108;
	s8 =	sld [smem:$0x3FB1]  }
0x2e: {  	s3 =	simm.s32 @!p0 $0x1082;
	s9 =	sld [smem:$0x3FB2]  }
0x2f: {  	lr =	sadd.s32 s0, s3;
	s0 =	sld [smem:$0x3FA9]  }
0x30: {  	s3 =	sld [smem:$0x3FAC]  }
0x31: {  	[smem:$0x3FB5] =	sst s10  }
0x32: {  	s10 =	sld [smem:$0x3FB3];
	_ =	sdelay $0x3  }
0x33: {  	p0 =	seq.s32 s10, $0x1;
	s10 =	sld [smem:$0x3FB5];
	_ =	sdelay $0x3  }
0x34: {  	[smem:$0x3FB5] =	sst s10  }
0x35: {  	s10 =	sld [smem:$0x3FB4];
	_ =	sdelay $0x3  }
0x36: {  	p1 =	seq.s32 s10, $0x1;
	s10 =	sld [smem:$0x3FB5];
	_ =	sdelay $0x3  }
0x37: {  	[smem:$0x3FB5] =	sst s10  }
0x38: {  	s10 =	sld [smem:$0x3FB6]  }
0x39: {  	_ = 	snop;
	(pc) =	sbr.ind lr, $3  }
0x3a: {  	_ = 	snop  }
0x3b: {  	_ = 	snop  }
0x3c: {  	p2 =	seq.s32 s10, $0x1;
	s10 =	sld [smem:$0x3FB5]  }
0x3d: {  	_ =	shalt  }
0x3e: {  	_ =	shalt  }
0x3f: {  	_ =	shalt  }
0x40: {  	_ =	shalt  }
0x41: {  	_ =	shalt  }
0x42: {  	_ =	shalt  }
0x43: {  	_ =	shalt  }
0x44: {  	_ =	shalt  }
0x45: {  	_ =	shalt  }
0x46: {  	_ =	shalt  }
0x47: {  	_ =	shalt  }
0x48: {  	_ =	shalt  }
0x49: {  	_ =	shalt  }
0x4a: {  	_ =	shalt  }
0x4b: {  	_ =	shalt  }
0x4c: {  	_ =	shalt  }
0x4d: {  	_ =	shalt  }
0x4e: {  	_ =	shalt  }
0x4f: {  	_ =	shalt  }
0x50: {  	_ =	shalt  }
0x51: {  	_ =	shalt  }
0x52: {  	_ =	shalt  }
0x53: {  	_ =	shalt  }
0x54: {  	_ =	shalt  }
0x55: {  	_ =	shalt  }
0x56: {  	_ =	shalt  }
0x57: {  	_ =	shalt  }
0x58: {  	_ =	shalt  }
0x59: {  	_ =	shalt  }
0x5a: {  	_ =	shalt  }
0x5b: {  	_ =	shalt  }
0x5c: {  	_ =	shalt  }
0x5d: {  	_ =	shalt  }
0x5e: {  	_ =	shalt  }
0x5f: {  	_ =	shalt  }
0x60: {  	_ =	shalt  }
0x61: {  	_ =	shalt  }
0x62: {  	_ =	shalt  }
0x63: {  	_ =	shalt  }
0x64: {  	_ =	shalt  }
0x65: {  	_ =	shalt  }
0x66: {  	_ =	shalt  }
0x67: {  	_ =	shalt  }
0x68: {  	_ =	shalt  }
0x69: {  	_ =	shalt  }
0x6a: {  	_ =	shalt  }
0x6b: {  	_ =	shalt  }
0x6c: {  	_ =	shalt  }
0x6d: {  	_ =	shalt  }
0x6e: {  	_ =	shalt  }
0x6f: {  	_ =	shalt  }
0x70: {  	_ =	shalt  }
0x71: {  	_ =	shalt  }
0x72: {  	_ =	shalt  }
0x73: {  	_ =	shalt  }
0x74: {  	_ =	shalt  }
0x75: {  	_ =	shalt  }
0x76: {  	_ =	shalt  }
0x77: {  	_ =	shalt  }
0x78: {  	_ =	shalt  }
0x79: {  	_ =	shalt  }
0x7a: {  	_ =	shalt  }
0x7b: {  	_ =	shalt  }
0x7c: {  	_ =	shalt  }
0x7d: {  	_ =	shalt  }
0x7e: {  	_ =	shalt  }
0x7f: {  	_ =	shalt  }
0x80: {  	_ =	shalt  }
0x81: {  	_ =	shalt  }
0x82: {  	_ =	shalt  }
0x83: {  	_ =	shalt  }
0x84: {  	_ =	shalt  }
0x85: {  	_ =	shalt  }
0x86: {  	_ =	shalt  }
0x87: {  	_ =	shalt  }
.Lfunc_end0:
.L_simem_size_0:
called_computation.1_lowered:
.L_overlay_start_0:
0x88: {  	s2 =	sld [smem:$0x3FD9]  }
0x89: {  	s3 =	sld [smem:$0x3FFE];
	_ =	sdelay $0x1  }
0x8a: {  	s1 =	srdreg.scid  }
0x8b: {  	s0 =	sand.u32 $0x1, s1  }
0x8c: {  	s17 =	sshll.u32 s0, $0xA;
	s2 =	sadd.s32 s3, s2  }
0x8d: {  	s2 =	sadd.s32 s2, s17  }
0x8e: {  	[smem:$0x3FC1] =	sst s2  }
0x8f: {  	_ = 	snop  }
0x90: {  	s2 =	sld [smem:$0x3FD0];
	(tm) =	ssettm $0x1  }
0x91: {  	s18 =	sld [smem:$0x3FFB];
	_ =	sdelay $0x3  }
0x92: {  	_ =	strace s18  }
0x93: {  	s3 =	sld [smem:$0x3FFC];
	_ =	sdelay $0x3  }
0x94: {  	_ =	strace s3  }
0x95: {  	s3 =	sld [smem:$0x3FFD];
	_ =	sdelay $0x3  }
0x96: {  	_ =	strace s3  }
0x97: {  	_ =	strace $0x8FFFFFFF  }
0x98: {  	s19 =	sld [smem:$0x3FDB];
	_ =	sdelay $0x1  }
0x99: {  	s4 =	simm.s32 $_scs_section_size  }
0x9a: {  	s5 =	simm.s32 $_size__tile_overlayer_lowered;
	s6 =	simm.s32 $_tile_overlayer_lowered  }
0x9b: {  	s22 =	simm.s32 $0x1BFF;
	s21 =	sshll.u32 s6, $0x1;
	s3 =	sadd.s32 s4, s19  }
0x9c: {  	s7 =	simm.s32 $0x0;
	s20 =	sshll.u32 s5, $0x1;
	s5 =	sadd.s32 s21, s3  }
0x9d: {  	[timem:s7], [sflag:s22] =	dma.local [hbm:s5], s20  }
0x9e: {  	_ =	swait.ge [sflag:s22], s20  }
0x9f: {  	s4 =	ssub.s32 $0x0, s20;
	[sflag:s22] =	ssyncset.done $0x0  }
0xa0: {  	[sflag:s22] =	ssyncadd.s32 s4;
	_ =	sdelay $0x1  }
0xa1: {  	s23 =	simm.s32 $0x1B8B  }
0xa2: {  	_ =	swait.ge [sflag:s23], $0x1  }
0xa3: {  	[sflag:s23] =	ssyncset.done $0x0  }
0xa4: {  	s25 =	simm.s32 $0x1B8E;
	s24 =	sld [smem:$0x3FFE];
	[sflag:s23] =	ssyncadd.s32 $0xFFFFFFFF  }
0xa5: {  	s26 =	simm.s32 $execute0_lowered;
	[smem:$0x3FD2] =	sst s25  }
0xa6: {  	s5 =	sshll.u32 s26, $0x1;
	_ =	strace $0x80000049;
	[dreg:$0x1] =	wrdreg $0xFFFFFFFF  }
0xa7: {  	s28 =	simm.s32 $_size_execute0_lowered;
	s3 =	sadd.s32 s3, s5;
	[dreg:$0x0] =	wrdreg $0x0  }
0xa8: {  	s5 =	sshll.u32 s28, $0x1;
	[dreg:$0x2] =	wrdreg s3  }
0xa9: {  	[dreg:$0x3] =	wrdreg s5  }
0xaa: {  	[dreg:$0x4] =	wrdreg $0xC0  }
0xab: {  	_ =	task [dreg:s7], $0x5FFFF  }
0xac: {  	[dreg:$0x1] =	wrdreg $0xFFFFFFFF  }
0xad: {  	[dreg:$0x0] =	wrdreg $0x60  }
0xae: {  	[dreg:$0x2] =	wrdreg s24  }
0xaf: {  	[dreg:$0x3] =	wrdreg s2  }
0xb0: {  	[dreg:$0x4] =	wrdreg $0x9  }
0xb1: {  	_ =	task.clear_ibuf [dreg:s7], $0x5FFFF;
	_ =	strace $0x90000049  }
0xb2: {  	s29 =	simm.s32 $0x9;
	_ =	strace $0x8000004B  }
0xb3: {  	_ =	swait.ge [sflag:s29], $0x1  }
0xb4: {  	[sflag:s29] =	ssyncadd.s32 $0xFFFFFFFF  }
0xb5: {  	_ =	strace $0x9000004B  }
0xb6: {  	_ =	sfence  }
0xb7: {  	s30 =	sld [smem:$0x0];
	_ =	sdelay $0x2  }
0xb8: {  	s31 =	sshll.u32 s1, $0xD;
	s1 =	sshrl.u32 s1, $0x2  }
0xb9: {  	s3 =	sand.u32 $0x4000, s31;
	s1 =	sadd.s32 s1, s30  }
0xba: {  	s0 =	sor.u32 s3, s0;
	s1 =	sshll.u32 s1, $0x11  }
0xbb: {  	s0 =	sor.u32 s1, s0  }
0xbc: {  	s0 =	sadd.s32 $0x8F2B, s0  }
0xbd: {  	[sflag:s0] =	ssyncadd.remote.s32 $0x1  }
0xbe: {  	_ =	sfence.sel $0xFFFF  }
0xbf: {  	[dreg:$0x0] =	wrdreg $0xFFFFFFFF;
	(pc) =	sbr.abs _section_cstart, $3  }
0xc0: {  	[dreg:$0x1] =	wrdreg $0xFFFFFFFF  }
0xc1: {  	_ =	task.clear_ibuf [dreg:s7], $0x2FFFF;
	_ =	strace $0x9FFFFFFF  }
0xc2: {  	(tm) =	ssettm $0x7FFFFFFF  }
0xc3: {  	_ =	shalt  }
tec
execute0_lowered:
.L_overlay_start_1:
0x0: {  	(tag) =	ssettag $0x1  }
0x1: {  	s1 =	srdreg.scid;
	s3 =	rddreg [dreg:$0x0]  }
0x2: {  	s0 =	stileid.u32;
	s8 =	rddreg [dreg:$0x1]  }
0x3: {  	s2 =	simm.s32 $0x0;
	s11 =	simm.s32 $0x14000;
	s12 =	simm.s32 $0x1  }
0x4: {  	s13 =	simm.s32 $0x5000;
	s4 =	sand.u32 $0x1, s1;
	s1 =	rddreg [dreg:$0x2]  }
0x5: {  	s15 =	simm.s32 $0xF000;
	s30 =	sshll.u32 s0, $0x1;
	[smem:$0x7FF] =	sst s2  }
0x6: {  	s7 =	sadd.s32 $0x960, s8;
	s14 =	sor.u32 s4, s30;
	s4 =	ssub.s32 $0x2, s4  }
0x7: {  	_ =	strace $0x8000004A;
	s5 =	smul.u32 $0x280, s14;
	s31 =	sshrl.u32 s4, $0x1  }
0x8: {  	p0 =	seq.s32 s14, $0xF;
	s10 =	smul.u32 $0xA0, s14;
	p1 =	sgt.u32 s14, $0xE  }
.Ltmp0:
0x9: {  	s9 =	ssub.s32 s4, s31;
	p2 =	sne.s32 @p1 s14, $0xF;
	(pc) =	sbr.rel .LBB2_1-.Ltmp0, $4  }
0xa: {  	v0 =	vlaneseq.u32;
	s14 =	simm.s32 $0xA000;
	s6 =	sadd.s32 s5, s3;
	s5 =	simm.s32 $0x190  }
0xb: {  	v0 =	vmul.u32 $0x2, v0;
	s8 =	sadd.s32 s8, s10;
	s9 =	smax.u32 s9, $0x1;
	s10 =	simm.s32 $0x1400  }
0xc: {  	p2 =	por p2, !p1;
	s3 =	sadd.s32 $0x4600, s6;
	s4 =	sadd.s32 $0xE600, s6  }
0xd: {  	v1 =	vor.u32 $0x1, v0;
	s6 =	sadd.s32 $0x18600, s6;
	s5 =	simm.s32 @!p0 $0x280;
	p0 =	sgt.u32 s0, $0x7  }
.LBB2_3:
0xe: {  	s19 =	simm.s32 $0x0  }
.LBB2_8:
0xf: {  	v2 =	vadd.f32 v15, v18;
	v3 =	vld [tilespmem:s18+$0x8F80]  }
0x10: {  	v4 =	vadd.f32 v14, v17;
	v5 =	vld [tilespmem:s18+$0xDF80]  }
0x11: {  	v2 =	vadd.f32 v10, v2  }
0x12: {  	v4 =	vadd.f32 v11, v4  }
0x13: {  	v2 =	vadd.f32 v13, v2  }
0x14: {  	v3 =	vadd.f32 v3, v4  }
0x15: {  	v61 =	vpop (erf);
	v2 =	vadd.f32 v5, v2  }
0x16: {  	v3 =	vmul.f32 v61, v3  }
0x17: {  	v2 =	vmul.f32 v61, v2  }
0x18: {  	v3 =	vadd.f32 v3, v3  }
0x19: {  	v2 =	vadd.f32 v2, v2  }
0x1a: {  	v3 =	vmul.f32 $1.442695020e+00, v3  }
0x1b: {  	v2 =	vmul.f32 $1.442695020e+00, v2  }
0x1c: {  	(erf) = vpow2.f32 v3  }
0x1d: {  	(erf) = vpow2.f32 v2;
	_ =	sdelay $0x7  }
0x1e: {  	v2 =	vpop (erf)  }
0x1f: {  	v2 =	vadd.f32 $1.000000000e+00, v2;
	v3 =	vpop (erf)  }
0x20: {  	v3 =	vadd.f32 $1.000000000e+00, v3  }
0x21: {  	(erf) = vrcp.f32 v2  }
0x22: {  	(erf) = vrcp.f32 v3;
	_ =	sdelay $0x5  }
0x23: {  	s17 =	sadd.s32 @p3 $0x20, s19  }
0x24: {  	s16 =	smov.u32 @p3 s17  }
0x25: {  	v2 =	vor.u32 s16, v0;
	v3 =	vpop (erf)  }
0x26: {  	v62 =	vor.u32 s16, v1;
	v3 =	vadd.f32 v3, v3;
	v63 =	vpop (erf)  }
0x27: {  	v5 =	vadd.f32 v63, v63  }
0x28: {  	v3 =	vsub.f32 $1.000000000e+00, v3  }
0x29: {  	v5 =	vsub.f32 $1.000000000e+00, v5  }
0x2a: {  	[tilespmem:v2+s15+$0x0] =	vst.idx.msk $0xffff, v3  }
0x2b: {  	[tilespmem:v62+s15+$0x0] =	vst.idx.msk $0xffff, v5  }
.LBB2_9:
0x2c: {  	s16 =	simm.s32 @!p2 $0x0;
	s17 =	simm.s32 @!p2 $0xF000  }
0x2d: {  	[hbm4b:s7+s16] =	stream.linear.scatter @!p2 [tilespmem:s17], [sflag:$0x1], $0x320, $0x38;
	[tilespmem:$0xF500] =	vst v63  }
0x2e: {  	s16 =	simm.s32 @!p2 $0x1  }
0x2f: {  	_ =	swait.ge @!p2 [sflag:s16], $0x320  }
0x30: {  	s2 =	sadd.s32 $0x1, s2;
	s17 =	simm.s32 @!p1 $0xF000;
	[sflag:s16] =	ssyncset.done @!p2 $0x0  }
0x31: {  	p3 =	sne.s32 s2, s9;
	[sflag:s16] =	ssyncadd.s32 @!p2 $0xFFFFFCE0;
	s16 =	simm.s32 @!p1 $0x0  }
0x32: {  	[hbm4b:s8+s16] =	stream.linear.scatter @!p1 [tilespmem:s17], [sflag:$0x1], $0x500, $0x38;
	[tilespmem:$0xF500] =	vst v63  }
.Ltmp1:
0x33: {  	_ = 	snop;
	(pc) =	sbr.rel @!p3 .LBB2_10-.Ltmp1, $4  }
0x34: {  	s16 =	simm.s32 @!p1 $0x1  }
0x35: {  	_ =	swait.ge @!p1 [sflag:s16], $0x500  }
0x36: {  	[sflag:s16] =	ssyncset.done @!p1 $0x0  }
0x37: {  	[sflag:s16] =	ssyncadd.s32 @!p1 $0xFFFFFB00  }
.LBB2_1:
.Ltmp2:
0x38: {  	(pc) =	sbr.rel @p0 .LBB2_9-.Ltmp2, $1  }
0x39: {  	_ =	sdelay $0x3  }
0x3a: {  	s16 =	simm.s32 $0x0  }
0x3b: {  	[tilespmem:s16], [sflag:$0x1] =	stream.strided.gather [hbm4b:s3+s10], $0x5000, s11, s10, $0x38;
	[tilespmem:$0xF500] =	vst v63  }
0x3c: {  	_ =	swait.ge [sflag:s12], $0x5000  }
0x3d: {  	[sflag:s12] =	ssyncset.done $0x0  }
0x3e: {  	[sflag:s12] =	ssyncadd.s32 $0xFFFFB000  }
0x3f: {  	[tilespmem:s13], [sflag:$0x1] =	stream.strided.gather [hbm4b:s4+s10], $0x5000, s11, s10, $0x38;
	[tilespmem:$0xF500] =	vst v63  }
0x40: {  	_ =	swait.ge [sflag:s12], $0x5000  }
0x41: {  	[sflag:s12] =	ssyncset.done $0x0  }
0x42: {  	[sflag:s12] =	ssyncadd.s32 $0xFFFFB000  }
0x43: {  	[tilespmem:s14], [sflag:$0x1] =	stream.strided.gather [hbm4b:s6+s10], $0x5000, s11, s10, $0x38;
	[tilespmem:$0xF500] =	vst v63  }
0x44: {  	_ =	swait.ge [sflag:s12], $0x5000  }
0x45: {  	s17 =	sand.u32 $0x70, s16;
	s18 =	sand.u32 $0xFFFFFC00, s16;
	[sflag:s12] =	ssyncset.done $0x0  }
0x46: {  	s18 =	sor.u32 s17, s18;
	[sflag:s12] =	ssyncadd.s32 $0xFFFFB000  }
0x47: {  	v2 =	vld [tilespmem:s18+$0x8C80]  }
0x48: {  	v3 =	vld [tilespmem:s18+$0x8C00]  }
0x49: {  	v4 =	vld [tilespmem:s18+$0x7B80]  }
0x4a: {  	v5 =	vld [tilespmem:s18+$0x7B00]  }
0x4b: {  	v6 =	vld [tilespmem:s18+$0x7A80]  }
0x4c: {  	v7 =	vld [tilespmem:s18+$0x7A00]  }
0x4d: {  	v8 =	vld [tilespmem:s18+$0x7980]  }
0x4e: {  	v9 =	vld [tilespmem:s18+$0x7900]  }
0x4f: {  	v10 =	vld [tilespmem:s18+$0x7880]  }
0x50: {  	v11 =	vld [tilespmem:s18+$0x7800]  }
0x51: {  	v12 =	vld [tilespmem:s18+$0x6780]  }
0x52: {  	v13 =	vld [tilespmem:s18+$0x6700]  }
0x53: {  	v14 =	vld [tilespmem:s18+$0x6680]  }
0x54: {  	v15 =	vld [tilespmem:s18+$0x6600]  }
0x55: {  	v16 =	vld [tilespmem:s18+$0x6580]  }
0x56: {  	v17 =	vld [tilespmem:s18+$0x6500]  }
0x57: {  	v18 =	vld [tilespmem:s18+$0x6480]  }
0x58: {  	v19 =	vld [tilespmem:s18+$0x6400]  }
0x59: {  	v20 =	vld [tilespmem:s18+$0x1680]  }
0x5a: {  	v21 =	vld [tilespmem:s18+$0x5300]  }
0x5b: {  	v22 =	vld [tilespmem:s18+$0x5280]  }
0x5c: {  	v23 =	vld [tilespmem:s18+$0x0]  }
0x5d: {  	v24 =	vld [tilespmem:s18+$0x80]  }
0x5e: {  	v25 =	vld [tilespmem:s18+$0x5200]  }
0x5f: {  	v26 =	vld [tilespmem:s18+$0x100]  }
0x60: {  	v27 =	vld [tilespmem:s18+$0x5180]  }
0x61: {  	v28 =	vld [tilespmem:s18+$0x180]  }
0x62: {  	v29 =	vld [tilespmem:s18+$0x5100];
	v23 =	vadd.f32 v24, v23  }
0x63: {  	v60 =	vld [tilespmem:s18+$0x200]  }
0x64: {  	v30 =	vld [tilespmem:s18+$0x5000];
	v23 =	vadd.f32 v26, v23  }
0x65: {  	s31 =	sand.u32 $0x7, s16;
	v61 =	vld [tilespmem:s18+$0x280]  }
0x66: {  	s17 =	sshll.u32 s31, $0x4;
	v31 =	vld [tilespmem:s18+$0xA000];
	v23 =	vadd.f32 v28, v23  }
0x67: {  	s17 =	sadd.s32 $0x0, s17;
	v62 =	vld [tilespmem:s18+$0x300]  }
0x68: {  	s17 =	sor.u32 $0x380, s17;
	v32 =	vld [tilespmem:s18+$0x5080];
	v23 =	vadd.f32 v60, v23  }
0x69: {  	v63 =	vld [tilespmem:s17+$0x0]  }
0x6a: {  	v33 =	vld [tilespmem:s18+$0xA080];
	v23 =	vadd.f32 v61, v23  }
0x6b: {  	v36 =	vld [tilespmem:s18+$0x1400]  }
0x6c: {  	v34 =	vld [tilespmem:s18+$0xA100];
	v23 =	vadd.f32 v62, v23  }
0x6d: {  	v37 =	vld [tilespmem:s18+$0x1480]  }
0x6e: {  	v38 =	vld [tilespmem:s18+$0xA180];
	v30 =	vadd.f32 v32, v30;
	v23 =	vadd.f32 v63, v23  }
0x6f: {  	v39 =	vld [tilespmem:s18+$0x1500];
	v31 =	vadd.f32 v33, v31  }
0x70: {  	v40 =	vld [tilespmem:s18+$0xA200];
	v29 =	vadd.f32 v29, v30;
	v23 =	vadd.f32 v36, v23  }
0x71: {  	v41 =	vld [tilespmem:s18+$0x1580];
	v31 =	vadd.f32 v34, v31  }
0x72: {  	v42 =	vld [tilespmem:s18+$0xA280];
	v27 =	vadd.f32 v27, v29;
	v23 =	vadd.f32 v37, v23  }
0x73: {  	v43 =	vld [tilespmem:s18+$0x1600];
	v31 =	vadd.f32 v38, v31  }
0x74: {  	v44 =	vld [tilespmem:s18+$0xA300];
	v25 =	vadd.f32 v25, v27;
	v23 =	vadd.f32 v39, v23  }
0x75: {  	v45 =	vld [tilespmem:s17+$0x5000];
	v30 =	vadd.f32 v40, v31  }
0x76: {  	v46 =	vld [tilespmem:s17+$0xA000];
	v22 =	vadd.f32 v22, v25;
	v23 =	vadd.f32 v41, v23  }
0x77: {  	v47 =	vld [tilespmem:s18+$0x1700];
	v29 =	vadd.f32 v42, v30  }
0x78: {  	v48 =	vld [tilespmem:s18+$0xB400];
	v21 =	vadd.f32 v21, v22;
	v23 =	vadd.f32 v43, v23  }
0x79: {  	v49 =	vld [tilespmem:s18+$0x1780];
	v27 =	vadd.f32 v44, v29  }
0x7a: {  	v50 =	vld [tilespmem:s18+$0xB480];
	v21 =	vadd.f32 v45, v21;
	v20 =	vadd.f32 v20, v23  }
0x7b: {  	v51 =	vld [tilespmem:s18+$0x2800];
	v25 =	vadd.f32 v46, v27  }
0x7c: {  	v52 =	vld [tilespmem:s18+$0xB500];
	v19 =	vadd.f32 v19, v21;
	v20 =	vadd.f32 v47, v20  }
0x7d: {  	v53 =	vld [tilespmem:s18+$0x2880];
	v22 =	vadd.f32 v48, v25  }
0x7e: {  	v18 =	vadd.f32 v18, v19;
	v19 =	vld [tilespmem:s18+$0xB580];
	v20 =	vadd.f32 v49, v20  }
0x7f: {  	v54 =	vld [tilespmem:s18+$0x2900];
	v22 =	vadd.f32 v50, v22  }
0x80: {  	v17 =	vadd.f32 v17, v18;
	v18 =	vld [tilespmem:s18+$0xB600];
	v20 =	vadd.f32 v51, v20  }
0x81: {  	v55 =	vld [tilespmem:s18+$0x2980];
	v21 =	vadd.f32 v52, v22  }
0x82: {  	v16 =	vadd.f32 v16, v17;
	v17 =	vld [tilespmem:s18+$0xB680];
	v20 =	vadd.f32 v53, v20  }
0x83: {  	v56 =	vld [tilespmem:s18+$0x2A00];
	v19 =	vadd.f32 v19, v21  }
0x84: {  	v15 =	vadd.f32 v15, v16;
	v16 =	vld [tilespmem:s18+$0xB700];
	v20 =	vadd.f32 v54, v20  }
0x85: {  	v57 =	vld [tilespmem:s18+$0x2A80];
	v18 =	vadd.f32 v18, v19  }
0x86: {  	v14 =	vadd.f32 v14, v15;
	v15 =	vld [tilespmem:s18+$0xB780];
	v19 =	vadd.f32 v55, v20  }
0x87: {  	v17 =	vadd.f32 v17, v18;
	v20 =	vld [tilespmem:s18+$0x2B00]  }
0x88: {  	v13 =	vadd.f32 v13, v14;
	v14 =	vld [tilespmem:s18+$0xC800];
	v18 =	vadd.f32 v56, v19  }
0x89: {  	v16 =	vadd.f32 v16, v17;
	v19 =	vld [tilespmem:s18+$0x2B80]  }
0x8a: {  	v12 =	vadd.f32 v12, v13;
	v13 =	vld [tilespmem:s18+$0xC880];
	v17 =	vadd.f32 v57, v18  }
0x8b: {  	v15 =	vadd.f32 v15, v16;
	v18 =	vld [tilespmem:s18+$0x3C00]  }
0x8c: {  	v11 =	vadd.f32 v11, v12;
	v12 =	vld [tilespmem:s18+$0xC900];
	v16 =	vadd.f32 v20, v17  }
0x8d: {  	v14 =	vadd.f32 v14, v15;
	v17 =	vld [tilespmem:s18+$0x3C80]  }
0x8e: {  	v10 =	vadd.f32 v10, v11;
	v11 =	vld [tilespmem:s18+$0xC980];
	v15 =	vadd.f32 v19, v16  }
0x8f: {  	v13 =	vadd.f32 v13, v14;
	v16 =	vld [tilespmem:s18+$0x3D00]  }
0x90: {  	v9 =	vadd.f32 v9, v10;
	v10 =	vld [tilespmem:s18+$0xCA00];
	v14 =	vadd.f32 v18, v15  }
0x91: {  	v12 =	vadd.f32 v12, v13;
	v15 =	vld [tilespmem:s18+$0x3D80]  }
0x92: {  	v8 =	vadd.f32 v8, v9;
	v9 =	vld [tilespmem:s18+$0xCA80];
	v13 =	vadd.f32 v17, v14  }
0x93: {  	v11 =	vadd.f32 v11, v12;
	v14 =	vld [tilespmem:s18+$0x3E00]  }
0x94: {  	v7 =	vadd.f32 v7, v8;
	v8 =	vld [tilespmem:s18+$0xCB00];
	v12 =	vadd.f32 v16, v13  }
0x95: {  	v10 =	vadd.f32 v10, v11;
	v13 =	vld [tilespmem:s18+$0x3E80]  }
0x96: {  	v58 =	vld [tilespmem:s18+$0xCB80];
	v6 =	vadd.f32 v6, v7;
	v11 =	vadd.f32 v15, v12  }
0x97: {  	v9 =	vadd.f32 v9, v10;
	v12 =	vld [tilespmem:s18+$0x3F00]  }
0x98: {  	v59 =	vld [tilespmem:s18+$0xDC00];
	v5 =	vadd.f32 v5, v6;
	v10 =	vadd.f32 v14, v11  }
0x99: {  	v8 =	vadd.f32 v8, v9;
	v11 =	vld [tilespmem:s18+$0x3F80]  }
0x9a: {  	v60 =	vld [tilespmem:s18+$0xDC80];
	v4 =	vadd.f32 v4, v5;
	v9 =	vadd.f32 v13, v10  }
0x9b: {  	v7 =	vadd.f32 v58, v8;
	v10 =	vld [tilespmem:s18+$0x8D00]  }
0x9c: {  	v61 =	vld [tilespmem:s18+$0xDD00];
	v3 =	vadd.f32 v3, v4;
	v8 =	vadd.f32 v12, v9  }
0x9d: {  	v6 =	vadd.f32 v59, v7;
	v9 =	vld [tilespmem:s18+$0x8D80]  }
0x9e: {  	v2 =	vadd.f32 v2, v3;
	v3 =	vld [tilespmem:s18+$0xDD80];
	v62 =	vadd.f32 v11, v8  }
0x9f: {  	p4 =	sne.s32 s5, $0x10;
	v5 =	vadd.f32 v60, v6;
	v8 =	vld [tilespmem:s18+$0x8E00]  }
.Ltmp3:
0xa0: {  	v15 =	vld [tilespmem:s18+$0xDE00];
	v2 =	vadd.f32 v10, v2;
	v63 =	vadd.f32 $1.000000020e-16, v62;
	(pc) =	sbr.rel @!p4 .LBB2_3-.Ltmp3, $4  }
0xa1: {  	v4 =	vadd.f32 v61, v5;
	v14 =	vld [tilespmem:s18+$0x8E80]  }
0xa2: {  	v10 =	vld [tilespmem:s18+$0xDE80];
	v2 =	vadd.f32 v9, v2;
	(erf) = vrcp.f32 v63  }
0xa3: {  	v18 =	vadd.f32 v3, v4;
	v11 =	vld [tilespmem:s18+$0x8F00]  }
0xa4: {  	s19 =	simm.s32 $0x80;
	p3 =	por $0x0, $0x0;
	s17 =	simm.s32 $0x10;
	v13 =	vld [tilespmem:s18+$0xDF00];
	v17 =	vadd.f32 v8, v2  }
0xa5: {  	s17 =	sand.u32 $0x70, s17;
	s19 =	sand.u32 $0xFFFFFC00, s19;
	v19 =	vld [tilespmem:s18+$0x8F80]  }
0xa6: {  	v20 =	vld [tilespmem:s18+$0xDF80];
	s17 =	sor.u32 s17, s19  }
0xa7: {  	v2 =	vld [tilespmem:s17+$0x8C80]  }
0xa8: {  	v3 =	vld [tilespmem:s17+$0x8C00]  }
0xa9: {  	v4 =	vld [tilespmem:s17+$0x7B80]  }
0xaa: {  	v5 =	vld [tilespmem:s17+$0x7B00]  }
0xab: {  	v6 =	vld [tilespmem:s17+$0x7A80]  }
0xac: {  	v7 =	vld [tilespmem:s17+$0x7A00]  }
0xad: {  	v8 =	vld [tilespmem:s17+$0x7980]  }
0xae: {  	v9 =	vld [tilespmem:s17+$0x7900]  }
0xaf: {  	v12 =	vld [tilespmem:s17+$0x7880]  }
0xb0: {  	v16 =	vld [tilespmem:s17+$0x7800]  }
0xb1: {  	v21 =	vld [tilespmem:s17+$0x6780]  }
0xb2: {  	v22 =	vld [tilespmem:s17+$0x6700]  }
0xb3: {  	v23 =	vld [tilespmem:s17+$0x6680]  }
0xb4: {  	v24 =	vld [tilespmem:s17+$0x6600]  }
0xb5: {  	v25 =	vld [tilespmem:s17+$0x6580]  }
0xb6: {  	v26 =	vld [tilespmem:s17+$0x6500]  }
0xb7: {  	v27 =	vld [tilespmem:s17+$0x6480]  }
0xb8: {  	v28 =	vld [tilespmem:s17+$0x6400]  }
0xb9: {  	v29 =	vld [tilespmem:s17+$0x1680]  }
0xba: {  	v30 =	vld [tilespmem:s17+$0x5300]  }
0xbb: {  	v31 =	vld [tilespmem:s17+$0x5280]  }
0xbc: {  	v32 =	vld [tilespmem:s17+$0x0]  }
0xbd: {  	v33 =	vld [tilespmem:s17+$0x80]  }
0xbe: {  	v34 =	vld [tilespmem:s17+$0x5200]  }
0xbf: {  	v35 =	vld [tilespmem:s17+$0x100]  }
0xc0: {  	v36 =	vld [tilespmem:s17+$0x5180]  }
0xc1: {  	v37 =	vld [tilespmem:s17+$0x180]  }
0xc2: {  	v38 =	vld [tilespmem:s17+$0x5100];
	v32 =	vadd.f32 v33, v32  }
0xc3: {  	v54 =	vld [tilespmem:s17+$0x200]  }
0xc4: {  	s18 =	simm.s32 $0x1;
	v39 =	vld [tilespmem:s17+$0x5000];
	v32 =	vadd.f32 v35, v32  }
0xc5: {  	s31 =	sand.u32 $0x7, s18;
	v55 =	vld [tilespmem:s17+$0x280]  }
0xc6: {  	s19 =	sshll.u32 s31, $0x4;
	v40 =	vld [tilespmem:s17+$0xA000];
	v32 =	vadd.f32 v37, v32  }
0xc7: {  	v56 =	vld [tilespmem:s17+$0x300];
	s19 =	sadd.s32 $0x80, s19  }
0xc8: {  	v41 =	vld [tilespmem:s17+$0x5080];
	s19 =	sor.u32 $0x380, s19;
	v32 =	vadd.f32 v54, v32  }
0xc9: {  	v57 =	vld [tilespmem:s19+$0x0]  }
0xca: {  	v42 =	vld [tilespmem:s17+$0xA080];
	v32 =	vadd.f32 v55, v32  }
0xcb: {  	v58 =	vld [tilespmem:s17+$0x1400]  }
0xcc: {  	v43 =	vld [tilespmem:s17+$0xA100];
	v32 =	vadd.f32 v56, v32  }
0xcd: {  	v59 =	vld [tilespmem:s17+$0x1480]  }
0xce: {  	v60 =	vld [tilespmem:s17+$0xA180];
	v39 =	vadd.f32 v41, v39;
	v32 =	vadd.f32 v57, v32  }
0xcf: {  	v61 =	vld [tilespmem:s17+$0x1500];
	v40 =	vadd.f32 v42, v40  }
0xd0: {  	v62 =	vld [tilespmem:s17+$0xA200];
	v38 =	vadd.f32 v38, v39;
	v32 =	vadd.f32 v58, v32  }
0xd1: {  	v15 =	vadd.f32 v15, v18;
	v63 =	vld [tilespmem:s17+$0x1580];
	v40 =	vadd.f32 v43, v40  }
0xd2: {  	v44 =	vld [tilespmem:s17+$0xA280];
	v36 =	vadd.f32 v36, v38;
	v18 =	vadd.f32 v59, v32  }
0xd3: {  	v14 =	vadd.f32 v14, v17;
	v45 =	vld [tilespmem:s17+$0x1600];
	v46 =	vadd.f32 v60, v40  }
0xd4: {  	v47 =	vld [tilespmem:s17+$0xA300];
	v34 =	vadd.f32 v34, v36;
	v17 =	vadd.f32 v61, v18  }
0xd5: {  	v10 =	vadd.f32 v10, v15;
	v48 =	vadd.f32 v62, v46;
	v18 =	vld [tilespmem:s19+$0x5000]  }
0xd6: {  	v49 =	vld [tilespmem:s19+$0xA000];
	v31 =	vadd.f32 v31, v34;
	v15 =	vadd.f32 v63, v17  }
0xd7: {  	v11 =	vadd.f32 v11, v14;
	v33 =	vadd.f32 v44, v48;
	v17 =	vld [tilespmem:s17+$0x1700]  }
0xd8: {  	v50 =	vld [tilespmem:s17+$0xB400];
	v30 =	vadd.f32 v30, v31;
	v14 =	vadd.f32 v45, v15  }
0xd9: {  	v10 =	vadd.f32 v13, v10;
	v51 =	vadd.f32 v47, v33;
	v15 =	vld [tilespmem:s17+$0x1780]  }
0xda: {  	v52 =	vld [tilespmem:s17+$0xB480];
	v18 =	vadd.f32 v18, v30;
	v13 =	vadd.f32 v29, v14  }
0xdb: {  	v11 =	vadd.f32 v19, v11;
	v53 =	vadd.f32 v49, v51;
	v14 =	vld [tilespmem:s17+$0x2800]  }
0xdc: {  	v19 =	vpop (erf);
	v54 =	vld [tilespmem:s17+$0xB500];
	v18 =	vadd.f32 v28, v18;
	v13 =	vadd.f32 v17, v13  }
0xdd: {  	v10 =	vadd.f32 v20, v10;
	v11 =	vmul.f32 v19, v11;
	v29 =	vadd.f32 v50, v53;
	v17 =	vld [tilespmem:s17+$0x2880]  }
0xde: {  	v55 =	vld [tilespmem:s17+$0xB580];
	v18 =	vadd.f32 v27, v18;
	v13 =	vadd.f32 v15, v13  }
0xdf: {  	v10 =	vmul.f32 v19, v10;
	v11 =	vadd.f32 v11, v11;
	v20 =	vadd.f32 v52, v29;
	v15 =	vld [tilespmem:s17+$0x2900]  }
0xe0: {  	v56 =	vld [tilespmem:s17+$0xB600];
	v18 =	vadd.f32 v26, v18;
	v13 =	vadd.f32 v14, v13  }
0xe1: {  	v10 =	vadd.f32 v10, v10;
	v19 =	vadd.f32 v54, v20;
	v14 =	vld [tilespmem:s17+$0x2980]  }
0xe2: {  	v11 =	vmul.f32 $1.442695020e+00, v11;
	v20 =	vld [tilespmem:s17+$0xB680];
	v18 =	vadd.f32 v25, v18;
	v13 =	vadd.f32 v17, v13  }
0xe3: {  	v10 =	vmul.f32 $1.442695020e+00, v10;
	v19 =	vadd.f32 v55, v19;
	v17 =	vld [tilespmem:s17+$0x2A00]  }
0xe4: {  	(erf) = vpow2.f32 v11;
	v57 =	vld [tilespmem:s17+$0xB700];
	v18 =	vadd.f32 v24, v18;
	v11 =	vadd.f32 v15, v13  }
0xe5: {  	v13 =	vld [tilespmem:s17+$0x2A80];
	v15 =	vadd.f32 v56, v19  }
0xe6: {  	(erf) = vpow2.f32 v10;
	v19 =	vld [tilespmem:s17+$0xB780];
	v18 =	vadd.f32 v23, v18;
	v10 =	vadd.f32 v14, v11  }
0xe7: {  	v11 =	vld [tilespmem:s17+$0x2B00];
	v14 =	vadd.f32 v20, v15  }
0xe8: {  	v15 =	vadd.f32 v22, v18;
	v18 =	vld [tilespmem:s17+$0xC800];
	v10 =	vadd.f32 v17, v10  }
0xe9: {  	v17 =	vld [tilespmem:s17+$0x2B80];
	v14 =	vadd.f32 v57, v14  }
0xea: {  	v20 =	vld [tilespmem:s17+$0xC880];
	v15 =	vadd.f32 v21, v15;
	v10 =	vadd.f32 v13, v10  }
0xeb: {  	v13 =	vld [tilespmem:s17+$0x3C00];
	v14 =	vadd.f32 v19, v14  }
0xec: {  	v15 =	vadd.f32 v16, v15;
	v16 =	vld [tilespmem:s17+$0xC900];
	v10 =	vadd.f32 v11, v10  }
0xed: {  	v11 =	vld [tilespmem:s17+$0x3C80];
	v14 =	vadd.f32 v18, v14  }
0xee: {  	v19 =	vpop (erf);
	v12 =	vadd.f32 v12, v15;
	v15 =	vld [tilespmem:s17+$0xC980];
	v10 =	vadd.f32 v17, v10  }
0xef: {  	v18 =	vadd.f32 $1.000000000e+00, v19;
	v17 =	vld [tilespmem:s17+$0x3D00];
	v14 =	vadd.f32 v20, v14  }
0xf0: {  	v19 =	vpop (erf);
	v9 =	vadd.f32 v9, v12;
	v12 =	vld [tilespmem:s17+$0xCA00];
	v10 =	vadd.f32 v13, v10  }
0xf1: {  	v19 =	vadd.f32 $1.000000000e+00, v19;
	(erf) = vrcp.f32 v18;
	v13 =	vld [tilespmem:s17+$0x3D80];
	v14 =	vadd.f32 v16, v14  }
0xf2: {  	v8 =	vadd.f32 v8, v9;
	v9 =	vld [tilespmem:s17+$0xCA80];
	v10 =	vadd.f32 v11, v10  }
0xf3: {  	(erf) = vrcp.f32 v19;
	v11 =	vld [tilespmem:s17+$0x3E00];
	v14 =	vadd.f32 v15, v14  }
0xf4: {  	v7 =	vadd.f32 v7, v8;
	v8 =	vld [tilespmem:s17+$0xCB00];
	v10 =	vadd.f32 v17, v10  }
0xf5: {  	v15 =	vld [tilespmem:s17+$0x3E80];
	v12 =	vadd.f32 v12, v14  }
0xf6: {  	v58 =	vld [tilespmem:s17+$0xCB80];
	v6 =	vadd.f32 v6, v7;
	v10 =	vadd.f32 v13, v10  }
0xf7: {  	v13 =	vld [tilespmem:s17+$0x3F00];
	v9 =	vadd.f32 v9, v12  }
0xf8: {  	v59 =	vld [tilespmem:s17+$0xDC00];
	v5 =	vadd.f32 v5, v6;
	v10 =	vadd.f32 v11, v10  }
0xf9: {  	v11 =	vld [tilespmem:s17+$0x3F80];
	v8 =	vadd.f32 v8, v9  }
0xfa: {  	v60 =	vld [tilespmem:s17+$0xDC80];
	v12 =	vpop (erf);
	v4 =	vadd.f32 v4, v5;
	v10 =	vadd.f32 v15, v10  }
0xfb: {  	v9 =	vadd.f32 v12, v12;
	v12 =	vld [tilespmem:s17+$0x8D00];
	v7 =	vadd.f32 v58, v8  }
0xfc: {  	v61 =	vld [tilespmem:s17+$0xDD00];
	v14 =	vpop (erf);
	v3 =	vadd.f32 v3, v4;
	v10 =	vadd.f32 v13, v10  }
0xfd: {  	v8 =	vadd.f32 v14, v14;
	v13 =	vld [tilespmem:s17+$0x8D80];
	v6 =	vadd.f32 v59, v7  }
0xfe: {  	v16 =	vor.u32 s16, v0;
	v2 =	vadd.f32 v2, v3;
	v3 =	vld [tilespmem:s17+$0xDD80];
	v10 =	vadd.f32 v11, v10  }
0xff: {  	p4 =	sne.s32 s5, $0x20;
	v62 =	vor.u32 s16, v1;
	v17 =	vld [tilespmem:s17+$0x8E00];
	v63 =	vsub.f32 $1.000000000e+00, v8;
	v5 =	vadd.f32 v60, v6  }
.Ltmp4:
0x100: {  	v15 =	vld [tilespmem:s17+$0xDE00];
	v2 =	vadd.f32 v12, v2;
	v8 =	vadd.f32 $1.000000020e-16, v10;
	(pc) =	sbr.rel @!p4 .LBB2_5-.Ltmp4, $4  }
0x101: {  	v14 =	vld [tilespmem:s17+$0x8E80];
	v9 =	vsub.f32 $1.000000000e+00, v9;
	v4 =	vadd.f32 v61, v5  }
0x102: {  	v10 =	vld [tilespmem:s17+$0xDE80];
	v2 =	vadd.f32 v13, v2;
	(erf) = vrcp.f32 v8  }
0x103: {  	s20 =	simm.s32 $0x20;
	[tilespmem:v16+s15+$0x0] =	vst.idx.msk $0xffff, v9;
	v11 =	vld [tilespmem:s17+$0x8F00];
	v18 =	vadd.f32 v3, v4  }
0x104: {  	s21 =	simm.s32 $0x100;
	p3 =	por $0x1, $0x1;
	s19 =	simm.s32 $0x0;
	[tilespmem:v62+s15+$0x0] =	vst.idx.msk $0xffff, v63;
	v13 =	vld [tilespmem:s17+$0xDF00];
	v17 =	vadd.f32 v17, v2  }
.LBB2_6:
0x105: {  	s22 =	sand.u32 $0x70, s20;
	s23 =	sand.u32 $0xFFFFFC00, s21;
	v3 =	vadd.f32 v15, v18;
	v6 =	vld [tilespmem:s17+$0x8F80]  }
0x106: {  	v4 =	vadd.f32 v14, v17;
	v7 =	vld [tilespmem:s17+$0xDF80];
	s17 =	sor.u32 s22, s23  }
0x107: {  	v2 =	vld [tilespmem:s17+$0x8C80];
	v5 =	vadd.f32 v10, v3  }
0x108: {  	v3 =	vld [tilespmem:s17+$0x8C00];
	v8 =	vadd.f32 v11, v4  }
0x109: {  	v4 =	vld [tilespmem:s17+$0x7B80];
	v9 =	vadd.f32 v13, v5  }
0x10a: {  	v5 =	vld [tilespmem:s17+$0x7B00];
	v8 =	vadd.f32 v6, v8  }
0x10b: {  	v6 =	vld [tilespmem:s17+$0x7A80];
	v9 =	vadd.f32 v7, v9;
	v10 =	vpop (erf)  }
0x10c: {  	v7 =	vld [tilespmem:s17+$0x7A00];
	v11 =	vmul.f32 v10, v8  }
0x10d: {  	v8 =	vld [tilespmem:s17+$0x7980];
	v12 =	vmul.f32 v10, v9  }
0x10e: {  	v9 =	vld [tilespmem:s17+$0x7900];
	v13 =	vadd.f32 v11, v11  }
0x10f: {  	v10 =	vld [tilespmem:s17+$0x7880];
	v14 =	vadd.f32 v12, v12  }
0x110: {  	v11 =	vld [tilespmem:s17+$0x7800];
	v15 =	vmul.f32 $1.442695020e+00, v13  }
0x111: {  	v12 =	vld [tilespmem:s17+$0x6780];
	v16 =	vmul.f32 $1.442695020e+00, v14  }
0x112: {  	v13 =	vld [tilespmem:s17+$0x6700];
	(erf) = vpow2.f32 v15  }
0x113: {  	v14 =	vld [tilespmem:s17+$0x6680];
	(erf) = vpow2.f32 v16  }
0x114: {  	v15 =	vld [tilespmem:s17+$0x6600]  }
0x115: {  	v16 =	vld [tilespmem:s17+$0x6580]  }
0x116: {  	v17 =	vld [tilespmem:s17+$0x6500]  }
0x117: {  	v18 =	vld [tilespmem:s17+$0x6480]  }
0x118: {  	v19 =	vld [tilespmem:s17+$0x6400]  }
0x119: {  	v20 =	vld [tilespmem:s17+$0x1680]  }
0x11a: {  	v21 =	vld [tilespmem:s17+$0x5300]  }
0x11b: {  	v22 =	vld [tilespmem:s17+$0x5280];
	v23 =	vpop (erf)  }
0x11c: {  	s20 =	sadd.s32 $0x10, s20;
	v24 =	vld [tilespmem:s17+$0x0];
	v23 =	vadd.f32 $1.000000000e+00, v23;
	v25 =	vpop (erf)  }
0x11d: {  	p4 =	sne.s32 s5, s20;
	v26 =	vld [tilespmem:s17+$0x80];
	v25 =	vadd.f32 $1.000000000e+00, v25  }
0x11e: {  	v27 =	vld [tilespmem:s17+$0x5200];
	(erf) = vrcp.f32 v23  }
0x11f: {  	v23 =	vld [tilespmem:s17+$0x100];
	(erf) = vrcp.f32 v25  }
0x120: {  	v25 =	vld [tilespmem:s17+$0x5180]  }
0x121: {  	v28 =	vld [tilespmem:s17+$0x180]  }
0x122: {  	v24 =	vadd.f32 v26, v24;
	v26 =	vld [tilespmem:s17+$0x5100]  }
0x123: {  	v29 =	vld [tilespmem:s17+$0x200]  }
0x124: {  	s18 =	sadd.s32 $0x1, s18;
	v30 =	vld [tilespmem:s17+$0x5000];
	v23 =	vadd.f32 v23, v24  }
0x125: {  	s22 =	sand.u32 $0x7, s18;
	v24 =	vld [tilespmem:s17+$0x280]  }
0x126: {  	s19 =	sadd.s32 $0x20, s19;
	s22 =	sshll.u32 s22, $0x4;
	v31 =	vld [tilespmem:s17+$0xA000];
	v23 =	vadd.f32 v28, v23  }
0x127: {  	v32 =	vor.u32 s19, v0;
	s22 =	sadd.s32 s22, s21;
	v28 =	vld [tilespmem:s17+$0x300];
	v33 =	vpop (erf)  }
0x128: {  	s22 =	sor.u32 $0x380, s22;
	v34 =	vld [tilespmem:s17+$0x5080];
	v23 =	vadd.f32 v29, v23;
	v29 =	vadd.f32 v33, v33;
	v33 =	vor.u32 s19, v1;
	v35 =	vpop (erf)  }
0x129: {  	v36 =	vld [tilespmem:s22+$0x0];
	v35 =	vadd.f32 v35, v35  }
0x12a: {  	v37 =	vld [tilespmem:s17+$0xA080];
	v23 =	vadd.f32 v24, v23;
	v24 =	vsub.f32 $1.000000000e+00, v29  }
0x12b: {  	v29 =	vld [tilespmem:s17+$0x1400];
	v35 =	vsub.f32 $1.000000000e+00, v35  }
0x12c: {  	v38 =	vld [tilespmem:s17+$0xA100];
	v23 =	vadd.f32 v28, v23;
	[tilespmem:v32+s15+$0x0] =	vst.idx.msk $0xffff, v24  }
0x12d: {  	v24 =	vld [tilespmem:s17+$0x1480];
	[tilespmem:v33+s15+$0x0] =	vst.idx.msk $0xffff, v35  }
0x12e: {  	v28 =	vadd.f32 v34, v30;
	v30 =	vld [tilespmem:s17+$0xA180];
	v23 =	vadd.f32 v36, v23  }
0x12f: {  	v31 =	vadd.f32 v37, v31;
	v32 =	vld [tilespmem:s17+$0x1500]  }
0x130: {  	v26 =	vadd.f32 v26, v28;
	v28 =	vld [tilespmem:s17+$0xA200];
	v23 =	vadd.f32 v29, v23  }
0x131: {  	v29 =	vadd.f32 v38, v31;
	v31 =	vld [tilespmem:s17+$0x1580]  }
0x132: {  	v25 =	vadd.f32 v25, v26;
	v26 =	vld [tilespmem:s17+$0xA280];
	v23 =	vadd.f32 v24, v23  }
0x133: {  	v24 =	vadd.f32 v30, v29;
	v29 =	vld [tilespmem:s17+$0x1600]  }
0x134: {  	v25 =	vadd.f32 v27, v25;
	v27 =	vld [tilespmem:s17+$0xA300];
	v23 =	vadd.f32 v32, v23  }
0x135: {  	v24 =	vadd.f32 v28, v24;
	v28 =	vld [tilespmem:s22+$0x5000]  }
0x136: {  	v22 =	vadd.f32 v22, v25;
	v25 =	vld [tilespmem:s22+$0xA000];
	v23 =	vadd.f32 v31, v23  }
0x137: {  	v24 =	vadd.f32 v26, v24;
	v26 =	vld [tilespmem:s17+$0x1700]  }
0x138: {  	v21 =	vadd.f32 v21, v22;
	v22 =	vld [tilespmem:s17+$0xB400];
	v23 =	vadd.f32 v29, v23  }
0x139: {  	v24 =	vadd.f32 v27, v24;
	v27 =	vld [tilespmem:s17+$0x1780]  }
0x13a: {  	v21 =	vadd.f32 v28, v21;
	v28 =	vld [tilespmem:s17+$0xB480];
	v20 =	vadd.f32 v20, v23  }
0x13b: {  	v23 =	vadd.f32 v25, v24;
	v24 =	vld [tilespmem:s17+$0x2800]  }
0x13c: {  	v19 =	vadd.f32 v19, v21;
	v21 =	vld [tilespmem:s17+$0xB500];
	v20 =	vadd.f32 v26, v20  }
0x13d: {  	v22 =	vadd.f32 v22, v23;
	v23 =	vld [tilespmem:s17+$0x2880]  }
0x13e: {  	v18 =	vadd.f32 v18, v19;
	v19 =	vld [tilespmem:s17+$0xB580];
	v20 =	vadd.f32 v27, v20  }
0x13f: {  	v22 =	vadd.f32 v28, v22;
	v25 =	vld [tilespmem:s17+$0x2900]  }
0x140: {  	v17 =	vadd.f32 v17, v18;
	v18 =	vld [tilespmem:s17+$0xB600];
	v20 =	vadd.f32 v24, v20  }
0x141: {  	v21 =	vadd.f32 v21, v22;
	v22 =	vld [tilespmem:s17+$0x2980]  }
0x142: {  	v16 =	vadd.f32 v16, v17;
	v17 =	vld [tilespmem:s17+$0xB680];
	v20 =	vadd.f32 v23, v20  }
0x143: {  	v19 =	vadd.f32 v19, v21;
	v21 =	vld [tilespmem:s17+$0x2A00]  }
0x144: {  	v15 =	vadd.f32 v15, v16;
	v16 =	vld [tilespmem:s17+$0xB700];
	v20 =	vadd.f32 v25, v20  }
0x145: {  	v18 =	vadd.f32 v18, v19;
	v19 =	vld [tilespmem:s17+$0x2A80]  }
0x146: {  	v14 =	vadd.f32 v14, v15;
	v15 =	vld [tilespmem:s17+$0xB780];
	v20 =	vadd.f32 v22, v20  }
0x147: {  	v17 =	vadd.f32 v17, v18;
	v18 =	vld [tilespmem:s17+$0x2B00]  }
0x148: {  	v13 =	vadd.f32 v13, v14;
	v14 =	vld [tilespmem:s17+$0xC800];
	v20 =	vadd.f32 v21, v20  }
0x149: {  	v16 =	vadd.f32 v16, v17;
	v17 =	vld [tilespmem:s17+$0x2B80]  }
0x14a: {  	v12 =	vadd.f32 v12, v13;
	v13 =	vld [tilespmem:s17+$0xC880];
	v19 =	vadd.f32 v19, v20  }
0x14b: {  	v15 =	vadd.f32 v15, v16;
	v16 =	vld [tilespmem:s17+$0x3C00]  }
0x14c: {  	v11 =	vadd.f32 v11, v12;
	v12 =	vld [tilespmem:s17+$0xC900];
	v18 =	vadd.f32 v18, v19  }
0x14d: {  	v14 =	vadd.f32 v14, v15;
	v15 =	vld [tilespmem:s17+$0x3C80]  }
0x14e: {  	v10 =	vadd.f32 v10, v11;
	v11 =	vld [tilespmem:s17+$0xC980];
	v17 =	vadd.f32 v17, v18  }
0x14f: {  	v13 =	vadd.f32 v13, v14;
	v14 =	vld [tilespmem:s17+$0x3D00]  }
0x150: {  	v9 =	vadd.f32 v9, v10;
	v10 =	vld [tilespmem:s17+$0xCA00];
	v16 =	vadd.f32 v16, v17  }
0x151: {  	v12 =	vadd.f32 v12, v13;
	v13 =	vld [tilespmem:s17+$0x3D80]  }
0x152: {  	v8 =	vadd.f32 v8, v9;
	v9 =	vld [tilespmem:s17+$0xCA80];
	v15 =	vadd.f32 v15, v16  }
0x153: {  	v11 =	vadd.f32 v11, v12;
	v12 =	vld [tilespmem:s17+$0x3E00]  }
0x154: {  	v7 =	vadd.f32 v7, v8;
	v8 =	vld [tilespmem:s17+$0xCB00];
	v14 =	vadd.f32 v14, v15  }
0x155: {  	v10 =	vadd.f32 v10, v11;
	v11 =	vld [tilespmem:s17+$0x3E80]  }
0x156: {  	v6 =	vadd.f32 v6, v7;
	v7 =	vld [tilespmem:s17+$0xCB80];
	v13 =	vadd.f32 v13, v14  }
0x157: {  	v9 =	vadd.f32 v9, v10;
	v10 =	vld [tilespmem:s17+$0x3F00]  }
0x158: {  	v5 =	vadd.f32 v5, v6;
	v6 =	vld [tilespmem:s17+$0xDC00];
	v12 =	vadd.f32 v12, v13  }
0x159: {  	v8 =	vadd.f32 v8, v9;
	v9 =	vld [tilespmem:s17+$0x3F80]  }
0x15a: {  	v4 =	vadd.f32 v4, v5;
	v5 =	vld [tilespmem:s17+$0xDC80];
	v11 =	vadd.f32 v11, v12  }
0x15b: {  	v7 =	vadd.f32 v7, v8;
	v8 =	vld [tilespmem:s17+$0x8D00]  }
0x15c: {  	v3 =	vadd.f32 v3, v4;
	v4 =	vld [tilespmem:s17+$0xDD00];
	v10 =	vadd.f32 v10, v11  }
0x15d: {  	v6 =	vadd.f32 v6, v7;
	v7 =	vld [tilespmem:s17+$0x8D80]  }
0x15e: {  	v2 =	vadd.f32 v2, v3;
	v3 =	vld [tilespmem:s17+$0xDD80];
	v9 =	vadd.f32 v9, v10  }
0x15f: {  	v5 =	vadd.f32 v5, v6;
	v6 =	vld [tilespmem:s17+$0x8E00]  }
.Ltmp5:
0x160: {  	v2 =	vadd.f32 v8, v2;
	v15 =	vld [tilespmem:s17+$0xDE00];
	v8 =	vadd.f32 $1.000000020e-16, v9;
	(pc) =	sbr.rel @p4 .LBB2_6-.Ltmp5, $4  }
0x161: {  	v4 =	vadd.f32 v4, v5;
	v14 =	vld [tilespmem:s17+$0x8E80]  }
0x162: {  	v2 =	vadd.f32 v7, v2;
	v10 =	vld [tilespmem:s17+$0xDE80];
	(erf) = vrcp.f32 v8  }
0x163: {  	v18 =	vadd.f32 v3, v4;
	v11 =	vld [tilespmem:s17+$0x8F00]  }
0x164: {  	s21 =	sadd.s32 $0x80, s21;
	v17 =	vadd.f32 v6, v2;
	v13 =	vld [tilespmem:s17+$0xDF00]  }
.Ltmp6:
0x165: {  	(pc) =	sbr.rel .LBB2_8-.Ltmp6, $2  }
0x166: {  	_ =	sdelay $0x2  }
0x167: {  	s18 =	smov.u32 s17  }
.LBB2_5:
.Ltmp7:
0x168: {  	(pc) =	sbr.rel .LBB2_8-.Ltmp7, $2  }
0x169: {  	_ =	sdelay $0x2  }
0x16a: {  	s18 =	smov.u32 s17;
	s19 =	simm.s32 $0x0  }
.LBB2_10:
0x16b: {  	_ =	sfence.sel $0x180000  }
0x16c: {  	[bflag:$0x0] =	sbarrier.arrive $0xFFFF  }
0x16d: {  	p0 =	sne.s32 s0, $0x0;
	_ =	strace $0x9000004A  }
0x16e: {  	s0 =	sadd.s32 @!p0 $0x100000, s1;
	[bflag:$0x2] =	sbarrier.arrive $0xFFFF  }
0x16f: {  	[sflag:s0] =	ssyncadd.tile.s32 @!p0 $0x1;
	_ =	shalt  }
.Lfunc_end2:
_tile_overlayer_lowered:
.L_overlay_start_2:
0x170: {  	(tag) =	ssettag $0x2  }
0x171: {  	s0 =	rddreg [dreg:$0x0];
	s2 =	stileid.u32  }
0x172: {  	s1 =	rddreg [dreg:$0x1];
	p0 =	sne.s32 s2, $0x0  }
0x173: {  	s3 =	rddreg [dreg:$0x2];
	[bflag:$0x3] =	sbarrier.arrive $0xFFFF;
	s2 =	simm.s32 @!p0 $0x1C01  }
0x174: {  	[timem:s3], [sflag:s2] =	dma.local @!p0 [hbm:s0], s1  }
0x175: {  	s0 =	simm.s32 @!p0 $0x1  }
0x176: {  	_ =	swait.ge @!p0 [sflag:s0], s1  }
0x177: {  	s1 =	ssub.s32 @!p0 $0x0, s1;
	[sflag:s0] =	ssyncset.done @!p0 $0x0  }
0x178: {  	[sflag:s0] =	ssyncadd.s32 @!p0 s1  }
0x179: {  	[bflag:$0x3] =	sbarrier.arrive $0xFFFF  }
0x17a: {  	_ =	shalt  }

</sc_bundles>
